<compile_context>
chip_gen: v7x
topology: tpu7x:2x2x1
jax: 0.10.2.dev20260603
libtpu: 0.0.44.dev20260713+nightly
codegen_flags: <defaults>
</compile_context>

<pallas_src>
import functools

import jax
import jax.numpy as jnp
from jax import lax
from jax.experimental import pallas as pl
from jax.experimental.pallas import tpu as pltpu
from jax.experimental.pallas import tpu_sc as plsc

N = 10000
D = 128
E = 320000

NC = 2
NS = 16
L = 16
NW = NC * NS

NP = 10240
RPT = NP // NS
CHUNK = 96
CPW0 = 128
CPW1 = 82
TCH = NS * (CPW0 + CPW1)
EP = CHUNK * TCH


def _tc_front(h_ref, wfc_ref, wattn_ref, z_ref, s_ref, t_ref, m_ref):
    z = lax.dot_general(h_ref[...], wfc_ref[...], (((1,), (1,)), ((), ())),
                        preferred_element_type=jnp.float32)
    z_ref[...] = z
    att = wattn_ref[...]
    al = att[:, :D]
    ar = att[:, D:]
    s = lax.dot_general(z, al, (((1,), (1,)), ((), ())))
    t = lax.dot_general(z, ar, (((1,), (1,)), ((), ())))
    s_ref[...] = s
    t_ref[...] = t
    m = jnp.max(s) + jnp.max(t)
    m_ref[...] = jnp.full((1, 128), m, dtype=jnp.float32)


def _sc_edges(z_hbm, e2_hbm, s_hbm, t_hbm, m_hbm,
              acc_out, den_out,
              s_v, t_v, m_v,
              rows, exb, ev, srcb, dstb, gsrc,
              zbuf, acc_s, den_s,
              gsem, ssem, isem, dsem):
    cid = lax.axis_index("c")
    sid = lax.axis_index("s")
    mycpw = jnp.where(cid == 0, CPW0, CPW1)
    rec0 = jnp.where(cid == 0, sid * CPW0, NS * CPW0 + sid * CPW1)

    pltpu.sync_copy(s_hbm, s_v)
    pltpu.sync_copy(t_hbm, t_v)
    pltpu.sync_copy(m_hbm.at[pl.ds(0, L)], m_v)

    zeros = jnp.zeros((L,), jnp.float32)

    def _zrow(i, c):
        for cc in range(D // L):
            rows[0, i, pl.ds(cc * L, L)] = zeros
        return c
    lax.fori_loop(0, 64, _zrow, 0)

    def _zbuf(i, c):
        zbuf[pl.ds(i * L, L)] = zeros
        return c
    lax.fori_loop(0, RPT // L, _zbuf, 0)

    def _zacc(k, c):
        pltpu.sync_copy(rows.at[0, pl.ds(0, 64), :],
                        acc_s.at[pl.ds(sid * RPT + k * 64, 64), :])
        return c
    lax.fori_loop(0, RPT // 64, _zacc, 0)
    pltpu.sync_copy(zbuf, den_s.at[pl.ds(sid * RPT, RPT)])
    plsc.subcore_barrier()

    m_vec = m_v[...]

    def _idx_copy(eref, dref):
        for g in range(CHUNK // L):
            dref[pl.ds(g * L, L)] = eref[pl.ds(g * L, L)]

    def _compute(b):
        for g in range(CHUNK // L):
            sidx = srcb[pl.ds(g * L, L)]
            didx = dstb[b, pl.ds(g * L, L)]
            sv = plsc.load_gather(s_v, [sidx])
            tv = plsc.load_gather(t_v, [didx])
            e = sv + tv
            e = jnp.where(e > 0, e, e * jnp.float32(0.01))
            exb[b, pl.ds(g * L, L)] = jnp.exp(e - m_vec)

        def _scale(jj, cc):
            for u in range(4):
                j = jj * 4 + u
                exs = plsc.load_gather(
                    exb.at[b], [jnp.full((L,), j, jnp.int32)])
                for q in range(D // L):
                    rows[b, j, pl.ds(q * L, L)] = (
                        rows[b, j, pl.ds(q * L, L)] * exs)
            return cc
        lax.fori_loop(0, CHUNK // 4, _scale, 0)

    def _idx_issue(c):
        pltpu.async_copy(e2_hbm.at[rec0 + c], ev.at[c & 1], isem)

    def _idx_wait(c):
        pltpu.make_async_copy(e2_hbm.at[rec0 + c], ev.at[c & 1],
                              isem).wait()

    H = CHUNK // 2

    def _gather_issue(c):
        b = c & 1
        _idx_copy(ev.at[b, 0], gsrc)
        pltpu.async_copy(z_hbm.at[gsrc.at[pl.ds(0, H)]],
                         rows.at[b, pl.ds(0, H)], gsem)
        pltpu.async_copy(z_hbm.at[gsrc.at[pl.ds(H, H)]],
                         rows.at[b, pl.ds(H, H)], gsem)

    def _gather_wait(c):
        b = c & 1
        pltpu.make_async_copy(z_hbm.at[gsrc.at[pl.ds(0, H)]],
                              rows.at[b, pl.ds(0, H)], gsem).wait()
        pltpu.make_async_copy(z_hbm.at[gsrc.at[pl.ds(H, H)]],
                              rows.at[b, pl.ds(H, H)], gsem).wait()

    _idx_issue(0)
    _idx_wait(0)
    _gather_issue(0)
    _idx_issue(1)

    def _chunk(c, carry):
        b = c & 1
        _gather_wait(c)
        _idx_copy(ev.at[b, 0], srcb)
        _idx_copy(ev.at[b, 1], dstb.at[b])
        _compute(b)
        pltpu.async_copy(exb.at[b], den_s.at[dstb.at[b]], dsem, add=True)
        pltpu.async_copy(rows.at[b], acc_s.at[dstb.at[b]], ssem, add=True)

        @pl.when(c + 1 < mycpw)
        def _prefetch():
            _idx_wait(c + 1)

            @pl.when(c > 0)
            def _drain():
                nb = 1 - b
                pltpu.make_async_copy(rows.at[nb], acc_s.at[dstb.at[nb]],
                                      ssem).wait()
                pltpu.make_async_copy(exb.at[nb], den_s.at[dstb.at[nb]],
                                      dsem).wait()
            _gather_issue(c + 1)

            @pl.when(c + 2 < mycpw)
            def _issue():
                _idx_issue(c + 2)
        return carry
    lax.fori_loop(0, mycpw, _chunk, 0)

    for bb in range(2):
        pltpu.make_async_copy(rows.at[bb], acc_s.at[dstb.at[bb]],
                              ssem).wait()
        pltpu.make_async_copy(exb.at[bb], den_s.at[dstb.at[bb]],
                              dsem).wait()
    plsc.subcore_barrier()

    pltpu.sync_copy(acc_s.at[pl.ds(sid * RPT, RPT), :],
                    acc_out.at[cid, pl.ds(sid * RPT, RPT), :])
    pltpu.sync_copy(den_s.at[pl.ds(sid * RPT, RPT)],
                    den_out.at[cid, pl.ds(sid * RPT, RPT)])


_sc_edges_call = functools.partial(
    pl.kernel,
    out_type=[
        jax.ShapeDtypeStruct((NC, NP, D), jnp.float32),
        jax.ShapeDtypeStruct((NC, NP), jnp.float32),
    ],
    mesh=plsc.VectorSubcoreMesh(core_axis_name="c", subcore_axis_name="s",
                                num_cores=NC, num_subcores=NS),
    compiler_params=pltpu.CompilerParams(needs_layout_passes=False),
    scratch_types=[
        pltpu.VMEM((NP,), jnp.float32),
        pltpu.VMEM((NP,), jnp.float32),
        pltpu.VMEM((L,), jnp.float32),
        pltpu.VMEM((2, CHUNK, D), jnp.float32),
        pltpu.VMEM((2, CHUNK), jnp.float32),
        pltpu.VMEM((2, 2, CHUNK), jnp.int32),
        pltpu.VMEM((CHUNK,), jnp.int32),
        pltpu.VMEM((2, CHUNK), jnp.int32),
        pltpu.VMEM((CHUNK,), jnp.int32),
        pltpu.VMEM((RPT,), jnp.float32),
        pltpu.VMEM_SHARED((NP, D), jnp.float32),
        pltpu.VMEM_SHARED((NP,), jnp.float32),
        pltpu.SemaphoreType.DMA,
        pltpu.SemaphoreType.DMA,
        pltpu.SemaphoreType.DMA,
        pltpu.SemaphoreType.DMA,
    ],
)(_sc_edges)


def _tc_combine(acc_ref, den_ref, o_ref):
    a = acc_ref[0] + acc_ref[1]
    d = den_ref[:, 0:1] + den_ref[:, 1:2]
    d = jnp.where(d > 0, d, jnp.float32(1.0))
    o_ref[...] = a / d


@jax.jit
def kernel(h, edge_index, W_fc, W_attn):
    h_pad = jnp.pad(h, ((0, NP - N), (0, 0)))
    z, s2, t2, m2 = pl.pallas_call(
        _tc_front,
        out_shape=[
            jax.ShapeDtypeStruct((NP, D), jnp.float32),
            jax.ShapeDtypeStruct((NP, 1), jnp.float32),
            jax.ShapeDtypeStruct((NP, 1), jnp.float32),
            jax.ShapeDtypeStruct((1, 128), jnp.float32),
        ],
    )(h_pad, W_fc, W_attn)

    src = jnp.concatenate(
        [edge_index[0], jnp.zeros((EP - E,), jnp.int32)])
    dst = jnp.concatenate(
        [edge_index[1], jnp.full((EP - E,), N, jnp.int32)])
    e2 = jnp.stack(
        [src.reshape(TCH, CHUNK), dst.reshape(TCH, CHUNK)],
        axis=1)

    acc, den = _sc_edges_call(z, e2, s2[:, 0], t2[:, 0], m2[0])

    out = pl.pallas_call(
        _tc_combine,
        out_shape=jax.ShapeDtypeStruct((NP, D), jnp.float32),
    )(acc, den.T)
    return out[:N]

# --- scband reference (transcript-rebuilt; emitter-appended) ---
"""Pipeline reference for scband-gatlayer-420906795779 (READ-ONLY COPY).

The authoritative reference and input builder live on the scoring server;
editing this copy changes nothing except your own understanding.
"""

import jax, jax.numpy as jnp
import numpy as np

N = 10000
E = 320000
IN_DIM = 128
OUT_DIM = 128


def setup_inputs(seed: int = 0) -> dict:
    key = jax.random.key(seed)
    k1, k2, k3, k4 = jax.random.split(key, 4)
    h = jax.random.normal(k1, (N, IN_DIM), dtype=jnp.float32)
    edge_index = jax.random.randint(k2, (2, E), 0, N, dtype=jnp.int32)
    gain = np.sqrt(2.0)  # calculate_gain('relu')
    std_fc = gain * np.sqrt(2.0 / (IN_DIM + OUT_DIM))
    W_fc = jax.random.normal(k3, (OUT_DIM, IN_DIM), dtype=jnp.float32) * std_fc
    std_attn = gain * np.sqrt(2.0 / (2 * OUT_DIM + 1))
    W_attn = jax.random.normal(k4, (1, 2 * OUT_DIM), dtype=jnp.float32) * std_attn
    return {"h": h, "edge_index": edge_index, "W_fc": W_fc, "W_attn": W_attn}


def reference(h, edge_index, W_fc, W_attn):
    # z = fc(h)
    z = h @ W_fc.T  # [N, OUT_DIM]
    src = edge_index[0]
    dst = edge_index[1]
    # edge_attention: leaky_relu(attn_fc(cat(z_src, z_dst)))
    z2 = jnp.concatenate([z[src], z[dst]], axis=1)  # [E, 2*OUT_DIM]
    e = z2 @ W_attn.T  # [E, 1]
    e = jnp.where(e > 0, e, 0.01 * e)  # F.leaky_relu default slope 0.01
    e = e[:, 0]
    # softmax over incoming edges per destination node
    m = jax.ops.segment_max(e, dst, num_segments=N)
    m = jnp.where(jnp.isfinite(m), m, 0.0)  # nodes with no in-edges
    ex = jnp.exp(e - m[dst])
    den = jax.ops.segment_sum(ex, dst, num_segments=N)
    den_safe = jnp.where(den > 0, den, 1.0)
    alpha = ex / den_safe[dst]
    # weighted sum of source messages per destination
    h_out = jax.ops.segment_sum(alpha[:, None] * z[src], dst, num_segments=N)
    return h_out

if __name__ == "__main__":
    import jax
    _d = setup_inputs()
    print(jax.jit(kernel)(*tuple(_d.values())))

</pallas_src>

<mosaic_0001>
#map = affine_map<(d0, d1) -> (0, 0)>
#map1 = affine_map<(d0, d1) -> (0, 0, 0)>
#map2 = affine_map<(d0, d1) -> (0)>
module attributes {stable_mosaic.version = 14 : i64} {
  func.func @_sc_edges(%arg0: i32, %arg1: i32, %arg2: memref<10240x128xf32, #tpu.memory_space<hbm>>, %arg3: memref<3360x2x96xi32, #tpu.memory_space<hbm>>, %arg4: memref<10240xf32, #tpu.memory_space<hbm>>, %arg5: memref<10240xf32, #tpu.memory_space<hbm>>, %arg6: memref<128xf32, #tpu.memory_space<hbm>>, %arg7: memref<2x10240x128xf32, #tpu.memory_space<hbm>>, %arg8: memref<2x10240xf32, #tpu.memory_space<hbm>>, %arg9: memref<10240xf32, #tpu.memory_space<vmem>>, %arg10: memref<10240xf32, #tpu.memory_space<vmem>>, %arg11: memref<16xf32, #tpu.memory_space<vmem>>, %arg12: memref<2x96x128xf32, #tpu.memory_space<vmem>>, %arg13: memref<2x96xf32, #tpu.memory_space<vmem>>, %arg14: memref<2x2x96xi32, #tpu.memory_space<vmem>>, %arg15: memref<96xi32, #tpu.memory_space<vmem>>, %arg16: memref<2x96xi32, #tpu.memory_space<vmem>>, %arg17: memref<96xi32, #tpu.memory_space<vmem>>, %arg18: memref<640xf32, #tpu.memory_space<vmem>>, %arg19: memref<10240x128xf32, #tpu.memory_space<vmem_shared>>, %arg20: memref<10240xf32, #tpu.memory_space<vmem_shared>>, %arg21: memref<!tpu.dma_semaphore, #tpu.memory_space<semaphore_mem>>, %arg22: memref<!tpu.dma_semaphore, #tpu.memory_space<semaphore_mem>>, %arg23: memref<!tpu.dma_semaphore, #tpu.memory_space<semaphore_mem>>, %arg24: memref<!tpu.dma_semaphore, #tpu.memory_space<semaphore_mem>>) attributes {dimension_semantics = [#tpu.dimension_semantics<core_parallel>, #tpu.dimension_semantics<subcore_parallel>], iteration_bounds = array<i64: 2, 16>, scalar_prefetch = 0 : i64, scratch_operands = 16 : i64, tpu.core_type = #tpu.core_type<sc_vector_subcore>, window_params = [{transform_indices = #map}, {transform_indices = #map1}, {transform_indices = #map2}, {transform_indices = #map2}, {transform_indices = #map2}, {transform_indices = #map1}, {transform_indices = #map}]} {
    %eq3A = arith.constant 0 : i32
    %eq3A_0 = arith.cmpi eq, %arg0, %eq3A : i32
    %jit3A = arith.constant 128 : i32
    %jit3A_1 = arith.constant 82 : i32
    %select_n3A = arith.select %eq3A_0, %jit3A, %jit3A_1 : i32
    %eq3A_2 = arith.constant 0 : i32
    %eq3A_3 = arith.cmpi eq, %arg0, %eq3A_2 : i32
    %mul3A = arith.constant 128 : i32
    %mul3A_4 = arith.muli %arg1, %mul3A : i32
    %mul3A_5 = arith.constant 82 : i32
    %mul3A_6 = arith.muli %arg1, %mul3A_5 : i32
    %add3A = arith.constant 2048 : i32
    %add3A_7 = arith.addi %add3A, %mul3A_6 : i32
    %select_n3A_8 = arith.select %eq3A_3, %mul3A_4, %add3A_7 : i32
    "tpu.region"() ({
      %run_scoped3A = tpu.sem_alloc : memref<!tpu.dma_semaphore, #tpu.memory_space<semaphore_mem>>
      tpu.enqueue_dma source(%arg4 : memref<10240xf32, #tpu.memory_space<hbm>>) target(%arg9 : memref<10240xf32, #tpu.memory_space<vmem>>) target_semaphore(%run_scoped3A : memref<!tpu.dma_semaphore, #tpu.memory_space<semaphore_mem>>)
      tpu.wait_dma2 semaphore(%run_scoped3A : memref<!tpu.dma_semaphore, #tpu.memory_space<semaphore_mem>>) src(%arg4 : memref<10240xf32, #tpu.memory_space<hbm>>) dst(%arg9 : memref<10240xf32, #tpu.memory_space<vmem>>)
      tpu.yield
    }) : () -> ()
    "tpu.region"() ({
      %run_scoped3A = tpu.sem_alloc : memref<!tpu.dma_semaphore, #tpu.memory_space<semaphore_mem>>
      tpu.enqueue_dma source(%arg5 : memref<10240xf32, #tpu.memory_space<hbm>>) target(%arg10 : memref<10240xf32, #tpu.memory_space<vmem>>) target_semaphore(%run_scoped3A : memref<!tpu.dma_semaphore, #tpu.memory_space<semaphore_mem>>)
      tpu.wait_dma2 semaphore(%run_scoped3A : memref<!tpu.dma_semaphore, #tpu.memory_space<semaphore_mem>>) src(%arg5 : memref<10240xf32, #tpu.memory_space<hbm>>) dst(%arg10 : memref<10240xf32, #tpu.memory_space<vmem>>)
      tpu.yield
    }) : () -> ()
    "tpu.region"() ({
      %run_scoped3A = tpu.sem_alloc : memref<!tpu.dma_semaphore, #tpu.memory_space<semaphore_mem>>
      %dma_start3A_220 = arith.constant 0 : i32
      %dma_start3A_221 = tpu.memref_slice %arg6[%dma_start3A_220] : memref<128xf32, #tpu.memory_space<hbm>> -> memref<16xf32, #tpu.memory_space<hbm>>
      %dma_start3A_222 = arith.constant 0 : i32
      %dma_start3A_223 = tpu.memref_slice %arg6[%dma_start3A_222] : memref<128xf32, #tpu.memory_space<hbm>> -> memref<16xf32, #tpu.memory_space<hbm>>
      tpu.enqueue_dma source(%dma_start3A_223 : memref<16xf32, #tpu.memory_space<hbm>>) target(%arg11 : memref<16xf32, #tpu.memory_space<vmem>>) target_semaphore(%run_scoped3A : memref<!tpu.dma_semaphore, #tpu.memory_space<semaphore_mem>>)
      %dma_wait3A_224 = arith.constant 0 : i32
      %dma_wait3A_225 = tpu.memref_slice %arg6[%dma_wait3A_224] : memref<128xf32, #tpu.memory_space<hbm>> -> memref<16xf32, #tpu.memory_space<hbm>>
      %dma_wait3A_226 = arith.constant 0 : i32
      %dma_wait3A_227 = tpu.memref_slice %arg6[%dma_wait3A_226] : memref<128xf32, #tpu.memory_space<hbm>> -> memref<16xf32, #tpu.memory_space<hbm>>
      tpu.wait_dma2 semaphore(%run_scoped3A : memref<!tpu.dma_semaphore, #tpu.memory_space<semaphore_mem>>) src(%dma_wait3A_227 : memref<16xf32, #tpu.memory_space<hbm>>) dst(%arg11 : memref<16xf32, #tpu.memory_space<vmem>>)
      tpu.yield
    }) : () -> ()
    %broadcast_in_dim3A = arith.constant 0.000000e+00 : f32
    %broadcast_in_dim3A_9 = vector.broadcast %broadcast_in_dim3A : f32 to vector<16xf32>
    %scan3A = arith.constant 0 : i32
    %scan3A_10 = arith.constant 0 : i32
    %scan3A_11 = arith.constant 64 : i32
    %scan3A_12 = arith.addi %scan3A_10, %scan3A_11 : i32
    %scan3A_13 = arith.constant 1 : i32
    scf.for %scan3A_220 = %scan3A_10 to %scan3A_12 step %scan3A_13  : i32 {
      %swap3A_221 = arith.constant 0 : i32
      %swap3A_222 = arith.index_cast %swap3A_221 : i32 to index
      %swap3A_223 = arith.index_cast %scan3A_220 : i32 to index
      %swap3A_224 = arith.constant 0 : index
      %swap3A_225 = tpu.vector_load %arg12[%swap3A_222, %swap3A_223, %swap3A_224] {strides = array<i32>} : memref<2x96x128xf32, #tpu.memory_space<vmem>>, vector<16xf32>,
      tpu.vector_store %arg12[%swap3A_222, %swap3A_223, %swap3A_224], %broadcast_in_dim3A_9 {strides = array<i32>} : memref<2x96x128xf32, #tpu.memory_space<vmem>>, vector<16xf32>,
      %swap3A_226 = arith.constant 0 : i32
      %swap3A_227 = arith.index_cast %swap3A_226 : i32 to index
      %swap3A_228 = arith.index_cast %scan3A_220 : i32 to index
      %swap3A_229 = arith.constant 16 : index
      %swap3A_230 = tpu.vector_load %arg12[%swap3A_227, %swap3A_228, %swap3A_229] {strides = array<i32>} : memref<2x96x128xf32, #tpu.memory_space<vmem>>, vector<16xf32>,
      tpu.vector_store %arg12[%swap3A_227, %swap3A_228, %swap3A_229], %broadcast_in_dim3A_9 {strides = array<i32>} : memref<2x96x128xf32, #tpu.memory_space<vmem>>, vector<16xf32>,
      %swap3A_231 = arith.constant 0 : i32
      %swap3A_232 = arith.index_cast %swap3A_231 : i32 to index
      %swap3A_233 = arith.index_cast %scan3A_220 : i32 to index
      %swap3A_234 = arith.constant 32 : index
      %swap3A_235 = tpu.vector_load %arg12[%swap3A_232, %swap3A_233, %swap3A_234] {strides = array<i32>} : memref<2x96x128xf32, #tpu.memory_space<vmem>>, vector<16xf32>,
      tpu.vector_store %arg12[%swap3A_232, %swap3A_233, %swap3A_234], %broadcast_in_dim3A_9 {strides = array<i32>} : memref<2x96x128xf32, #tpu.memory_space<vmem>>, vector<16xf32>,
      %swap3A_236 = arith.constant 0 : i32
      %swap3A_237 = arith.index_cast %swap3A_236 : i32 to index
      %swap3A_238 = arith.index_cast %scan3A_220 : i32 to index
      %swap3A_239 = arith.constant 48 : index
      %swap3A_240 = tpu.vector_load %arg12[%swap3A_237, %swap3A_238, %swap3A_239] {strides = array<i32>} : memref<2x96x128xf32, #tpu.memory_space<vmem>>, vector<16xf32>,
      tpu.vector_store %arg12[%swap3A_237, %swap3A_238, %swap3A_239], %broadcast_in_dim3A_9 {strides = array<i32>} : memref<2x96x128xf32, #tpu.memory_space<vmem>>, vector<16xf32>,
      %swap3A_241 = arith.constant 0 : i32
      %swap3A_242 = arith.index_cast %swap3A_241 : i32 to index
      %swap3A_243 = arith.index_cast %scan3A_220 : i32 to index
      %swap3A_244 = arith.constant 64 : index
      %swap3A_245 = tpu.vector_load %arg12[%swap3A_242, %swap3A_243, %swap3A_244] {strides = array<i32>} : memref<2x96x128xf32, #tpu.memory_space<vmem>>, vector<16xf32>,
      tpu.vector_store %arg12[%swap3A_242, %swap3A_243, %swap3A_244], %broadcast_in_dim3A_9 {strides = array<i32>} : memref<2x96x128xf32, #tpu.memory_space<vmem>>, vector<16xf32>,
      %swap3A_246 = arith.constant 0 : i32
      %swap3A_247 = arith.index_cast %swap3A_246 : i32 to index
      %swap3A_248 = arith.index_cast %scan3A_220 : i32 to index
      %swap3A_249 = arith.constant 80 : index
      %swap3A_250 = tpu.vector_load %arg12[%swap3A_247, %swap3A_248, %swap3A_249] {strides = array<i32>} : memref<2x96x128xf32, #tpu.memory_space<vmem>>, vector<16xf32>,
      tpu.vector_store %arg12[%swap3A_247, %swap3A_248, %swap3A_249], %broadcast_in_dim3A_9 {strides = array<i32>} : memref<2x96x128xf32, #tpu.memory_space<vmem>>, vector<16xf32>,
      %swap3A_251 = arith.constant 0 : i32
      %swap3A_252 = arith.index_cast %swap3A_251 : i32 to index
      %swap3A_253 = arith.index_cast %scan3A_220 : i32 to index
      %swap3A_254 = arith.constant 96 : index
      %swap3A_255 = tpu.vector_load %arg12[%swap3A_252, %swap3A_253, %swap3A_254] {strides = array<i32>} : memref<2x96x128xf32, #tpu.memory_space<vmem>>, vector<16xf32>,
      tpu.vector_store %arg12[%swap3A_252, %swap3A_253, %swap3A_254], %broadcast_in_dim3A_9 {strides = array<i32>} : memref<2x96x128xf32, #tpu.memory_space<vmem>>, vector<16xf32>,
      %swap3A_256 = arith.constant 0 : i32
      %swap3A_257 = arith.index_cast %swap3A_256 : i32 to index
      %swap3A_258 = arith.index_cast %scan3A_220 : i32 to index
      %swap3A_259 = arith.constant 112 : index
      %swap3A_260 = tpu.vector_load %arg12[%swap3A_257, %swap3A_258, %swap3A_259] {strides = array<i32>} : memref<2x96x128xf32, #tpu.memory_space<vmem>>, vector<16xf32>,
      tpu.vector_store %arg12[%swap3A_257, %swap3A_258, %swap3A_259], %broadcast_in_dim3A_9 {strides = array<i32>} : memref<2x96x128xf32, #tpu.memory_space<vmem>>, vector<16xf32>,
    }
    %scan3A_14 = arith.constant 64 : i32
    %scan3A_15 = arith.constant 0 : i32
    %scan3A_16 = arith.constant 0 : i32
    %scan3A_17 = arith.constant 40 : i32
    %scan3A_18 = arith.addi %scan3A_16, %scan3A_17 : i32
    %scan3A_19 = arith.constant 1 : i32
    scf.for %scan3A_220 = %scan3A_16 to %scan3A_18 step %scan3A_19  : i32 {
      %mul3A_221 = arith.constant 16 : i32
      %mul3A_222 = arith.muli %scan3A_220, %mul3A_221 : i32
      %swap3A_223 = arith.index_cast %mul3A_222 : i32 to index
      %swap3A_224 = tpu.vector_load %arg18[%swap3A_223] {strides = array<i32>} : memref<640xf32, #tpu.memory_space<vmem>>, vector<16xf32>,
      tpu.vector_store %arg18[%swap3A_223], %broadcast_in_dim3A_9 {strides = array<i32>} : memref<640xf32, #tpu.memory_space<vmem>>, vector<16xf32>,
    }
    %scan3A_20 = arith.constant 40 : i32
    %scan3A_21 = arith.constant 0 : i32
    %scan3A_22 = arith.constant 0 : i32
    %scan3A_23 = arith.constant 10 : i32
    %scan3A_24 = arith.addi %scan3A_22, %scan3A_23 : i32
    %scan3A_25 = arith.constant 1 : i32
    scf.for %scan3A_220 = %scan3A_22 to %scan3A_24 step %scan3A_25  : i32 {
      %mul3A_221 = arith.constant 640 : i32
      %mul3A_222 = arith.muli %arg1, %mul3A_221 : i32
      %mul3A_223 = arith.constant 64 : i32
      %mul3A_224 = arith.muli %scan3A_220, %mul3A_223 : i32
      %add3A_225 = arith.addi %mul3A_222, %mul3A_224 : i32
      %run_scoped3A = arith.constant 0 : i32
      "tpu.region"() ({
        %run_scoped3A_226 = tpu.sem_alloc : memref<!tpu.dma_semaphore, #tpu.memory_space<semaphore_mem>>
        %dma_start3A_227 = arith.constant 0 : i32
        %dma_start3A_228 = arith.constant 0 : i32
        %dma_start3A_229 = tpu.memref_slice %arg12[%run_scoped3A, %dma_start3A_227, %dma_start3A_228] : memref<2x96x128xf32, #tpu.memory_space<vmem>> -> memref<1x64x128xf32, #tpu.memory_space<vmem>>
        %dma_start3A_230 = tpu.memref_squeeze %dma_start3A_229 : memref<1x64x128xf32, #tpu.memory_space<vmem>> -> memref<64x128xf32, #tpu.memory_space<vmem>>
        %dma_start3A_231 = arith.constant 0 : i32
        %dma_start3A_232 = tpu.memref_slice %arg19[%add3A_225, %dma_start3A_231] : memref<10240x128xf32, #tpu.memory_space<vmem_shared>> -> memref<64x128xf32, #tpu.memory_space<vmem_shared>>
        %dma_start3A_233 = arith.constant 0 : i32
        %dma_start3A_234 = tpu.memref_slice %arg19[%add3A_225, %dma_start3A_233] : memref<10240x128xf32, #tpu.memory_space<vmem_shared>> -> memref<64x128xf32, #tpu.memory_space<vmem_shared>>
        %dma_start3A_235 = arith.constant 0 : i32
        %dma_start3A_236 = arith.constant 0 : i32
        %dma_start3A_237 = tpu.memref_slice %arg12[%run_scoped3A, %dma_start3A_235, %dma_start3A_236] : memref<2x96x128xf32, #tpu.memory_space<vmem>> -> memref<1x64x128xf32, #tpu.memory_space<vmem>>
        %dma_start3A_238 = tpu.memref_squeeze %dma_start3A_237 : memref<1x64x128xf32, #tpu.memory_space<vmem>> -> memref<64x128xf32, #tpu.memory_space<vmem>>
        tpu.enqueue_dma source(%dma_start3A_238 : memref<64x128xf32, #tpu.memory_space<vmem>>) target(%dma_start3A_234 : memref<64x128xf32, #tpu.memory_space<vmem_shared>>) target_semaphore(%run_scoped3A_226 : memref<!tpu.dma_semaphore, #tpu.memory_space<semaphore_mem>>)
        %dma_wait3A_239 = arith.constant 0 : i32
        %dma_wait3A_240 = arith.constant 0 : i32
        %dma_wait3A_241 = tpu.memref_slice %arg12[%run_scoped3A, %dma_wait3A_239, %dma_wait3A_240] : memref<2x96x128xf32, #tpu.memory_space<vmem>> -> memref<1x64x128xf32, #tpu.memory_space<vmem>>
        %dma_wait3A_242 = tpu.memref_squeeze %dma_wait3A_241 : memref<1x64x128xf32, #tpu.memory_space<vmem>> -> memref<64x128xf32, #tpu.memory_space<vmem>>
        %dma_wait3A_243 = arith.constant 0 : i32
        %dma_wait3A_244 = tpu.memref_slice %arg19[%add3A_225, %dma_wait3A_243] : memref<10240x128xf32, #tpu.memory_space<vmem_shared>> -> memref<64x128xf32, #tpu.memory_space<vmem_shared>>
        %dma_wait3A_245 = arith.constant 0 : i32
        %dma_wait3A_246 = tpu.memref_slice %arg19[%add3A_225, %dma_wait3A_245] : memref<10240x128xf32, #tpu.memory_space<vmem_shared>> -> memref<64x128xf32, #tpu.memory_space<vmem_shared>>
        %dma_wait3A_247 = arith.constant 0 : i32
        %dma_wait3A_248 = arith.constant 0 : i32
        %dma_wait3A_249 = tpu.memref_slice %arg12[%run_scoped3A, %dma_wait3A_247, %dma_wait3A_248] : memref<2x96x128xf32, #tpu.memory_space<vmem>> -> memref<1x64x128xf32, #tpu.memory_space<vmem>>
        %dma_wait3A_250 = tpu.memref_squeeze %dma_wait3A_249 : memref<1x64x128xf32, #tpu.memory_space<vmem>> -> memref<64x128xf32, #tpu.memory_space<vmem>>
        tpu.wait_dma2 semaphore(%run_scoped3A_226 : memref<!tpu.dma_semaphore, #tpu.memory_space<semaphore_mem>>) src(%dma_wait3A_250 : memref<64x128xf32, #tpu.memory_space<vmem>>) dst(%dma_wait3A_246 : memref<64x128xf32, #tpu.memory_space<vmem_shared>>)
        tpu.yield
      }) : () -> ()
    }
    %scan3A_26 = arith.constant 10 : i32
    %mul3A_27 = arith.constant 640 : i32
    %mul3A_28 = arith.muli %arg1, %mul3A_27 : i32
    "tpu.region"() ({
      %run_scoped3A = tpu.sem_alloc : memref<!tpu.dma_semaphore, #tpu.memory_space<semaphore_mem>>
      %dma_start3A_220 = tpu.memref_slice %arg20[%mul3A_28] : memref<10240xf32, #tpu.memory_space<vmem_shared>> -> memref<640xf32, #tpu.memory_space<vmem_shared>>
      %dma_start3A_221 = tpu.memref_slice %arg20[%mul3A_28] : memref<10240xf32, #tpu.memory_space<vmem_shared>> -> memref<640xf32, #tpu.memory_space<vmem_shared>>
      tpu.enqueue_dma source(%arg18 : memref<640xf32, #tpu.memory_space<vmem>>) target(%dma_start3A_221 : memref<640xf32, #tpu.memory_space<vmem_shared>>) target_semaphore(%run_scoped3A : memref<!tpu.dma_semaphore, #tpu.memory_space<semaphore_mem>>)
      %dma_wait3A_222 = tpu.memref_slice %arg20[%mul3A_28] : memref<10240xf32, #tpu.memory_space<vmem_shared>> -> memref<640xf32, #tpu.memory_space<vmem_shared>>
      %dma_wait3A_223 = tpu.memref_slice %arg20[%mul3A_28] : memref<10240xf32, #tpu.memory_space<vmem_shared>> -> memref<640xf32, #tpu.memory_space<vmem_shared>>
      tpu.wait_dma2 semaphore(%run_scoped3A : memref<!tpu.dma_semaphore, #tpu.memory_space<semaphore_mem>>) src(%arg18 : memref<640xf32, #tpu.memory_space<vmem>>) dst(%dma_wait3A_223 : memref<640xf32, #tpu.memory_space<vmem_shared>>)
      tpu.yield
    }) : () -> ()
    %barrier3A = arith.constant 0 : index
    tpu.barrier barrier_id(%barrier3A)
    %get3A = arith.constant 0 : index
    %get3A_29 = tpu.vector_load %arg11[%get3A] {strides = array<i32>} : memref<16xf32, #tpu.memory_space<vmem>>, vector<16xf32>,
    %add3A_30 = arith.constant 0 : i32
    %add3A_31 = arith.addi %select_n3A_8, %add3A_30 : i32
    %dma_start3A = arith.constant 0 : i32
    %dma_start3A_32 = arith.constant 0 : i32
    %dma_start3A_33 = arith.constant 0 : i32
    %dma_start3A_34 = tpu.memref_slice %arg14[%dma_start3A, %dma_start3A_32, %dma_start3A_33] : memref<2x2x96xi32, #tpu.memory_space<vmem>> -> memref<1x2x96xi32, #tpu.memory_space<vmem>>
    %dma_start3A_35 = tpu.memref_squeeze %dma_start3A_34 : memref<1x2x96xi32, #tpu.memory_space<vmem>> -> memref<2x96xi32, #tpu.memory_space<vmem>>
    %dma_start3A_36 = arith.constant 0 : i32
    %dma_start3A_37 = arith.constant 0 : i32
    %dma_start3A_38 = tpu.memref_slice %arg3[%add3A_31, %dma_start3A_36, %dma_start3A_37] : memref<3360x2x96xi32, #tpu.memory_space<hbm>> -> memref<1x2x96xi32, #tpu.memory_space<hbm>>
    %dma_start3A_39 = tpu.memref_squeeze %dma_start3A_38 : memref<1x2x96xi32, #tpu.memory_space<hbm>> -> memref<2x96xi32, #tpu.memory_space<hbm>>
    %dma_start3A_40 = arith.constant 0 : i32
    %dma_start3A_41 = arith.constant 0 : i32
    %dma_start3A_42 = tpu.memref_slice %arg14[%dma_start3A, %dma_start3A_40, %dma_start3A_41] : memref<2x2x96xi32, #tpu.memory_space<vmem>> -> memref<1x2x96xi32, #tpu.memory_space<vmem>>
    %dma_start3A_43 = tpu.memref_squeeze %dma_start3A_42 : memref<1x2x96xi32, #tpu.memory_space<vmem>> -> memref<2x96xi32, #tpu.memory_space<vmem>>
    %dma_start3A_44 = arith.constant 0 : i32
    %dma_start3A_45 = arith.constant 0 : i32
    %dma_start3A_46 = tpu.memref_slice %arg3[%add3A_31, %dma_start3A_44, %dma_start3A_45] : memref<3360x2x96xi32, #tpu.memory_space<hbm>> -> memref<1x2x96xi32, #tpu.memory_space<hbm>>
    %dma_start3A_47 = tpu.memref_squeeze %dma_start3A_46 : memref<1x2x96xi32, #tpu.memory_space<hbm>> -> memref<2x96xi32, #tpu.memory_space<hbm>>
    tpu.enqueue_dma source(%dma_start3A_47 : memref<2x96xi32, #tpu.memory_space<hbm>>) target(%dma_start3A_43 : memref<2x96xi32, #tpu.memory_space<vmem>>) target_semaphore(%arg23 : memref<!tpu.dma_semaphore, #tpu.memory_space<semaphore_mem>>)
    %add3A_48 = arith.constant 0 : i32
    %add3A_49 = arith.addi %select_n3A_8, %add3A_48 : i32
    %dma_wait3A = arith.constant 0 : i32
    %dma_wait3A_50 = arith.constant 0 : i32
    %dma_wait3A_51 = arith.constant 0 : i32
    %dma_wait3A_52 = tpu.memref_slice %arg14[%dma_wait3A, %dma_wait3A_50, %dma_wait3A_51] : memref<2x2x96xi32, #tpu.memory_space<vmem>> -> memref<1x2x96xi32, #tpu.memory_space<vmem>>
    %dma_wait3A_53 = tpu.memref_squeeze %dma_wait3A_52 : memref<1x2x96xi32, #tpu.memory_space<vmem>> -> memref<2x96xi32, #tpu.memory_space<vmem>>
    %dma_wait3A_54 = arith.constant 0 : i32
    %dma_wait3A_55 = arith.constant 0 : i32
    %dma_wait3A_56 = tpu.memref_slice %arg3[%add3A_49, %dma_wait3A_54, %dma_wait3A_55] : memref<3360x2x96xi32, #tpu.memory_space<hbm>> -> memref<1x2x96xi32, #tpu.memory_space<hbm>>
    %dma_wait3A_57 = tpu.memref_squeeze %dma_wait3A_56 : memref<1x2x96xi32, #tpu.memory_space<hbm>> -> memref<2x96xi32, #tpu.memory_space<hbm>>
    %dma_wait3A_58 = arith.constant 0 : i32
    %dma_wait3A_59 = arith.constant 0 : i32
    %dma_wait3A_60 = tpu.memref_slice %arg14[%dma_wait3A, %dma_wait3A_58, %dma_wait3A_59] : memref<2x2x96xi32, #tpu.memory_space<vmem>> -> memref<1x2x96xi32, #tpu.memory_space<vmem>>
    %dma_wait3A_61 = tpu.memref_squeeze %dma_wait3A_60 : memref<1x2x96xi32, #tpu.memory_space<vmem>> -> memref<2x96xi32, #tpu.memory_space<vmem>>
    %dma_wait3A_62 = arith.constant 0 : i32
    %dma_wait3A_63 = arith.constant 0 : i32
    %dma_wait3A_64 = tpu.memref_slice %arg3[%add3A_49, %dma_wait3A_62, %dma_wait3A_63] : memref<3360x2x96xi32, #tpu.memory_space<hbm>> -> memref<1x2x96xi32, #tpu.memory_space<hbm>>
    %dma_wait3A_65 = tpu.memref_squeeze %dma_wait3A_64 : memref<1x2x96xi32, #tpu.memory_space<hbm>> -> memref<2x96xi32, #tpu.memory_space<hbm>>
    tpu.wait_dma2 semaphore(%arg23 : memref<!tpu.dma_semaphore, #tpu.memory_space<semaphore_mem>>) src(%dma_wait3A_65 : memref<2x96xi32, #tpu.memory_space<hbm>>) dst(%dma_wait3A_61 : memref<2x96xi32, #tpu.memory_space<vmem>>)
    %get3A_66 = arith.constant 0 : i32
    %get3A_67 = arith.constant 0 : i32
    %get3A_68 = arith.constant 0 : i32
    %get3A_69 = tpu.memref_slice %arg14[%get3A_66, %get3A_67, %get3A_68] : memref<2x2x96xi32, #tpu.memory_space<vmem>> -> memref<1x1x96xi32, #tpu.memory_space<vmem>>
    %get3A_70 = tpu.memref_squeeze %get3A_69 : memref<1x1x96xi32, #tpu.memory_space<vmem>> -> memref<96xi32, #tpu.memory_space<vmem>>
    %get3A_71 = arith.constant 0 : index
    %get3A_72 = tpu.vector_load %get3A_70[%get3A_71] {strides = array<i32>} : memref<96xi32, #tpu.memory_space<vmem>>, vector<16xi32>,
    %swap3A = arith.constant 0 : index
    %swap3A_73 = tpu.vector_load %arg17[%swap3A] {strides = array<i32>} : memref<96xi32, #tpu.memory_space<vmem>>, vector<16xi32>,
    tpu.vector_store %arg17[%swap3A], %get3A_72 {strides = array<i32>} : memref<96xi32, #tpu.memory_space<vmem>>, vector<16xi32>,
    %get3A_74 = arith.constant 0 : i32
    %get3A_75 = arith.constant 0 : i32
    %get3A_76 = arith.constant 0 : i32
    %get3A_77 = tpu.memref_slice %arg14[%get3A_74, %get3A_75, %get3A_76] : memref<2x2x96xi32, #tpu.memory_space<vmem>> -> memref<1x1x96xi32, #tpu.memory_space<vmem>>
    %get3A_78 = tpu.memref_squeeze %get3A_77 : memref<1x1x96xi32, #tpu.memory_space<vmem>> -> memref<96xi32, #tpu.memory_space<vmem>>
    %get3A_79 = arith.constant 16 : index
    %get3A_80 = tpu.vector_load %get3A_78[%get3A_79] {strides = array<i32>} : memref<96xi32, #tpu.memory_space<vmem>>, vector<16xi32>,
    %swap3A_81 = arith.constant 16 : index
    %swap3A_82 = tpu.vector_load %arg17[%swap3A_81] {strides = array<i32>} : memref<96xi32, #tpu.memory_space<vmem>>, vector<16xi32>,
    tpu.vector_store %arg17[%swap3A_81], %get3A_80 {strides = array<i32>} : memref<96xi32, #tpu.memory_space<vmem>>, vector<16xi32>,
    %get3A_83 = arith.constant 0 : i32
    %get3A_84 = arith.constant 0 : i32
    %get3A_85 = arith.constant 0 : i32
    %get3A_86 = tpu.memref_slice %arg14[%get3A_83, %get3A_84, %get3A_85] : memref<2x2x96xi32, #tpu.memory_space<vmem>> -> memref<1x1x96xi32, #tpu.memory_space<vmem>>
    %get3A_87 = tpu.memref_squeeze %get3A_86 : memref<1x1x96xi32, #tpu.memory_space<vmem>> -> memref<96xi32, #tpu.memory_space<vmem>>
    %get3A_88 = arith.constant 32 : index
    %get3A_89 = tpu.vector_load %get3A_87[%get3A_88] {strides = array<i32>} : memref<96xi32, #tpu.memory_space<vmem>>, vector<16xi32>,
    %swap3A_90 = arith.constant 32 : index
    %swap3A_91 = tpu.vector_load %arg17[%swap3A_90] {strides = array<i32>} : memref<96xi32, #tpu.memory_space<vmem>>, vector<16xi32>,
    tpu.vector_store %arg17[%swap3A_90], %get3A_89 {strides = array<i32>} : memref<96xi32, #tpu.memory_space<vmem>>, vector<16xi32>,
    %get3A_92 = arith.constant 0 : i32
    %get3A_93 = arith.constant 0 : i32
    %get3A_94 = arith.constant 0 : i32
    %get3A_95 = tpu.memref_slice %arg14[%get3A_92, %get3A_93, %get3A_94] : memref<2x2x96xi32, #tpu.memory_space<vmem>> -> memref<1x1x96xi32, #tpu.memory_space<vmem>>
    %get3A_96 = tpu.memref_squeeze %get3A_95 : memref<1x1x96xi32, #tpu.memory_space<vmem>> -> memref<96xi32, #tpu.memory_space<vmem>>
    %get3A_97 = arith.constant 48 : index
    %get3A_98 = tpu.vector_load %get3A_96[%get3A_97] {strides = array<i32>} : memref<96xi32, #tpu.memory_space<vmem>>, vector<16xi32>,
    %swap3A_99 = arith.constant 48 : index
    %swap3A_100 = tpu.vector_load %arg17[%swap3A_99] {strides = array<i32>} : memref<96xi32, #tpu.memory_space<vmem>>, vector<16xi32>,
    tpu.vector_store %arg17[%swap3A_99], %get3A_98 {strides = array<i32>} : memref<96xi32, #tpu.memory_space<vmem>>, vector<16xi32>,
    %get3A_101 = arith.constant 0 : i32
    %get3A_102 = arith.constant 0 : i32
    %get3A_103 = arith.constant 0 : i32
    %get3A_104 = tpu.memref_slice %arg14[%get3A_101, %get3A_102, %get3A_103] : memref<2x2x96xi32, #tpu.memory_space<vmem>> -> memref<1x1x96xi32, #tpu.memory_space<vmem>>
    %get3A_105 = tpu.memref_squeeze %get3A_104 : memref<1x1x96xi32, #tpu.memory_space<vmem>> -> memref<96xi32, #tpu.memory_space<vmem>>
    %get3A_106 = arith.constant 64 : index
    %get3A_107 = tpu.vector_load %get3A_105[%get3A_106] {strides = array<i32>} : memref<96xi32, #tpu.memory_space<vmem>>, vector<16xi32>,
    %swap3A_108 = arith.constant 64 : index
    %swap3A_109 = tpu.vector_load %arg17[%swap3A_108] {strides = array<i32>} : memref<96xi32, #tpu.memory_space<vmem>>, vector<16xi32>,
    tpu.vector_store %arg17[%swap3A_108], %get3A_107 {strides = array<i32>} : memref<96xi32, #tpu.memory_space<vmem>>, vector<16xi32>,
    %get3A_110 = arith.constant 0 : i32
    %get3A_111 = arith.constant 0 : i32
    %get3A_112 = arith.constant 0 : i32
    %get3A_113 = tpu.memref_slice %arg14[%get3A_110, %get3A_111, %get3A_112] : memref<2x2x96xi32, #tpu.memory_space<vmem>> -> memref<1x1x96xi32, #tpu.memory_space<vmem>>
    %get3A_114 = tpu.memref_squeeze %get3A_113 : memref<1x1x96xi32, #tpu.memory_space<vmem>> -> memref<96xi32, #tpu.memory_space<vmem>>
    %get3A_115 = arith.constant 80 : index
    %get3A_116 = tpu.vector_load %get3A_114[%get3A_115] {strides = array<i32>} : memref<96xi32, #tpu.memory_space<vmem>>, vector<16xi32>,
    %swap3A_117 = arith.constant 80 : index
    %swap3A_118 = tpu.vector_load %arg17[%swap3A_117] {strides = array<i32>} : memref<96xi32, #tpu.memory_space<vmem>>, vector<16xi32>,
    tpu.vector_store %arg17[%swap3A_117], %get3A_116 {strides = array<i32>} : memref<96xi32, #tpu.memory_space<vmem>>, vector<16xi32>,
    %dma_start3A_119 = arith.constant 0 : i32
    %dma_start3A_120 = arith.constant 0 : i32
    %dma_start3A_121 = arith.constant 0 : i32
    %dma_start3A_122 = tpu.memref_slice %arg12[%dma_start3A_119, %dma_start3A_120, %dma_start3A_121] : memref<2x96x128xf32, #tpu.memory_space<vmem>> -> memref<1x48x128xf32, #tpu.memory_space<vmem>>
    %dma_start3A_123 = tpu.memref_squeeze %dma_start3A_122 : memref<1x48x128xf32, #tpu.memory_space<vmem>> -> memref<48x128xf32, #tpu.memory_space<vmem>>
    %dma_start3A_124 = arith.constant 0 : i32
    %dma_start3A_125 = tpu.memref_slice %arg17[%dma_start3A_124] : memref<96xi32, #tpu.memory_space<vmem>> -> memref<48xi32, #tpu.memory_space<vmem>>
    %dma_start3A_126 = arith.constant 0 : i32
    %dma_start3A_127 = arith.constant 0 : i32
    %dma_start3A_128 = tpu.memref_slice %arg2[%dma_start3A_126, %dma_start3A_127] : memref<10240x128xf32, #tpu.memory_space<hbm>> -> memref<10240x128xf32, #tpu.memory_space<hbm>>
    tpu.enqueue_indirect_dma source(%dma_start3A_128 : memref<10240x128xf32, #tpu.memory_space<hbm>>) target(%dma_start3A_123 : memref<48x128xf32, #tpu.memory_space<vmem>>) offsets(%dma_start3A_125 : memref<48xi32, #tpu.memory_space<vmem>>) semaphore(%arg21 : memref<!tpu.dma_semaphore, #tpu.memory_space<semaphore_mem>>)
    %dma_start3A_129 = arith.constant 0 : i32
    %dma_start3A_130 = arith.constant 48 : i32
    %dma_start3A_131 = arith.constant 0 : i32
    %dma_start3A_132 = tpu.memref_slice %arg12[%dma_start3A_129, %dma_start3A_130, %dma_start3A_131] : memref<2x96x128xf32, #tpu.memory_space<vmem>> -> memref<1x48x128xf32, #tpu.memory_space<vmem>>
    %dma_start3A_133 = tpu.memref_squeeze %dma_start3A_132 : memref<1x48x128xf32, #tpu.memory_space<vmem>> -> memref<48x128xf32, #tpu.memory_space<vmem>>
    %dma_start3A_134 = arith.constant 48 : i32
    %dma_start3A_135 = tpu.memref_slice %arg17[%dma_start3A_134] : memref<96xi32, #tpu.memory_space<vmem>> -> memref<48xi32, #tpu.memory_space<vmem>>
    %dma_start3A_136 = arith.constant 0 : i32
    %dma_start3A_137 = arith.constant 0 : i32
    %dma_start3A_138 = tpu.memref_slice %arg2[%dma_start3A_136, %dma_start3A_137] : memref<10240x128xf32, #tpu.memory_space<hbm>> -> memref<10240x128xf32, #tpu.memory_space<hbm>>
    tpu.enqueue_indirect_dma source(%dma_start3A_138 : memref<10240x128xf32, #tpu.memory_space<hbm>>) target(%dma_start3A_133 : memref<48x128xf32, #tpu.memory_space<vmem>>) offsets(%dma_start3A_135 : memref<48xi32, #tpu.memory_space<vmem>>) semaphore(%arg21 : memref<!tpu.dma_semaphore, #tpu.memory_space<semaphore_mem>>)
    %add3A_139 = arith.constant 1 : i32
    %add3A_140 = arith.addi %select_n3A_8, %add3A_139 : i32
    %dma_start3A_141 = arith.constant 1 : i32
    %dma_start3A_142 = arith.constant 0 : i32
    %dma_start3A_143 = arith.constant 0 : i32
    %dma_start3A_144 = tpu.memref_slice %arg14[%dma_start3A_141, %dma_start3A_142, %dma_start3A_143] : memref<2x2x96xi32, #tpu.memory_space<vmem>> -> memref<1x2x96xi32, #tpu.memory_space<vmem>>
    %dma_start3A_145 = tpu.memref_squeeze %dma_start3A_144 : memref<1x2x96xi32, #tpu.memory_space<vmem>> -> memref<2x96xi32, #tpu.memory_space<vmem>>
    %dma_start3A_146 = arith.constant 0 : i32
    %dma_start3A_147 = arith.constant 0 : i32
    %dma_start3A_148 = tpu.memref_slice %arg3[%add3A_140, %dma_start3A_146, %dma_start3A_147] : memref<3360x2x96xi32, #tpu.memory_space<hbm>> -> memref<1x2x96xi32, #tpu.memory_space<hbm>>
    %dma_start3A_149 = tpu.memref_squeeze %dma_start3A_148 : memref<1x2x96xi32, #tpu.memory_space<hbm>> -> memref<2x96xi32, #tpu.memory_space<hbm>>
    %dma_start3A_150 = arith.constant 0 : i32
    %dma_start3A_151 = arith.constant 0 : i32
    %dma_start3A_152 = tpu.memref_slice %arg14[%dma_start3A_141, %dma_start3A_150, %dma_start3A_151] : memref<2x2x96xi32, #tpu.memory_space<vmem>> -> memref<1x2x96xi32, #tpu.memory_space<vmem>>
    %dma_start3A_153 = tpu.memref_squeeze %dma_start3A_152 : memref<1x2x96xi32, #tpu.memory_space<vmem>> -> memref<2x96xi32, #tpu.memory_space<vmem>>
    %dma_start3A_154 = arith.constant 0 : i32
    %dma_start3A_155 = arith.constant 0 : i32
    %dma_start3A_156 = tpu.memref_slice %arg3[%add3A_140, %dma_start3A_154, %dma_start3A_155] : memref<3360x2x96xi32, #tpu.memory_space<hbm>> -> memref<1x2x96xi32, #tpu.memory_space<hbm>>
    %dma_start3A_157 = tpu.memref_squeeze %dma_start3A_156 : memref<1x2x96xi32, #tpu.memory_space<hbm>> -> memref<2x96xi32, #tpu.memory_space<hbm>>
    tpu.enqueue_dma source(%dma_start3A_157 : memref<2x96xi32, #tpu.memory_space<hbm>>) target(%dma_start3A_153 : memref<2x96xi32, #tpu.memory_space<vmem>>) target_semaphore(%arg23 : memref<!tpu.dma_semaphore, #tpu.memory_space<semaphore_mem>>)
    %while3A = arith.constant 0 : i32
    %while3A_158 = arith.constant 0 : i32
    %while3A_159 = arith.subi %select_n3A, %while3A_158 : i32
    %while3A_160 = arith.addi %while3A_158, %while3A_159 : i32
    %while3A_161 = arith.constant 1 : i32
    %while3A_162 = arith.divsi %while3A_159, %while3A_161 : i32
    %while3A_163 = arith.muli %while3A_162, %while3A_161 : i32
    %while3A_164 = arith.addi %while3A_158, %while3A_163 : i32
    %while3A_165 = arith.constant 1 : i32
    scf.for %while3A_220 = %while3A_158 to %while3A_164 step %while3A_165  : i32 {
      %and3A = arith.constant 1 : i32
      %and3A_221 = arith.andi %while3A_220, %and3A : i32
      %and3A_222 = arith.constant 1 : i32
      %and3A_223 = arith.andi %while3A_220, %and3A_222 : i32
      %dma_wait3A_224 = arith.constant 0 : i32
      %dma_wait3A_225 = arith.constant 0 : i32
      %dma_wait3A_226 = tpu.memref_slice %arg12[%and3A_223, %dma_wait3A_224, %dma_wait3A_225] : memref<2x96x128xf32, #tpu.memory_space<vmem>> -> memref<1x48x128xf32, #tpu.memory_space<vmem>>
      %dma_wait3A_227 = tpu.memref_squeeze %dma_wait3A_226 : memref<1x48x128xf32, #tpu.memory_space<vmem>> -> memref<48x128xf32, #tpu.memory_space<vmem>>
      %dma_wait3A_228 = arith.constant 0 : i32
      %dma_wait3A_229 = tpu.memref_slice %arg17[%dma_wait3A_228] : memref<96xi32, #tpu.memory_space<vmem>> -> memref<48xi32, #tpu.memory_space<vmem>>
      %dma_wait3A_230 = arith.constant 0 : i32
      %dma_wait3A_231 = arith.constant 0 : i32
      %dma_wait3A_232 = tpu.memref_slice %arg2[%dma_wait3A_230, %dma_wait3A_231] : memref<10240x128xf32, #tpu.memory_space<hbm>> -> memref<10240x128xf32, #tpu.memory_space<hbm>>
      tpu.wait_indirect_dma semaphore(%arg21 : memref<!tpu.dma_semaphore, #tpu.memory_space<semaphore_mem>>) src(%dma_wait3A_232 : memref<10240x128xf32, #tpu.memory_space<hbm>>) dst(%dma_wait3A_227 : memref<48x128xf32, #tpu.memory_space<vmem>>)
      %dma_wait3A_233 = arith.constant 48 : i32
      %dma_wait3A_234 = arith.constant 0 : i32
      %dma_wait3A_235 = tpu.memref_slice %arg12[%and3A_223, %dma_wait3A_233, %dma_wait3A_234] : memref<2x96x128xf32, #tpu.memory_space<vmem>> -> memref<1x48x128xf32, #tpu.memory_space<vmem>>
      %dma_wait3A_236 = tpu.memref_squeeze %dma_wait3A_235 : memref<1x48x128xf32, #tpu.memory_space<vmem>> -> memref<48x128xf32, #tpu.memory_space<vmem>>
      %dma_wait3A_237 = arith.constant 48 : i32
      %dma_wait3A_238 = tpu.memref_slice %arg17[%dma_wait3A_237] : memref<96xi32, #tpu.memory_space<vmem>> -> memref<48xi32, #tpu.memory_space<vmem>>
      %dma_wait3A_239 = arith.constant 0 : i32
      %dma_wait3A_240 = arith.constant 0 : i32
      %dma_wait3A_241 = tpu.memref_slice %arg2[%dma_wait3A_239, %dma_wait3A_240] : memref<10240x128xf32, #tpu.memory_space<hbm>> -> memref<10240x128xf32, #tpu.memory_space<hbm>>
      tpu.wait_indirect_dma semaphore(%arg21 : memref<!tpu.dma_semaphore, #tpu.memory_space<semaphore_mem>>) src(%dma_wait3A_241 : memref<10240x128xf32, #tpu.memory_space<hbm>>) dst(%dma_wait3A_236 : memref<48x128xf32, #tpu.memory_space<vmem>>)
      %get3A_242 = arith.constant 0 : i32
      %get3A_243 = arith.constant 0 : i32
      %get3A_244 = tpu.memref_slice %arg14[%and3A_221, %get3A_242, %get3A_243] : memref<2x2x96xi32, #tpu.memory_space<vmem>> -> memref<1x1x96xi32, #tpu.memory_space<vmem>>
      %get3A_245 = tpu.memref_squeeze %get3A_244 : memref<1x1x96xi32, #tpu.memory_space<vmem>> -> memref<96xi32, #tpu.memory_space<vmem>>
      %get3A_246 = arith.constant 0 : index
      %get3A_247 = tpu.vector_load %get3A_245[%get3A_246] {strides = array<i32>} : memref<96xi32, #tpu.memory_space<vmem>>, vector<16xi32>,
      %swap3A_248 = arith.constant 0 : index
      %swap3A_249 = tpu.vector_load %arg15[%swap3A_248] {strides = array<i32>} : memref<96xi32, #tpu.memory_space<vmem>>, vector<16xi32>,
      tpu.vector_store %arg15[%swap3A_248], %get3A_247 {strides = array<i32>} : memref<96xi32, #tpu.memory_space<vmem>>, vector<16xi32>,
      %get3A_250 = arith.constant 0 : i32
      %get3A_251 = arith.constant 0 : i32
      %get3A_252 = tpu.memref_slice %arg14[%and3A_221, %get3A_250, %get3A_251] : memref<2x2x96xi32, #tpu.memory_space<vmem>> -> memref<1x1x96xi32, #tpu.memory_space<vmem>>
      %get3A_253 = tpu.memref_squeeze %get3A_252 : memref<1x1x96xi32, #tpu.memory_space<vmem>> -> memref<96xi32, #tpu.memory_space<vmem>>
      %get3A_254 = arith.constant 16 : index
      %get3A_255 = tpu.vector_load %get3A_253[%get3A_254] {strides = array<i32>} : memref<96xi32, #tpu.memory_space<vmem>>, vector<16xi32>,
      %swap3A_256 = arith.constant 16 : index
      %swap3A_257 = tpu.vector_load %arg15[%swap3A_256] {strides = array<i32>} : memref<96xi32, #tpu.memory_space<vmem>>, vector<16xi32>,
      tpu.vector_store %arg15[%swap3A_256], %get3A_255 {strides = array<i32>} : memref<96xi32, #tpu.memory_space<vmem>>, vector<16xi32>,
      %get3A_258 = arith.constant 0 : i32
      %get3A_259 = arith.constant 0 : i32
      %get3A_260 = tpu.memref_slice %arg14[%and3A_221, %get3A_258, %get3A_259] : memref<2x2x96xi32, #tpu.memory_space<vmem>> -> memref<1x1x96xi32, #tpu.memory_space<vmem>>
      %get3A_261 = tpu.memref_squeeze %get3A_260 : memref<1x1x96xi32, #tpu.memory_space<vmem>> -> memref<96xi32, #tpu.memory_space<vmem>>
      %get3A_262 = arith.constant 32 : index
      %get3A_263 = tpu.vector_load %get3A_261[%get3A_262] {strides = array<i32>} : memref<96xi32, #tpu.memory_space<vmem>>, vector<16xi32>,
      %swap3A_264 = arith.constant 32 : index
      %swap3A_265 = tpu.vector_load %arg15[%swap3A_264] {strides = array<i32>} : memref<96xi32, #tpu.memory_space<vmem>>, vector<16xi32>,
      tpu.vector_store %arg15[%swap3A_264], %get3A_263 {strides = array<i32>} : memref<96xi32, #tpu.memory_space<vmem>>, vector<16xi32>,
      %get3A_266 = arith.constant 0 : i32
      %get3A_267 = arith.constant 0 : i32
      %get3A_268 = tpu.memref_slice %arg14[%and3A_221, %get3A_266, %get3A_267] : memref<2x2x96xi32, #tpu.memory_space<vmem>> -> memref<1x1x96xi32, #tpu.memory_space<vmem>>
      %get3A_269 = tpu.memref_squeeze %get3A_268 : memref<1x1x96xi32, #tpu.memory_space<vmem>> -> memref<96xi32, #tpu.memory_space<vmem>>
      %get3A_270 = arith.constant 48 : index
      %get3A_271 = tpu.vector_load %get3A_269[%get3A_270] {strides = array<i32>} : memref<96xi32, #tpu.memory_space<vmem>>, vector<16xi32>,
      %swap3A_272 = arith.constant 48 : index
      %swap3A_273 = tpu.vector_load %arg15[%swap3A_272] {strides = array<i32>} : memref<96xi32, #tpu.memory_space<vmem>>, vector<16xi32>,
      tpu.vector_store %arg15[%swap3A_272], %get3A_271 {strides = array<i32>} : memref<96xi32, #tpu.memory_space<vmem>>, vector<16xi32>,
      %get3A_274 = arith.constant 0 : i32
      %get3A_275 = arith.constant 0 : i32
      %get3A_276 = tpu.memref_slice %arg14[%and3A_221, %get3A_274, %get3A_275] : memref<2x2x96xi32, #tpu.memory_space<vmem>> -> memref<1x1x96xi32, #tpu.memory_space<vmem>>
      %get3A_277 = tpu.memref_squeeze %get3A_276 : memref<1x1x96xi32, #tpu.memory_space<vmem>> -> memref<96xi32, #tpu.memory_space<vmem>>
      %get3A_278 = arith.constant 64 : index
      %get3A_279 = tpu.vector_load %get3A_277[%get3A_278] {strides = array<i32>} : memref<96xi32, #tpu.memory_space<vmem>>, vector<16xi32>,
      %swap3A_280 = arith.constant 64 : index
      %swap3A_281 = tpu.vector_load %arg15[%swap3A_280] {strides = array<i32>} : memref<96xi32, #tpu.memory_space<vmem>>, vector<16xi32>,
      tpu.vector_store %arg15[%swap3A_280], %get3A_279 {strides = array<i32>} : memref<96xi32, #tpu.memory_space<vmem>>, vector<16xi32>,
      %get3A_282 = arith.constant 0 : i32
      %get3A_283 = arith.constant 0 : i32
      %get3A_284 = tpu.memref_slice %arg14[%and3A_221, %get3A_282, %get3A_283] : memref<2x2x96xi32, #tpu.memory_space<vmem>> -> memref<1x1x96xi32, #tpu.memory_space<vmem>>
      %get3A_285 = tpu.memref_squeeze %get3A_284 : memref<1x1x96xi32, #tpu.memory_space<vmem>> -> memref<96xi32, #tpu.memory_space<vmem>>
      %get3A_286 = arith.constant 80 : index
      %get3A_287 = tpu.vector_load %get3A_285[%get3A_286] {strides = array<i32>} : memref<96xi32, #tpu.memory_space<vmem>>, vector<16xi32>,
      %swap3A_288 = arith.constant 80 : index
      %swap3A_289 = tpu.vector_load %arg15[%swap3A_288] {strides = array<i32>} : memref<96xi32, #tpu.memory_space<vmem>>, vector<16xi32>,
      tpu.vector_store %arg15[%swap3A_288], %get3A_287 {strides = array<i32>} : memref<96xi32, #tpu.memory_space<vmem>>, vector<16xi32>,
      %get3A_290 = arith.constant 1 : i32
      %get3A_291 = arith.constant 0 : i32
      %get3A_292 = tpu.memref_slice %arg14[%and3A_221, %get3A_290, %get3A_291] : memref<2x2x96xi32, #tpu.memory_space<vmem>> -> memref<1x1x96xi32, #tpu.memory_space<vmem>>
      %get3A_293 = tpu.memref_squeeze %get3A_292 : memref<1x1x96xi32, #tpu.memory_space<vmem>> -> memref<96xi32, #tpu.memory_space<vmem>>
      %get3A_294 = arith.constant 0 : index
      %get3A_295 = tpu.vector_load %get3A_293[%get3A_294] {strides = array<i32>} : memref<96xi32, #tpu.memory_space<vmem>>, vector<16xi32>,
      %swap3A_296 = arith.constant 0 : i32
      %swap3A_297 = tpu.memref_slice %arg16[%and3A_221, %swap3A_296] : memref<2x96xi32, #tpu.memory_space<vmem>> -> memref<1x96xi32, #tpu.memory_space<vmem>>
      %swap3A_298 = tpu.memref_squeeze %swap3A_297 : memref<1x96xi32, #tpu.memory_space<vmem>> -> memref<96xi32, #tpu.memory_space<vmem>>
      %swap3A_299 = arith.constant 0 : index
      %swap3A_300 = tpu.vector_load %swap3A_298[%swap3A_299] {strides = array<i32>} : memref<96xi32, #tpu.memory_space<vmem>>, vector<16xi32>,
      tpu.vector_store %swap3A_298[%swap3A_299], %get3A_295 {strides = array<i32>} : memref<96xi32, #tpu.memory_space<vmem>>, vector<16xi32>,
      %get3A_301 = arith.constant 1 : i32
      %get3A_302 = arith.constant 0 : i32
      %get3A_303 = tpu.memref_slice %arg14[%and3A_221, %get3A_301, %get3A_302] : memref<2x2x96xi32, #tpu.memory_space<vmem>> -> memref<1x1x96xi32, #tpu.memory_space<vmem>>
      %get3A_304 = tpu.memref_squeeze %get3A_303 : memref<1x1x96xi32, #tpu.memory_space<vmem>> -> memref<96xi32, #tpu.memory_space<vmem>>
      %get3A_305 = arith.constant 16 : index
      %get3A_306 = tpu.vector_load %get3A_304[%get3A_305] {strides = array<i32>} : memref<96xi32, #tpu.memory_space<vmem>>, vector<16xi32>,
      %swap3A_307 = arith.constant 0 : i32
      %swap3A_308 = tpu.memref_slice %arg16[%and3A_221, %swap3A_307] : memref<2x96xi32, #tpu.memory_space<vmem>> -> memref<1x96xi32, #tpu.memory_space<vmem>>
      %swap3A_309 = tpu.memref_squeeze %swap3A_308 : memref<1x96xi32, #tpu.memory_space<vmem>> -> memref<96xi32, #tpu.memory_space<vmem>>
      %swap3A_310 = arith.constant 16 : index
      %swap3A_311 = tpu.vector_load %swap3A_309[%swap3A_310] {strides = array<i32>} : memref<96xi32, #tpu.memory_space<vmem>>, vector<16xi32>,
      tpu.vector_store %swap3A_309[%swap3A_310], %get3A_306 {strides = array<i32>} : memref<96xi32, #tpu.memory_space<vmem>>, vector<16xi32>,
      %get3A_312 = arith.constant 1 : i32
      %get3A_313 = arith.constant 0 : i32
      %get3A_314 = tpu.memref_slice %arg14[%and3A_221, %get3A_312, %get3A_313] : memref<2x2x96xi32, #tpu.memory_space<vmem>> -> memref<1x1x96xi32, #tpu.memory_space<vmem>>
      %get3A_315 = tpu.memref_squeeze %get3A_314 : memref<1x1x96xi32, #tpu.memory_space<vmem>> -> memref<96xi32, #tpu.memory_space<vmem>>
      %get3A_316 = arith.constant 32 : index
      %get3A_317 = tpu.vector_load %get3A_315[%get3A_316] {strides = array<i32>} : memref<96xi32, #tpu.memory_space<vmem>>, vector<16xi32>,
      %swap3A_318 = arith.constant 0 : i32
      %swap3A_319 = tpu.memref_slice %arg16[%and3A_221, %swap3A_318] : memref<2x96xi32, #tpu.memory_space<vmem>> -> memref<1x96xi32, #tpu.memory_space<vmem>>
      %swap3A_320 = tpu.memref_squeeze %swap3A_319 : memref<1x96xi32, #tpu.memory_space<vmem>> -> memref<96xi32, #tpu.memory_space<vmem>>
      %swap3A_321 = arith.constant 32 : index
      %swap3A_322 = tpu.vector_load %swap3A_320[%swap3A_321] {strides = array<i32>} : memref<96xi32, #tpu.memory_space<vmem>>, vector<16xi32>,
      tpu.vector_store %swap3A_320[%swap3A_321], %get3A_317 {strides = array<i32>} : memref<96xi32, #tpu.memory_space<vmem>>, vector<16xi32>,
      %get3A_323 = arith.constant 1 : i32
      %get3A_324 = arith.constant 0 : i32
      %get3A_325 = tpu.memref_slice %arg14[%and3A_221, %get3A_323, %get3A_324] : memref<2x2x96xi32, #tpu.memory_space<vmem>> -> memref<1x1x96xi32, #tpu.memory_space<vmem>>
      %get3A_326 = tpu.memref_squeeze %get3A_325 : memref<1x1x96xi32, #tpu.memory_space<vmem>> -> memref<96xi32, #tpu.memory_space<vmem>>
      %get3A_327 = arith.constant 48 : index
      %get3A_328 = tpu.vector_load %get3A_326[%get3A_327] {strides = array<i32>} : memref<96xi32, #tpu.memory_space<vmem>>, vector<16xi32>,
      %swap3A_329 = arith.constant 0 : i32
      %swap3A_330 = tpu.memref_slice %arg16[%and3A_221, %swap3A_329] : memref<2x96xi32, #tpu.memory_space<vmem>> -> memref<1x96xi32, #tpu.memory_space<vmem>>
      %swap3A_331 = tpu.memref_squeeze %swap3A_330 : memref<1x96xi32, #tpu.memory_space<vmem>> -> memref<96xi32, #tpu.memory_space<vmem>>
      %swap3A_332 = arith.constant 48 : index
      %swap3A_333 = tpu.vector_load %swap3A_331[%swap3A_332] {strides = array<i32>} : memref<96xi32, #tpu.memory_space<vmem>>, vector<16xi32>,
      tpu.vector_store %swap3A_331[%swap3A_332], %get3A_328 {strides = array<i32>} : memref<96xi32, #tpu.memory_space<vmem>>, vector<16xi32>,
      %get3A_334 = arith.constant 1 : i32
      %get3A_335 = arith.constant 0 : i32
      %get3A_336 = tpu.memref_slice %arg14[%and3A_221, %get3A_334, %get3A_335] : memref<2x2x96xi32, #tpu.memory_space<vmem>> -> memref<1x1x96xi32, #tpu.memory_space<vmem>>
      %get3A_337 = tpu.memref_squeeze %get3A_336 : memref<1x1x96xi32, #tpu.memory_space<vmem>> -> memref<96xi32, #tpu.memory_space<vmem>>
      %get3A_338 = arith.constant 64 : index
      %get3A_339 = tpu.vector_load %get3A_337[%get3A_338] {strides = array<i32>} : memref<96xi32, #tpu.memory_space<vmem>>, vector<16xi32>,
      %swap3A_340 = arith.constant 0 : i32
      %swap3A_341 = tpu.memref_slice %arg16[%and3A_221, %swap3A_340] : memref<2x96xi32, #tpu.memory_space<vmem>> -> memref<1x96xi32, #tpu.memory_space<vmem>>
      %swap3A_342 = tpu.memref_squeeze %swap3A_341 : memref<1x96xi32, #tpu.memory_space<vmem>> -> memref<96xi32, #tpu.memory_space<vmem>>
      %swap3A_343 = arith.constant 64 : index
      %swap3A_344 = tpu.vector_load %swap3A_342[%swap3A_343] {strides = array<i32>} : memref<96xi32, #tpu.memory_space<vmem>>, vector<16xi32>,
      tpu.vector_store %swap3A_342[%swap3A_343], %get3A_339 {strides = array<i32>} : memref<96xi32, #tpu.memory_space<vmem>>, vector<16xi32>,
      %get3A_345 = arith.constant 1 : i32
      %get3A_346 = arith.constant 0 : i32
      %get3A_347 = tpu.memref_slice %arg14[%and3A_221, %get3A_345, %get3A_346] : memref<2x2x96xi32, #tpu.memory_space<vmem>> -> memref<1x1x96xi32, #tpu.memory_space<vmem>>
      %get3A_348 = tpu.memref_squeeze %get3A_347 : memref<1x1x96xi32, #tpu.memory_space<vmem>> -> memref<96xi32, #tpu.memory_space<vmem>>
      %get3A_349 = arith.constant 80 : index
      %get3A_350 = tpu.vector_load %get3A_348[%get3A_349] {strides = array<i32>} : memref<96xi32, #tpu.memory_space<vmem>>, vector<16xi32>,
      %swap3A_351 = arith.constant 0 : i32
      %swap3A_352 = tpu.memref_slice %arg16[%and3A_221, %swap3A_351] : memref<2x96xi32, #tpu.memory_space<vmem>> -> memref<1x96xi32, #tpu.memory_space<vmem>>
      %swap3A_353 = tpu.memref_squeeze %swap3A_352 : memref<1x96xi32, #tpu.memory_space<vmem>> -> memref<96xi32, #tpu.memory_space<vmem>>
      %swap3A_354 = arith.constant 80 : index
      %swap3A_355 = tpu.vector_load %swap3A_353[%swap3A_354] {strides = array<i32>} : memref<96xi32, #tpu.memory_space<vmem>>, vector<16xi32>,
      tpu.vector_store %swap3A_353[%swap3A_354], %get3A_350 {strides = array<i32>} : memref<96xi32, #tpu.memory_space<vmem>>, vector<16xi32>,
      %get3A_356 = arith.constant 0 : index
      %get3A_357 = tpu.vector_load %arg15[%get3A_356] {strides = array<i32>} : memref<96xi32, #tpu.memory_space<vmem>>, vector<16xi32>,
      %get3A_358 = arith.index_cast %and3A_221 : i32 to index
      %get3A_359 = arith.constant 0 : index
      %get3A_360 = tpu.vector_load %arg16[%get3A_358, %get3A_359] {strides = array<i32>} : memref<2x96xi32, #tpu.memory_space<vmem>>, vector<16xi32>,
      %gather3A = tpu.vector_load_idx %arg9[%get3A_357] : memref<10240xf32, #tpu.memory_space<vmem>>[vector<16xi32>], vector<16xf32>,
      %gather3A_361 = tpu.vector_load_idx %arg10[%get3A_360] : memref<10240xf32, #tpu.memory_space<vmem>>[vector<16xi32>], vector<16xf32>,
      %add3A_362 = arith.addf %gather3A, %gather3A_361 : vector<16xf32>
      %gt3A = arith.constant 0.000000e+00 : f32
      %gt3A_363 = vector.broadcast %gt3A : f32 to vector<16xf32>
      %gt3A_364 = arith.cmpf ogt, %add3A_362, %gt3A_363 : vector<16xf32>
      %mul3A_365 = arith.constant 0.00999999977 : f32
      %mul3A_366 = vector.broadcast %mul3A_365 : f32 to vector<16xf32>
      %mul3A_367 = arith.mulf %add3A_362, %mul3A_366 : vector<16xf32>
      %select_n3A_368 = arith.select %gt3A_364, %add3A_362, %mul3A_367 : vector<16xi1>, vector<16xf32>
      %sub3A = arith.subf %select_n3A_368, %get3A_29 : vector<16xf32>
      %exp3A = math.exp %sub3A : vector<16xf32>
      %swap3A_369 = arith.index_cast %and3A_221 : i32 to index
      %swap3A_370 = arith.constant 0 : index
      %swap3A_371 = tpu.vector_load %arg13[%swap3A_369, %swap3A_370] {strides = array<i32>} : memref<2x96xf32, #tpu.memory_space<vmem>>, vector<16xf32>,
      tpu.vector_store %arg13[%swap3A_369, %swap3A_370], %exp3A {strides = array<i32>} : memref<2x96xf32, #tpu.memory_space<vmem>>, vector<16xf32>,
      %get3A_372 = arith.constant 16 : index
      %get3A_373 = tpu.vector_load %arg15[%get3A_372] {strides = array<i32>} : memref<96xi32, #tpu.memory_space<vmem>>, vector<16xi32>,
      %get3A_374 = arith.index_cast %and3A_221 : i32 to index
      %get3A_375 = arith.constant 16 : index
      %get3A_376 = tpu.vector_load %arg16[%get3A_374, %get3A_375] {strides = array<i32>} : memref<2x96xi32, #tpu.memory_space<vmem>>, vector<16xi32>,
      %gather3A_377 = tpu.vector_load_idx %arg9[%get3A_373] : memref<10240xf32, #tpu.memory_space<vmem>>[vector<16xi32>], vector<16xf32>,
      %gather3A_378 = tpu.vector_load_idx %arg10[%get3A_376] : memref<10240xf32, #tpu.memory_space<vmem>>[vector<16xi32>], vector<16xf32>,
      %add3A_379 = arith.addf %gather3A_377, %gather3A_378 : vector<16xf32>
      %gt3A_380 = arith.constant 0.000000e+00 : f32
      %gt3A_381 = vector.broadcast %gt3A_380 : f32 to vector<16xf32>
      %gt3A_382 = arith.cmpf ogt, %add3A_379, %gt3A_381 : vector<16xf32>
      %mul3A_383 = arith.constant 0.00999999977 : f32
      %mul3A_384 = vector.broadcast %mul3A_383 : f32 to vector<16xf32>
      %mul3A_385 = arith.mulf %add3A_379, %mul3A_384 : vector<16xf32>
      %select_n3A_386 = arith.select %gt3A_382, %add3A_379, %mul3A_385 : vector<16xi1>, vector<16xf32>
      %sub3A_387 = arith.subf %select_n3A_386, %get3A_29 : vector<16xf32>
      %exp3A_388 = math.exp %sub3A_387 : vector<16xf32>
      %swap3A_389 = arith.index_cast %and3A_221 : i32 to index
      %swap3A_390 = arith.constant 16 : index
      %swap3A_391 = tpu.vector_load %arg13[%swap3A_389, %swap3A_390] {strides = array<i32>} : memref<2x96xf32, #tpu.memory_space<vmem>>, vector<16xf32>,
      tpu.vector_store %arg13[%swap3A_389, %swap3A_390], %exp3A_388 {strides = array<i32>} : memref<2x96xf32, #tpu.memory_space<vmem>>, vector<16xf32>,
      %get3A_392 = arith.constant 32 : index
      %get3A_393 = tpu.vector_load %arg15[%get3A_392] {strides = array<i32>} : memref<96xi32, #tpu.memory_space<vmem>>, vector<16xi32>,
      %get3A_394 = arith.index_cast %and3A_221 : i32 to index
      %get3A_395 = arith.constant 32 : index
      %get3A_396 = tpu.vector_load %arg16[%get3A_394, %get3A_395] {strides = array<i32>} : memref<2x96xi32, #tpu.memory_space<vmem>>, vector<16xi32>,
      %gather3A_397 = tpu.vector_load_idx %arg9[%get3A_393] : memref<10240xf32, #tpu.memory_space<vmem>>[vector<16xi32>], vector<16xf32>,
      %gather3A_398 = tpu.vector_load_idx %arg10[%get3A_396] : memref<10240xf32, #tpu.memory_space<vmem>>[vector<16xi32>], vector<16xf32>,
      %add3A_399 = arith.addf %gather3A_397, %gather3A_398 : vector<16xf32>
      %gt3A_400 = arith.constant 0.000000e+00 : f32
      %gt3A_401 = vector.broadcast %gt3A_400 : f32 to vector<16xf32>
      %gt3A_402 = arith.cmpf ogt, %add3A_399, %gt3A_401 : vector<16xf32>
      %mul3A_403 = arith.constant 0.00999999977 : f32
      %mul3A_404 = vector.broadcast %mul3A_403 : f32 to vector<16xf32>
      %mul3A_405 = arith.mulf %add3A_399, %mul3A_404 : vector<16xf32>
      %select_n3A_406 = arith.select %gt3A_402, %add3A_399, %mul3A_405 : vector<16xi1>, vector<16xf32>
      %sub3A_407 = arith.subf %select_n3A_406, %get3A_29 : vector<16xf32>
      %exp3A_408 = math.exp %sub3A_407 : vector<16xf32>
      %swap3A_409 = arith.index_cast %and3A_221 : i32 to index
      %swap3A_410 = arith.constant 32 : index
      %swap3A_411 = tpu.vector_load %arg13[%swap3A_409, %swap3A_410] {strides = array<i32>} : memref<2x96xf32, #tpu.memory_space<vmem>>, vector<16xf32>,
      tpu.vector_store %arg13[%swap3A_409, %swap3A_410], %exp3A_408 {strides = array<i32>} : memref<2x96xf32, #tpu.memory_space<vmem>>, vector<16xf32>,
      %get3A_412 = arith.constant 48 : index
      %get3A_413 = tpu.vector_load %arg15[%get3A_412] {strides = array<i32>} : memref<96xi32, #tpu.memory_space<vmem>>, vector<16xi32>,
      %get3A_414 = arith.index_cast %and3A_221 : i32 to index
      %get3A_415 = arith.constant 48 : index
      %get3A_416 = tpu.vector_load %arg16[%get3A_414, %get3A_415] {strides = array<i32>} : memref<2x96xi32, #tpu.memory_space<vmem>>, vector<16xi32>,
      %gather3A_417 = tpu.vector_load_idx %arg9[%get3A_413] : memref<10240xf32, #tpu.memory_space<vmem>>[vector<16xi32>], vector<16xf32>,
      %gather3A_418 = tpu.vector_load_idx %arg10[%get3A_416] : memref<10240xf32, #tpu.memory_space<vmem>>[vector<16xi32>], vector<16xf32>,
      %add3A_419 = arith.addf %gather3A_417, %gather3A_418 : vector<16xf32>
      %gt3A_420 = arith.constant 0.000000e+00 : f32
      %gt3A_421 = vector.broadcast %gt3A_420 : f32 to vector<16xf32>
      %gt3A_422 = arith.cmpf ogt, %add3A_419, %gt3A_421 : vector<16xf32>
      %mul3A_423 = arith.constant 0.00999999977 : f32
      %mul3A_424 = vector.broadcast %mul3A_423 : f32 to vector<16xf32>
      %mul3A_425 = arith.mulf %add3A_419, %mul3A_424 : vector<16xf32>
      %select_n3A_426 = arith.select %gt3A_422, %add3A_419, %mul3A_425 : vector<16xi1>, vector<16xf32>
      %sub3A_427 = arith.subf %select_n3A_426, %get3A_29 : vector<16xf32>
      %exp3A_428 = math.exp %sub3A_427 : vector<16xf32>
      %swap3A_429 = arith.index_cast %and3A_221 : i32 to index
      %swap3A_430 = arith.constant 48 : index
      %swap3A_431 = tpu.vector_load %arg13[%swap3A_429, %swap3A_430] {strides = array<i32>} : memref<2x96xf32, #tpu.memory_space<vmem>>, vector<16xf32>,
      tpu.vector_store %arg13[%swap3A_429, %swap3A_430], %exp3A_428 {strides = array<i32>} : memref<2x96xf32, #tpu.memory_space<vmem>>, vector<16xf32>,
      %get3A_432 = arith.constant 64 : index
      %get3A_433 = tpu.vector_load %arg15[%get3A_432] {strides = array<i32>} : memref<96xi32, #tpu.memory_space<vmem>>, vector<16xi32>,
      %get3A_434 = arith.index_cast %and3A_221 : i32 to index
      %get3A_435 = arith.constant 64 : index
      %get3A_436 = tpu.vector_load %arg16[%get3A_434, %get3A_435] {strides = array<i32>} : memref<2x96xi32, #tpu.memory_space<vmem>>, vector<16xi32>,
      %gather3A_437 = tpu.vector_load_idx %arg9[%get3A_433] : memref<10240xf32, #tpu.memory_space<vmem>>[vector<16xi32>], vector<16xf32>,
      %gather3A_438 = tpu.vector_load_idx %arg10[%get3A_436] : memref<10240xf32, #tpu.memory_space<vmem>>[vector<16xi32>], vector<16xf32>,
      %add3A_439 = arith.addf %gather3A_437, %gather3A_438 : vector<16xf32>
      %gt3A_440 = arith.constant 0.000000e+00 : f32
      %gt3A_441 = vector.broadcast %gt3A_440 : f32 to vector<16xf32>
      %gt3A_442 = arith.cmpf ogt, %add3A_439, %gt3A_441 : vector<16xf32>
      %mul3A_443 = arith.constant 0.00999999977 : f32
      %mul3A_444 = vector.broadcast %mul3A_443 : f32 to vector<16xf32>
      %mul3A_445 = arith.mulf %add3A_439, %mul3A_444 : vector<16xf32>
      %select_n3A_446 = arith.select %gt3A_442, %add3A_439, %mul3A_445 : vector<16xi1>, vector<16xf32>
      %sub3A_447 = arith.subf %select_n3A_446, %get3A_29 : vector<16xf32>
      %exp3A_448 = math.exp %sub3A_447 : vector<16xf32>
      %swap3A_449 = arith.index_cast %and3A_221 : i32 to index
      %swap3A_450 = arith.constant 64 : index
      %swap3A_451 = tpu.vector_load %arg13[%swap3A_449, %swap3A_450] {strides = array<i32>} : memref<2x96xf32, #tpu.memory_space<vmem>>, vector<16xf32>,
      tpu.vector_store %arg13[%swap3A_449, %swap3A_450], %exp3A_448 {strides = array<i32>} : memref<2x96xf32, #tpu.memory_space<vmem>>, vector<16xf32>,
      %get3A_452 = arith.constant 80 : index
      %get3A_453 = tpu.vector_load %arg15[%get3A_452] {strides = array<i32>} : memref<96xi32, #tpu.memory_space<vmem>>, vector<16xi32>,
      %get3A_454 = arith.index_cast %and3A_221 : i32 to index
      %get3A_455 = arith.constant 80 : index
      %get3A_456 = tpu.vector_load %arg16[%get3A_454, %get3A_455] {strides = array<i32>} : memref<2x96xi32, #tpu.memory_space<vmem>>, vector<16xi32>,
      %gather3A_457 = tpu.vector_load_idx %arg9[%get3A_453] : memref<10240xf32, #tpu.memory_space<vmem>>[vector<16xi32>], vector<16xf32>,
      %gather3A_458 = tpu.vector_load_idx %arg10[%get3A_456] : memref<10240xf32, #tpu.memory_space<vmem>>[vector<16xi32>], vector<16xf32>,
      %add3A_459 = arith.addf %gather3A_457, %gather3A_458 : vector<16xf32>
      %gt3A_460 = arith.constant 0.000000e+00 : f32
      %gt3A_461 = vector.broadcast %gt3A_460 : f32 to vector<16xf32>
      %gt3A_462 = arith.cmpf ogt, %add3A_459, %gt3A_461 : vector<16xf32>
      %mul3A_463 = arith.constant 0.00999999977 : f32
      %mul3A_464 = vector.broadcast %mul3A_463 : f32 to vector<16xf32>
      %mul3A_465 = arith.mulf %add3A_459, %mul3A_464 : vector<16xf32>
      %select_n3A_466 = arith.select %gt3A_462, %add3A_459, %mul3A_465 : vector<16xi1>, vector<16xf32>
      %sub3A_467 = arith.subf %select_n3A_466, %get3A_29 : vector<16xf32>
      %exp3A_468 = math.exp %sub3A_467 : vector<16xf32>
      %swap3A_469 = arith.index_cast %and3A_221 : i32 to index
      %swap3A_470 = arith.constant 80 : index
      %swap3A_471 = tpu.vector_load %arg13[%swap3A_469, %swap3A_470] {strides = array<i32>} : memref<2x96xf32, #tpu.memory_space<vmem>>, vector<16xf32>,
      tpu.vector_store %arg13[%swap3A_469, %swap3A_470], %exp3A_468 {strides = array<i32>} : memref<2x96xf32, #tpu.memory_space<vmem>>, vector<16xf32>,
      %scan3A_472 = arith.constant 0 : i32
      %scan3A_473 = arith.constant 0 : i32
      %scan3A_474 = arith.constant 24 : i32
      %scan3A_475 = arith.addi %scan3A_473, %scan3A_474 : i32
      %scan3A_476 = arith.constant 1 : i32
      scf.for %scan3A_499 = %scan3A_473 to %scan3A_475 step %scan3A_476  : i32 {
        %mul3A_500 = arith.constant 4 : i32
        %mul3A_501 = arith.muli %scan3A_499, %mul3A_500 : i32
        %add3A_502 = arith.constant 0 : i32
        %add3A_503 = arith.addi %mul3A_501, %add3A_502 : i32
        %broadcast_in_dim3A_504 = vector.broadcast %add3A_503 : i32 to vector<16xi32>
        %gather3A_505 = arith.constant 0 : i32
        %gather3A_506 = tpu.memref_slice %arg13[%and3A_221, %gather3A_505] : memref<2x96xf32, #tpu.memory_space<vmem>> -> memref<1x96xf32, #tpu.memory_space<vmem>>
        %gather3A_507 = tpu.memref_squeeze %gather3A_506 : memref<1x96xf32, #tpu.memory_space<vmem>> -> memref<96xf32, #tpu.memory_space<vmem>>
        %gather3A_508 = tpu.vector_load_idx %gather3A_507[%broadcast_in_dim3A_504] : memref<96xf32, #tpu.memory_space<vmem>>[vector<16xi32>], vector<16xf32>,
        %get3A_509 = arith.index_cast %and3A_221 : i32 to index
        %get3A_510 = arith.index_cast %add3A_503 : i32 to index
        %get3A_511 = arith.constant 0 : index
        %get3A_512 = tpu.vector_load %arg12[%get3A_509, %get3A_510, %get3A_511] {strides = array<i32>} : memref<2x96x128xf32, #tpu.memory_space<vmem>>, vector<16xf32>,
        %mul3A_513 = arith.mulf %get3A_512, %gather3A_508 : vector<16xf32>
        %swap3A_514 = arith.index_cast %and3A_221 : i32 to index
        %swap3A_515 = arith.index_cast %add3A_503 : i32 to index
        %swap3A_516 = arith.constant 0 : index
        %swap3A_517 = tpu.vector_load %arg12[%swap3A_514, %swap3A_515, %swap3A_516] {strides = array<i32>} : memref<2x96x128xf32, #tpu.memory_space<vmem>>, vector<16xf32>,
        tpu.vector_store %arg12[%swap3A_514, %swap3A_515, %swap3A_516], %mul3A_513 {strides = array<i32>} : memref<2x96x128xf32, #tpu.memory_space<vmem>>, vector<16xf32>,
        %get3A_518 = arith.index_cast %and3A_221 : i32 to index
        %get3A_519 = arith.index_cast %add3A_503 : i32 to index
        %get3A_520 = arith.constant 16 : index
        %get3A_521 = tpu.vector_load %arg12[%get3A_518, %get3A_519, %get3A_520] {strides = array<i32>} : memref<2x96x128xf32, #tpu.memory_space<vmem>>, vector<16xf32>,
        %mul3A_522 = arith.mulf %get3A_521, %gather3A_508 : vector<16xf32>
        %swap3A_523 = arith.index_cast %and3A_221 : i32 to index
        %swap3A_524 = arith.index_cast %add3A_503 : i32 to index
        %swap3A_525 = arith.constant 16 : index
        %swap3A_526 = tpu.vector_load %arg12[%swap3A_523, %swap3A_524, %swap3A_525] {strides = array<i32>} : memref<2x96x128xf32, #tpu.memory_space<vmem>>, vector<16xf32>,
        tpu.vector_store %arg12[%swap3A_523, %swap3A_524, %swap3A_525], %mul3A_522 {strides = array<i32>} : memref<2x96x128xf32, #tpu.memory_space<vmem>>, vector<16xf32>,
        %get3A_527 = arith.index_cast %and3A_221 : i32 to index
        %get3A_528 = arith.index_cast %add3A_503 : i32 to index
        %get3A_529 = arith.constant 32 : index
        %get3A_530 = tpu.vector_load %arg12[%get3A_527, %get3A_528, %get3A_529] {strides = array<i32>} : memref<2x96x128xf32, #tpu.memory_space<vmem>>, vector<16xf32>,
        %mul3A_531 = arith.mulf %get3A_530, %gather3A_508 : vector<16xf32>
        %swap3A_532 = arith.index_cast %and3A_221 : i32 to index
        %swap3A_533 = arith.index_cast %add3A_503 : i32 to index
        %swap3A_534 = arith.constant 32 : index
        %swap3A_535 = tpu.vector_load %arg12[%swap3A_532, %swap3A_533, %swap3A_534] {strides = array<i32>} : memref<2x96x128xf32, #tpu.memory_space<vmem>>, vector<16xf32>,
        tpu.vector_store %arg12[%swap3A_532, %swap3A_533, %swap3A_534], %mul3A_531 {strides = array<i32>} : memref<2x96x128xf32, #tpu.memory_space<vmem>>, vector<16xf32>,
        %get3A_536 = arith.index_cast %and3A_221 : i32 to index
        %get3A_537 = arith.index_cast %add3A_503 : i32 to index
        %get3A_538 = arith.constant 48 : index
        %get3A_539 = tpu.vector_load %arg12[%get3A_536, %get3A_537, %get3A_538] {strides = array<i32>} : memref<2x96x128xf32, #tpu.memory_space<vmem>>, vector<16xf32>,
        %mul3A_540 = arith.mulf %get3A_539, %gather3A_508 : vector<16xf32>
        %swap3A_541 = arith.index_cast %and3A_221 : i32 to index
        %swap3A_542 = arith.index_cast %add3A_503 : i32 to index
        %swap3A_543 = arith.constant 48 : index
        %swap3A_544 = tpu.vector_load %arg12[%swap3A_541, %swap3A_542, %swap3A_543] {strides = array<i32>} : memref<2x96x128xf32, #tpu.memory_space<vmem>>, vector<16xf32>,
        tpu.vector_store %arg12[%swap3A_541, %swap3A_542, %swap3A_543], %mul3A_540 {strides = array<i32>} : memref<2x96x128xf32, #tpu.memory_space<vmem>>, vector<16xf32>,
        %get3A_545 = arith.index_cast %and3A_221 : i32 to index
        %get3A_546 = arith.index_cast %add3A_503 : i32 to index
        %get3A_547 = arith.constant 64 : index
        %get3A_548 = tpu.vector_load %arg12[%get3A_545, %get3A_546, %get3A_547] {strides = array<i32>} : memref<2x96x128xf32, #tpu.memory_space<vmem>>, vector<16xf32>,
        %mul3A_549 = arith.mulf %get3A_548, %gather3A_508 : vector<16xf32>
        %swap3A_550 = arith.index_cast %and3A_221 : i32 to index
        %swap3A_551 = arith.index_cast %add3A_503 : i32 to index
        %swap3A_552 = arith.constant 64 : index
        %swap3A_553 = tpu.vector_load %arg12[%swap3A_550, %swap3A_551, %swap3A_552] {strides = array<i32>} : memref<2x96x128xf32, #tpu.memory_space<vmem>>, vector<16xf32>,
        tpu.vector_store %arg12[%swap3A_550, %swap3A_551, %swap3A_552], %mul3A_549 {strides = array<i32>} : memref<2x96x128xf32, #tpu.memory_space<vmem>>, vector<16xf32>,
        %get3A_554 = arith.index_cast %and3A_221 : i32 to index
        %get3A_555 = arith.index_cast %add3A_503 : i32 to index
        %get3A_556 = arith.constant 80 : index
        %get3A_557 = tpu.vector_load %arg12[%get3A_554, %get3A_555, %get3A_556] {strides = array<i32>} : memref<2x96x128xf32, #tpu.memory_space<vmem>>, vector<16xf32>,
        %mul3A_558 = arith.mulf %get3A_557, %gather3A_508 : vector<16xf32>
        %swap3A_559 = arith.index_cast %and3A_221 : i32 to index
        %swap3A_560 = arith.index_cast %add3A_503 : i32 to index
        %swap3A_561 = arith.constant 80 : index
        %swap3A_562 = tpu.vector_load %arg12[%swap3A_559, %swap3A_560, %swap3A_561] {strides = array<i32>} : memref<2x96x128xf32, #tpu.memory_space<vmem>>, vector<16xf32>,
        tpu.vector_store %arg12[%swap3A_559, %swap3A_560, %swap3A_561], %mul3A_558 {strides = array<i32>} : memref<2x96x128xf32, #tpu.memory_space<vmem>>, vector<16xf32>,
        %get3A_563 = arith.index_cast %and3A_221 : i32 to index
        %get3A_564 = arith.index_cast %add3A_503 : i32 to index
        %get3A_565 = arith.constant 96 : index
        %get3A_566 = tpu.vector_load %arg12[%get3A_563, %get3A_564, %get3A_565] {strides = array<i32>} : memref<2x96x128xf32, #tpu.memory_space<vmem>>, vector<16xf32>,
        %mul3A_567 = arith.mulf %get3A_566, %gather3A_508 : vector<16xf32>
        %swap3A_568 = arith.index_cast %and3A_221 : i32 to index
        %swap3A_569 = arith.index_cast %add3A_503 : i32 to index
        %swap3A_570 = arith.constant 96 : index
        %swap3A_571 = tpu.vector_load %arg12[%swap3A_568, %swap3A_569, %swap3A_570] {strides = array<i32>} : memref<2x96x128xf32, #tpu.memory_space<vmem>>, vector<16xf32>,
        tpu.vector_store %arg12[%swap3A_568, %swap3A_569, %swap3A_570], %mul3A_567 {strides = array<i32>} : memref<2x96x128xf32, #tpu.memory_space<vmem>>, vector<16xf32>,
        %get3A_572 = arith.index_cast %and3A_221 : i32 to index
        %get3A_573 = arith.index_cast %add3A_503 : i32 to index
        %get3A_574 = arith.constant 112 : index
        %get3A_575 = tpu.vector_load %arg12[%get3A_572, %get3A_573, %get3A_574] {strides = array<i32>} : memref<2x96x128xf32, #tpu.memory_space<vmem>>, vector<16xf32>,
        %mul3A_576 = arith.mulf %get3A_575, %gather3A_508 : vector<16xf32>
        %swap3A_577 = arith.index_cast %and3A_221 : i32 to index
        %swap3A_578 = arith.index_cast %add3A_503 : i32 to index
        %swap3A_579 = arith.constant 112 : index
        %swap3A_580 = tpu.vector_load %arg12[%swap3A_577, %swap3A_578, %swap3A_579] {strides = array<i32>} : memref<2x96x128xf32, #tpu.memory_space<vmem>>, vector<16xf32>,
        tpu.vector_store %arg12[%swap3A_577, %swap3A_578, %swap3A_579], %mul3A_576 {strides = array<i32>} : memref<2x96x128xf32, #tpu.memory_space<vmem>>, vector<16xf32>,
        %mul3A_581 = arith.constant 4 : i32
        %mul3A_582 = arith.muli %scan3A_499, %mul3A_581 : i32
        %add3A_583 = arith.constant 1 : i32
        %add3A_584 = arith.addi %mul3A_582, %add3A_583 : i32
        %broadcast_in_dim3A_585 = vector.broadcast %add3A_584 : i32 to vector<16xi32>
        %gather3A_586 = arith.constant 0 : i32
        %gather3A_587 = tpu.memref_slice %arg13[%and3A_221, %gather3A_586] : memref<2x96xf32, #tpu.memory_space<vmem>> -> memref<1x96xf32, #tpu.memory_space<vmem>>
        %gather3A_588 = tpu.memref_squeeze %gather3A_587 : memref<1x96xf32, #tpu.memory_space<vmem>> -> memref<96xf32, #tpu.memory_space<vmem>>
        %gather3A_589 = tpu.vector_load_idx %gather3A_588[%broadcast_in_dim3A_585] : memref<96xf32, #tpu.memory_space<vmem>>[vector<16xi32>], vector<16xf32>,
        %get3A_590 = arith.index_cast %and3A_221 : i32 to index
        %get3A_591 = arith.index_cast %add3A_584 : i32 to index
        %get3A_592 = arith.constant 0 : index
        %get3A_593 = tpu.vector_load %arg12[%get3A_590, %get3A_591, %get3A_592] {strides = array<i32>} : memref<2x96x128xf32, #tpu.memory_space<vmem>>, vector<16xf32>,
        %mul3A_594 = arith.mulf %get3A_593, %gather3A_589 : vector<16xf32>
        %swap3A_595 = arith.index_cast %and3A_221 : i32 to index
        %swap3A_596 = arith.index_cast %add3A_584 : i32 to index
        %swap3A_597 = arith.constant 0 : index
        %swap3A_598 = tpu.vector_load %arg12[%swap3A_595, %swap3A_596, %swap3A_597] {strides = array<i32>} : memref<2x96x128xf32, #tpu.memory_space<vmem>>, vector<16xf32>,
        tpu.vector_store %arg12[%swap3A_595, %swap3A_596, %swap3A_597], %mul3A_594 {strides = array<i32>} : memref<2x96x128xf32, #tpu.memory_space<vmem>>, vector<16xf32>,
        %get3A_599 = arith.index_cast %and3A_221 : i32 to index
        %get3A_600 = arith.index_cast %add3A_584 : i32 to index
        %get3A_601 = arith.constant 16 : index
        %get3A_602 = tpu.vector_load %arg12[%get3A_599, %get3A_600, %get3A_601] {strides = array<i32>} : memref<2x96x128xf32, #tpu.memory_space<vmem>>, vector<16xf32>,
        %mul3A_603 = arith.mulf %get3A_602, %gather3A_589 : vector<16xf32>
        %swap3A_604 = arith.index_cast %and3A_221 : i32 to index
        %swap3A_605 = arith.index_cast %add3A_584 : i32 to index
        %swap3A_606 = arith.constant 16 : index
        %swap3A_607 = tpu.vector_load %arg12[%swap3A_604, %swap3A_605, %swap3A_606] {strides = array<i32>} : memref<2x96x128xf32, #tpu.memory_space<vmem>>, vector<16xf32>,
        tpu.vector_store %arg12[%swap3A_604, %swap3A_605, %swap3A_606], %mul3A_603 {strides = array<i32>} : memref<2x96x128xf32, #tpu.memory_space<vmem>>, vector<16xf32>,
        %get3A_608 = arith.index_cast %and3A_221 : i32 to index
        %get3A_609 = arith.index_cast %add3A_584 : i32 to index
        %get3A_610 = arith.constant 32 : index
        %get3A_611 = tpu.vector_load %arg12[%get3A_608, %get3A_609, %get3A_610] {strides = array<i32>} : memref<2x96x128xf32, #tpu.memory_space<vmem>>, vector<16xf32>,
        %mul3A_612 = arith.mulf %get3A_611, %gather3A_589 : vector<16xf32>
        %swap3A_613 = arith.index_cast %and3A_221 : i32 to index
        %swap3A_614 = arith.index_cast %add3A_584 : i32 to index
        %swap3A_615 = arith.constant 32 : index
        %swap3A_616 = tpu.vector_load %arg12[%swap3A_613, %swap3A_614, %swap3A_615] {strides = array<i32>} : memref<2x96x128xf32, #tpu.memory_space<vmem>>, vector<16xf32>,
        tpu.vector_store %arg12[%swap3A_613, %swap3A_614, %swap3A_615], %mul3A_612 {strides = array<i32>} : memref<2x96x128xf32, #tpu.memory_space<vmem>>, vector<16xf32>,
        %get3A_617 = arith.index_cast %and3A_221 : i32 to index
        %get3A_618 = arith.index_cast %add3A_584 : i32 to index
        %get3A_619 = arith.constant 48 : index
        %get3A_620 = tpu.vector_load %arg12[%get3A_617, %get3A_618, %get3A_619] {strides = array<i32>} : memref<2x96x128xf32, #tpu.memory_space<vmem>>, vector<16xf32>,
        %mul3A_621 = arith.mulf %get3A_620, %gather3A_589 : vector<16xf32>
        %swap3A_622 = arith.index_cast %and3A_221 : i32 to index
        %swap3A_623 = arith.index_cast %add3A_584 : i32 to index
        %swap3A_624 = arith.constant 48 : index
        %swap3A_625 = tpu.vector_load %arg12[%swap3A_622, %swap3A_623, %swap3A_624] {strides = array<i32>} : memref<2x96x128xf32, #tpu.memory_space<vmem>>, vector<16xf32>,
        tpu.vector_store %arg12[%swap3A_622, %swap3A_623, %swap3A_624], %mul3A_621 {strides = array<i32>} : memref<2x96x128xf32, #tpu.memory_space<vmem>>, vector<16xf32>,
        %get3A_626 = arith.index_cast %and3A_221 : i32 to index
        %get3A_627 = arith.index_cast %add3A_584 : i32 to index
        %get3A_628 = arith.constant 64 : index
        %get3A_629 = tpu.vector_load %arg12[%get3A_626, %get3A_627, %get3A_628] {strides = array<i32>} : memref<2x96x128xf32, #tpu.memory_space<vmem>>, vector<16xf32>,
        %mul3A_630 = arith.mulf %get3A_629, %gather3A_589 : vector<16xf32>
        %swap3A_631 = arith.index_cast %and3A_221 : i32 to index
        %swap3A_632 = arith.index_cast %add3A_584 : i32 to index
        %swap3A_633 = arith.constant 64 : index
        %swap3A_634 = tpu.vector_load %arg12[%swap3A_631, %swap3A_632, %swap3A_633] {strides = array<i32>} : memref<2x96x128xf32, #tpu.memory_space<vmem>>, vector<16xf32>,
        tpu.vector_store %arg12[%swap3A_631, %swap3A_632, %swap3A_633], %mul3A_630 {strides = array<i32>} : memref<2x96x128xf32, #tpu.memory_space<vmem>>, vector<16xf32>,
        %get3A_635 = arith.index_cast %and3A_221 : i32 to index
        %get3A_636 = arith.index_cast %add3A_584 : i32 to index
        %get3A_637 = arith.constant 80 : index
        %get3A_638 = tpu.vector_load %arg12[%get3A_635, %get3A_636, %get3A_637] {strides = array<i32>} : memref<2x96x128xf32, #tpu.memory_space<vmem>>, vector<16xf32>,
        %mul3A_639 = arith.mulf %get3A_638, %gather3A_589 : vector<16xf32>
        %swap3A_640 = arith.index_cast %and3A_221 : i32 to index
        %swap3A_641 = arith.index_cast %add3A_584 : i32 to index
        %swap3A_642 = arith.constant 80 : index
        %swap3A_643 = tpu.vector_load %arg12[%swap3A_640, %swap3A_641, %swap3A_642] {strides = array<i32>} : memref<2x96x128xf32, #tpu.memory_space<vmem>>, vector<16xf32>,
        tpu.vector_store %arg12[%swap3A_640, %swap3A_641, %swap3A_642], %mul3A_639 {strides = array<i32>} : memref<2x96x128xf32, #tpu.memory_space<vmem>>, vector<16xf32>,
        %get3A_644 = arith.index_cast %and3A_221 : i32 to index
        %get3A_645 = arith.index_cast %add3A_584 : i32 to index
        %get3A_646 = arith.constant 96 : index
        %get3A_647 = tpu.vector_load %arg12[%get3A_644, %get3A_645, %get3A_646] {strides = array<i32>} : memref<2x96x128xf32, #tpu.memory_space<vmem>>, vector<16xf32>,
        %mul3A_648 = arith.mulf %get3A_647, %gather3A_589 : vector<16xf32>
        %swap3A_649 = arith.index_cast %and3A_221 : i32 to index
        %swap3A_650 = arith.index_cast %add3A_584 : i32 to index
        %swap3A_651 = arith.constant 96 : index
        %swap3A_652 = tpu.vector_load %arg12[%swap3A_649, %swap3A_650, %swap3A_651] {strides = array<i32>} : memref<2x96x128xf32, #tpu.memory_space<vmem>>, vector<16xf32>,
        tpu.vector_store %arg12[%swap3A_649, %swap3A_650, %swap3A_651], %mul3A_648 {strides = array<i32>} : memref<2x96x128xf32, #tpu.memory_space<vmem>>, vector<16xf32>,
        %get3A_653 = arith.index_cast %and3A_221 : i32 to index
        %get3A_654 = arith.index_cast %add3A_584 : i32 to index
        %get3A_655 = arith.constant 112 : index
        %get3A_656 = tpu.vector_load %arg12[%get3A_653, %get3A_654, %get3A_655] {strides = array<i32>} : memref<2x96x128xf32, #tpu.memory_space<vmem>>, vector<16xf32>,
        %mul3A_657 = arith.mulf %get3A_656, %gather3A_589 : vector<16xf32>
        %swap3A_658 = arith.index_cast %and3A_221 : i32 to index
        %swap3A_659 = arith.index_cast %add3A_584 : i32 to index
        %swap3A_660 = arith.constant 112 : index
        %swap3A_661 = tpu.vector_load %arg12[%swap3A_658, %swap3A_659, %swap3A_660] {strides = array<i32>} : memref<2x96x128xf32, #tpu.memory_space<vmem>>, vector<16xf32>,
        tpu.vector_store %arg12[%swap3A_658, %swap3A_659, %swap3A_660], %mul3A_657 {strides = array<i32>} : memref<2x96x128xf32, #tpu.memory_space<vmem>>, vector<16xf32>,
        %mul3A_662 = arith.constant 4 : i32
        %mul3A_663 = arith.muli %scan3A_499, %mul3A_662 : i32
        %add3A_664 = arith.constant 2 : i32
        %add3A_665 = arith.addi %mul3A_663, %add3A_664 : i32
        %broadcast_in_dim3A_666 = vector.broadcast %add3A_665 : i32 to vector<16xi32>
        %gather3A_667 = arith.constant 0 : i32
        %gather3A_668 = tpu.memref_slice %arg13[%and3A_221, %gather3A_667] : memref<2x96xf32, #tpu.memory_space<vmem>> -> memref<1x96xf32, #tpu.memory_space<vmem>>
        %gather3A_669 = tpu.memref_squeeze %gather3A_668 : memref<1x96xf32, #tpu.memory_space<vmem>> -> memref<96xf32, #tpu.memory_space<vmem>>
        %gather3A_670 = tpu.vector_load_idx %gather3A_669[%broadcast_in_dim3A_666] : memref<96xf32, #tpu.memory_space<vmem>>[vector<16xi32>], vector<16xf32>,
        %get3A_671 = arith.index_cast %and3A_221 : i32 to index
        %get3A_672 = arith.index_cast %add3A_665 : i32 to index
        %get3A_673 = arith.constant 0 : index
        %get3A_674 = tpu.vector_load %arg12[%get3A_671, %get3A_672, %get3A_673] {strides = array<i32>} : memref<2x96x128xf32, #tpu.memory_space<vmem>>, vector<16xf32>,
        %mul3A_675 = arith.mulf %get3A_674, %gather3A_670 : vector<16xf32>
        %swap3A_676 = arith.index_cast %and3A_221 : i32 to index
        %swap3A_677 = arith.index_cast %add3A_665 : i32 to index
        %swap3A_678 = arith.constant 0 : index
        %swap3A_679 = tpu.vector_load %arg12[%swap3A_676, %swap3A_677, %swap3A_678] {strides = array<i32>} : memref<2x96x128xf32, #tpu.memory_space<vmem>>, vector<16xf32>,
        tpu.vector_store %arg12[%swap3A_676, %swap3A_677, %swap3A_678], %mul3A_675 {strides = array<i32>} : memref<2x96x128xf32, #tpu.memory_space<vmem>>, vector<16xf32>,
        %get3A_680 = arith.index_cast %and3A_221 : i32 to index
        %get3A_681 = arith.index_cast %add3A_665 : i32 to index
        %get3A_682 = arith.constant 16 : index
        %get3A_683 = tpu.vector_load %arg12[%get3A_680, %get3A_681, %get3A_682] {strides = array<i32>} : memref<2x96x128xf32, #tpu.memory_space<vmem>>, vector<16xf32>,
        %mul3A_684 = arith.mulf %get3A_683, %gather3A_670 : vector<16xf32>
        %swap3A_685 = arith.index_cast %and3A_221 : i32 to index
        %swap3A_686 = arith.index_cast %add3A_665 : i32 to index
        %swap3A_687 = arith.constant 16 : index
        %swap3A_688 = tpu.vector_load %arg12[%swap3A_685, %swap3A_686, %swap3A_687] {strides = array<i32>} : memref<2x96x128xf32, #tpu.memory_space<vmem>>, vector<16xf32>,
        tpu.vector_store %arg12[%swap3A_685, %swap3A_686, %swap3A_687], %mul3A_684 {strides = array<i32>} : memref<2x96x128xf32, #tpu.memory_space<vmem>>, vector<16xf32>,
        %get3A_689 = arith.index_cast %and3A_221 : i32 to index
        %get3A_690 = arith.index_cast %add3A_665 : i32 to index
        %get3A_691 = arith.constant 32 : index
        %get3A_692 = tpu.vector_load %arg12[%get3A_689, %get3A_690, %get3A_691] {strides = array<i32>} : memref<2x96x128xf32, #tpu.memory_space<vmem>>, vector<16xf32>,
        %mul3A_693 = arith.mulf %get3A_692, %gather3A_670 : vector<16xf32>
        %swap3A_694 = arith.index_cast %and3A_221 : i32 to index
        %swap3A_695 = arith.index_cast %add3A_665 : i32 to index
        %swap3A_696 = arith.constant 32 : index
        %swap3A_697 = tpu.vector_load %arg12[%swap3A_694, %swap3A_695, %swap3A_696] {strides = array<i32>} : memref<2x96x128xf32, #tpu.memory_space<vmem>>, vector<16xf32>,
        tpu.vector_store %arg12[%swap3A_694, %swap3A_695, %swap3A_696], %mul3A_693 {strides = array<i32>} : memref<2x96x128xf32, #tpu.memory_space<vmem>>, vector<16xf32>,
        %get3A_698 = arith.index_cast %and3A_221 : i32 to index
        %get3A_699 = arith.index_cast %add3A_665 : i32 to index
        %get3A_700 = arith.constant 48 : index
        %get3A_701 = tpu.vector_load %arg12[%get3A_698, %get3A_699, %get3A_700] {strides = array<i32>} : memref<2x96x128xf32, #tpu.memory_space<vmem>>, vector<16xf32>,
        %mul3A_702 = arith.mulf %get3A_701, %gather3A_670 : vector<16xf32>
        %swap3A_703 = arith.index_cast %and3A_221 : i32 to index
        %swap3A_704 = arith.index_cast %add3A_665 : i32 to index
        %swap3A_705 = arith.constant 48 : index
        %swap3A_706 = tpu.vector_load %arg12[%swap3A_703, %swap3A_704, %swap3A_705] {strides = array<i32>} : memref<2x96x128xf32, #tpu.memory_space<vmem>>, vector<16xf32>,
        tpu.vector_store %arg12[%swap3A_703, %swap3A_704, %swap3A_705], %mul3A_702 {strides = array<i32>} : memref<2x96x128xf32, #tpu.memory_space<vmem>>, vector<16xf32>,
        %get3A_707 = arith.index_cast %and3A_221 : i32 to index
        %get3A_708 = arith.index_cast %add3A_665 : i32 to index
        %get3A_709 = arith.constant 64 : index
        %get3A_710 = tpu.vector_load %arg12[%get3A_707, %get3A_708, %get3A_709] {strides = array<i32>} : memref<2x96x128xf32, #tpu.memory_space<vmem>>, vector<16xf32>,
        %mul3A_711 = arith.mulf %get3A_710, %gather3A_670 : vector<16xf32>
        %swap3A_712 = arith.index_cast %and3A_221 : i32 to index
        %swap3A_713 = arith.index_cast %add3A_665 : i32 to index
        %swap3A_714 = arith.constant 64 : index
        %swap3A_715 = tpu.vector_load %arg12[%swap3A_712, %swap3A_713, %swap3A_714] {strides = array<i32>} : memref<2x96x128xf32, #tpu.memory_space<vmem>>, vector<16xf32>,
        tpu.vector_store %arg12[%swap3A_712, %swap3A_713, %swap3A_714], %mul3A_711 {strides = array<i32>} : memref<2x96x128xf32, #tpu.memory_space<vmem>>, vector<16xf32>,
        %get3A_716 = arith.index_cast %and3A_221 : i32 to index
        %get3A_717 = arith.index_cast %add3A_665 : i32 to index
        %get3A_718 = arith.constant 80 : index
        %get3A_719 = tpu.vector_load %arg12[%get3A_716, %get3A_717, %get3A_718] {strides = array<i32>} : memref<2x96x128xf32, #tpu.memory_space<vmem>>, vector<16xf32>,
        %mul3A_720 = arith.mulf %get3A_719, %gather3A_670 : vector<16xf32>
        %swap3A_721 = arith.index_cast %and3A_221 : i32 to index
        %swap3A_722 = arith.index_cast %add3A_665 : i32 to index
        %swap3A_723 = arith.constant 80 : index
        %swap3A_724 = tpu.vector_load %arg12[%swap3A_721, %swap3A_722, %swap3A_723] {strides = array<i32>} : memref<2x96x128xf32, #tpu.memory_space<vmem>>, vector<16xf32>,
        tpu.vector_store %arg12[%swap3A_721, %swap3A_722, %swap3A_723], %mul3A_720 {strides = array<i32>} : memref<2x96x128xf32, #tpu.memory_space<vmem>>, vector<16xf32>,
        %get3A_725 = arith.index_cast %and3A_221 : i32 to index
        %get3A_726 = arith.index_cast %add3A_665 : i32 to index
        %get3A_727 = arith.constant 96 : index
        %get3A_728 = tpu.vector_load %arg12[%get3A_725, %get3A_726, %get3A_727] {strides = array<i32>} : memref<2x96x128xf32, #tpu.memory_space<vmem>>, vector<16xf32>,
        %mul3A_729 = arith.mulf %get3A_728, %gather3A_670 : vector<16xf32>
        %swap3A_730 = arith.index_cast %and3A_221 : i32 to index
        %swap3A_731 = arith.index_cast %add3A_665 : i32 to index
        %swap3A_732 = arith.constant 96 : index
        %swap3A_733 = tpu.vector_load %arg12[%swap3A_730, %swap3A_731, %swap3A_732] {strides = array<i32>} : memref<2x96x128xf32, #tpu.memory_space<vmem>>, vector<16xf32>,
        tpu.vector_store %arg12[%swap3A_730, %swap3A_731, %swap3A_732], %mul3A_729 {strides = array<i32>} : memref<2x96x128xf32, #tpu.memory_space<vmem>>, vector<16xf32>,
        %get3A_734 = arith.index_cast %and3A_221 : i32 to index
        %get3A_735 = arith.index_cast %add3A_665 : i32 to index
        %get3A_736 = arith.constant 112 : index
        %get3A_737 = tpu.vector_load %arg12[%get3A_734, %get3A_735, %get3A_736] {strides = array<i32>} : memref<2x96x128xf32, #tpu.memory_space<vmem>>, vector<16xf32>,
        %mul3A_738 = arith.mulf %get3A_737, %gather3A_670 : vector<16xf32>
        %swap3A_739 = arith.index_cast %and3A_221 : i32 to index
        %swap3A_740 = arith.index_cast %add3A_665 : i32 to index
        %swap3A_741 = arith.constant 112 : index
        %swap3A_742 = tpu.vector_load %arg12[%swap3A_739, %swap3A_740, %swap3A_741] {strides = array<i32>} : memref<2x96x128xf32, #tpu.memory_space<vmem>>, vector<16xf32>,
        tpu.vector_store %arg12[%swap3A_739, %swap3A_740, %swap3A_741], %mul3A_738 {strides = array<i32>} : memref<2x96x128xf32, #tpu.memory_space<vmem>>, vector<16xf32>,
        %mul3A_743 = arith.constant 4 : i32
        %mul3A_744 = arith.muli %scan3A_499, %mul3A_743 : i32
        %add3A_745 = arith.constant 3 : i32
        %add3A_746 = arith.addi %mul3A_744, %add3A_745 : i32
        %broadcast_in_dim3A_747 = vector.broadcast %add3A_746 : i32 to vector<16xi32>
        %gather3A_748 = arith.constant 0 : i32
        %gather3A_749 = tpu.memref_slice %arg13[%and3A_221, %gather3A_748] : memref<2x96xf32, #tpu.memory_space<vmem>> -> memref<1x96xf32, #tpu.memory_space<vmem>>
        %gather3A_750 = tpu.memref_squeeze %gather3A_749 : memref<1x96xf32, #tpu.memory_space<vmem>> -> memref<96xf32, #tpu.memory_space<vmem>>
        %gather3A_751 = tpu.vector_load_idx %gather3A_750[%broadcast_in_dim3A_747] : memref<96xf32, #tpu.memory_space<vmem>>[vector<16xi32>], vector<16xf32>,
        %get3A_752 = arith.index_cast %and3A_221 : i32 to index
        %get3A_753 = arith.index_cast %add3A_746 : i32 to index
        %get3A_754 = arith.constant 0 : index
        %get3A_755 = tpu.vector_load %arg12[%get3A_752, %get3A_753, %get3A_754] {strides = array<i32>} : memref<2x96x128xf32, #tpu.memory_space<vmem>>, vector<16xf32>,
        %mul3A_756 = arith.mulf %get3A_755, %gather3A_751 : vector<16xf32>
        %swap3A_757 = arith.index_cast %and3A_221 : i32 to index
        %swap3A_758 = arith.index_cast %add3A_746 : i32 to index
        %swap3A_759 = arith.constant 0 : index
        %swap3A_760 = tpu.vector_load %arg12[%swap3A_757, %swap3A_758, %swap3A_759] {strides = array<i32>} : memref<2x96x128xf32, #tpu.memory_space<vmem>>, vector<16xf32>,
        tpu.vector_store %arg12[%swap3A_757, %swap3A_758, %swap3A_759], %mul3A_756 {strides = array<i32>} : memref<2x96x128xf32, #tpu.memory_space<vmem>>, vector<16xf32>,
        %get3A_761 = arith.index_cast %and3A_221 : i32 to index
        %get3A_762 = arith.index_cast %add3A_746 : i32 to index
        %get3A_763 = arith.constant 16 : index
        %get3A_764 = tpu.vector_load %arg12[%get3A_761, %get3A_762, %get3A_763] {strides = array<i32>} : memref<2x96x128xf32, #tpu.memory_space<vmem>>, vector<16xf32>,
        %mul3A_765 = arith.mulf %get3A_764, %gather3A_751 : vector<16xf32>
        %swap3A_766 = arith.index_cast %and3A_221 : i32 to index
        %swap3A_767 = arith.index_cast %add3A_746 : i32 to index
        %swap3A_768 = arith.constant 16 : index
        %swap3A_769 = tpu.vector_load %arg12[%swap3A_766, %swap3A_767, %swap3A_768] {strides = array<i32>} : memref<2x96x128xf32, #tpu.memory_space<vmem>>, vector<16xf32>,
        tpu.vector_store %arg12[%swap3A_766, %swap3A_767, %swap3A_768], %mul3A_765 {strides = array<i32>} : memref<2x96x128xf32, #tpu.memory_space<vmem>>, vector<16xf32>,
        %get3A_770 = arith.index_cast %and3A_221 : i32 to index
        %get3A_771 = arith.index_cast %add3A_746 : i32 to index
        %get3A_772 = arith.constant 32 : index
        %get3A_773 = tpu.vector_load %arg12[%get3A_770, %get3A_771, %get3A_772] {strides = array<i32>} : memref<2x96x128xf32, #tpu.memory_space<vmem>>, vector<16xf32>,
        %mul3A_774 = arith.mulf %get3A_773, %gather3A_751 : vector<16xf32>
        %swap3A_775 = arith.index_cast %and3A_221 : i32 to index
        %swap3A_776 = arith.index_cast %add3A_746 : i32 to index
        %swap3A_777 = arith.constant 32 : index
        %swap3A_778 = tpu.vector_load %arg12[%swap3A_775, %swap3A_776, %swap3A_777] {strides = array<i32>} : memref<2x96x128xf32, #tpu.memory_space<vmem>>, vector<16xf32>,
        tpu.vector_store %arg12[%swap3A_775, %swap3A_776, %swap3A_777], %mul3A_774 {strides = array<i32>} : memref<2x96x128xf32, #tpu.memory_space<vmem>>, vector<16xf32>,
        %get3A_779 = arith.index_cast %and3A_221 : i32 to index
        %get3A_780 = arith.index_cast %add3A_746 : i32 to index
        %get3A_781 = arith.constant 48 : index
        %get3A_782 = tpu.vector_load %arg12[%get3A_779, %get3A_780, %get3A_781] {strides = array<i32>} : memref<2x96x128xf32, #tpu.memory_space<vmem>>, vector<16xf32>,
        %mul3A_783 = arith.mulf %get3A_782, %gather3A_751 : vector<16xf32>
        %swap3A_784 = arith.index_cast %and3A_221 : i32 to index
        %swap3A_785 = arith.index_cast %add3A_746 : i32 to index
        %swap3A_786 = arith.constant 48 : index
        %swap3A_787 = tpu.vector_load %arg12[%swap3A_784, %swap3A_785, %swap3A_786] {strides = array<i32>} : memref<2x96x128xf32, #tpu.memory_space<vmem>>, vector<16xf32>,
        tpu.vector_store %arg12[%swap3A_784, %swap3A_785, %swap3A_786], %mul3A_783 {strides = array<i32>} : memref<2x96x128xf32, #tpu.memory_space<vmem>>, vector<16xf32>,
        %get3A_788 = arith.index_cast %and3A_221 : i32 to index
        %get3A_789 = arith.index_cast %add3A_746 : i32 to index
        %get3A_790 = arith.constant 64 : index
        %get3A_791 = tpu.vector_load %arg12[%get3A_788, %get3A_789, %get3A_790] {strides = array<i32>} : memref<2x96x128xf32, #tpu.memory_space<vmem>>, vector<16xf32>,
        %mul3A_792 = arith.mulf %get3A_791, %gather3A_751 : vector<16xf32>
        %swap3A_793 = arith.index_cast %and3A_221 : i32 to index
        %swap3A_794 = arith.index_cast %add3A_746 : i32 to index
        %swap3A_795 = arith.constant 64 : index
        %swap3A_796 = tpu.vector_load %arg12[%swap3A_793, %swap3A_794, %swap3A_795] {strides = array<i32>} : memref<2x96x128xf32, #tpu.memory_space<vmem>>, vector<16xf32>,
        tpu.vector_store %arg12[%swap3A_793, %swap3A_794, %swap3A_795], %mul3A_792 {strides = array<i32>} : memref<2x96x128xf32, #tpu.memory_space<vmem>>, vector<16xf32>,
        %get3A_797 = arith.index_cast %and3A_221 : i32 to index
        %get3A_798 = arith.index_cast %add3A_746 : i32 to index
        %get3A_799 = arith.constant 80 : index
        %get3A_800 = tpu.vector_load %arg12[%get3A_797, %get3A_798, %get3A_799] {strides = array<i32>} : memref<2x96x128xf32, #tpu.memory_space<vmem>>, vector<16xf32>,
        %mul3A_801 = arith.mulf %get3A_800, %gather3A_751 : vector<16xf32>
        %swap3A_802 = arith.index_cast %and3A_221 : i32 to index
        %swap3A_803 = arith.index_cast %add3A_746 : i32 to index
        %swap3A_804 = arith.constant 80 : index
        %swap3A_805 = tpu.vector_load %arg12[%swap3A_802, %swap3A_803, %swap3A_804] {strides = array<i32>} : memref<2x96x128xf32, #tpu.memory_space<vmem>>, vector<16xf32>,
        tpu.vector_store %arg12[%swap3A_802, %swap3A_803, %swap3A_804], %mul3A_801 {strides = array<i32>} : memref<2x96x128xf32, #tpu.memory_space<vmem>>, vector<16xf32>,
        %get3A_806 = arith.index_cast %and3A_221 : i32 to index
        %get3A_807 = arith.index_cast %add3A_746 : i32 to index
        %get3A_808 = arith.constant 96 : index
        %get3A_809 = tpu.vector_load %arg12[%get3A_806, %get3A_807, %get3A_808] {strides = array<i32>} : memref<2x96x128xf32, #tpu.memory_space<vmem>>, vector<16xf32>,
        %mul3A_810 = arith.mulf %get3A_809, %gather3A_751 : vector<16xf32>
        %swap3A_811 = arith.index_cast %and3A_221 : i32 to index
        %swap3A_812 = arith.index_cast %add3A_746 : i32 to index
        %swap3A_813 = arith.constant 96 : index
        %swap3A_814 = tpu.vector_load %arg12[%swap3A_811, %swap3A_812, %swap3A_813] {strides = array<i32>} : memref<2x96x128xf32, #tpu.memory_space<vmem>>, vector<16xf32>,
        tpu.vector_store %arg12[%swap3A_811, %swap3A_812, %swap3A_813], %mul3A_810 {strides = array<i32>} : memref<2x96x128xf32, #tpu.memory_space<vmem>>, vector<16xf32>,
        %get3A_815 = arith.index_cast %and3A_221 : i32 to index
        %get3A_816 = arith.index_cast %add3A_746 : i32 to index
        %get3A_817 = arith.constant 112 : index
        %get3A_818 = tpu.vector_load %arg12[%get3A_815, %get3A_816, %get3A_817] {strides = array<i32>} : memref<2x96x128xf32, #tpu.memory_space<vmem>>, vector<16xf32>,
        %mul3A_819 = arith.mulf %get3A_818, %gather3A_751 : vector<16xf32>
        %swap3A_820 = arith.index_cast %and3A_221 : i32 to index
        %swap3A_821 = arith.index_cast %add3A_746 : i32 to index
        %swap3A_822 = arith.constant 112 : index
        %swap3A_823 = tpu.vector_load %arg12[%swap3A_820, %swap3A_821, %swap3A_822] {strides = array<i32>} : memref<2x96x128xf32, #tpu.memory_space<vmem>>, vector<16xf32>,
        tpu.vector_store %arg12[%swap3A_820, %swap3A_821, %swap3A_822], %mul3A_819 {strides = array<i32>} : memref<2x96x128xf32, #tpu.memory_space<vmem>>, vector<16xf32>,
      }
      %scan3A_477 = arith.constant 24 : i32
      %dma_start3A_478 = arith.constant 0 : i32
      %dma_start3A_479 = tpu.memref_slice %arg13[%and3A_221, %dma_start3A_478] : memref<2x96xf32, #tpu.memory_space<vmem>> -> memref<1x96xf32, #tpu.memory_space<vmem>>
      %dma_start3A_480 = tpu.memref_squeeze %dma_start3A_479 : memref<1x96xf32, #tpu.memory_space<vmem>> -> memref<96xf32, #tpu.memory_space<vmem>>
      %dma_start3A_481 = arith.constant 0 : i32
      %dma_start3A_482 = tpu.memref_slice %arg16[%and3A_221, %dma_start3A_481] : memref<2x96xi32, #tpu.memory_space<vmem>> -> memref<1x96xi32, #tpu.memory_space<vmem>>
      %dma_start3A_483 = tpu.memref_squeeze %dma_start3A_482 : memref<1x96xi32, #tpu.memory_space<vmem>> -> memref<96xi32, #tpu.memory_space<vmem>>
      %dma_start3A_484 = arith.constant 0 : i32
      %dma_start3A_485 = tpu.memref_slice %arg20[%dma_start3A_484] : memref<10240xf32, #tpu.memory_space<vmem_shared>> -> memref<10240xf32, #tpu.memory_space<vmem_shared>>
      tpu.enqueue_indirect_dma source(%dma_start3A_480 : memref<96xf32, #tpu.memory_space<vmem>>) target(%dma_start3A_485 : memref<10240xf32, #tpu.memory_space<vmem_shared>>) offsets(%dma_start3A_483 : memref<96xi32, #tpu.memory_space<vmem>>) semaphore(%arg24 : memref<!tpu.dma_semaphore, #tpu.memory_space<semaphore_mem>>) {add = true}
      %dma_start3A_486 = arith.constant 0 : i32
      %dma_start3A_487 = arith.constant 0 : i32
      %dma_start3A_488 = tpu.memref_slice %arg12[%and3A_221, %dma_start3A_486, %dma_start3A_487] : memref<2x96x128xf32, #tpu.memory_space<vmem>> -> memref<1x96x128xf32, #tpu.memory_space<vmem>>
      %dma_start3A_489 = tpu.memref_squeeze %dma_start3A_488 : memref<1x96x128xf32, #tpu.memory_space<vmem>> -> memref<96x128xf32, #tpu.memory_space<vmem>>
      %dma_start3A_490 = arith.constant 0 : i32
      %dma_start3A_491 = tpu.memref_slice %arg16[%and3A_221, %dma_start3A_490] : memref<2x96xi32, #tpu.memory_space<vmem>> -> memref<1x96xi32, #tpu.memory_space<vmem>>
      %dma_start3A_492 = tpu.memref_squeeze %dma_start3A_491 : memref<1x96xi32, #tpu.memory_space<vmem>> -> memref<96xi32, #tpu.memory_space<vmem>>
      %dma_start3A_493 = arith.constant 0 : i32
      %dma_start3A_494 = arith.constant 0 : i32
      %dma_start3A_495 = tpu.memref_slice %arg19[%dma_start3A_493, %dma_start3A_494] : memref<10240x128xf32, #tpu.memory_space<vmem_shared>> -> memref<10240x128xf32, #tpu.memory_space<vmem_shared>>
      tpu.enqueue_indirect_dma source(%dma_start3A_489 : memref<96x128xf32, #tpu.memory_space<vmem>>) target(%dma_start3A_495 : memref<10240x128xf32, #tpu.memory_space<vmem_shared>>) offsets(%dma_start3A_492 : memref<96xi32, #tpu.memory_space<vmem>>) semaphore(%arg22 : memref<!tpu.dma_semaphore, #tpu.memory_space<semaphore_mem>>) {add = true}
      %add3A_496 = arith.constant 1 : i32
      %add3A_497 = arith.addi %while3A_220, %add3A_496 : i32
      %lt3A = arith.cmpi slt, %add3A_497, %select_n3A : i32
      %convert_element_type3A = arith.extui %lt3A : i1 to i32
      %cond3A = arith.constant 0 : i32
      %cond3A_498 = arith.cmpi ne, %convert_element_type3A, %cond3A : i32
      scf.if %cond3A_498 {
        %add3A_499 = arith.constant 1 : i32
        %add3A_500 = arith.addi %while3A_220, %add3A_499 : i32
        %add3A_501 = arith.addi %select_n3A_8, %add3A_500 : i32
        %and3A_502 = arith.constant 1 : i32
        %and3A_503 = arith.andi %add3A_500, %and3A_502 : i32
        %dma_wait3A_504 = arith.constant 0 : i32
        %dma_wait3A_505 = arith.constant 0 : i32
        %dma_wait3A_506 = tpu.memref_slice %arg14[%and3A_503, %dma_wait3A_504, %dma_wait3A_505] : memref<2x2x96xi32, #tpu.memory_space<vmem>> -> memref<1x2x96xi32, #tpu.memory_space<vmem>>
        %dma_wait3A_507 = tpu.memref_squeeze %dma_wait3A_506 : memref<1x2x96xi32, #tpu.memory_space<vmem>> -> memref<2x96xi32, #tpu.memory_space<vmem>>
        %dma_wait3A_508 = arith.constant 0 : i32
        %dma_wait3A_509 = arith.constant 0 : i32
        %dma_wait3A_510 = tpu.memref_slice %arg3[%add3A_501, %dma_wait3A_508, %dma_wait3A_509] : memref<3360x2x96xi32, #tpu.memory_space<hbm>> -> memref<1x2x96xi32, #tpu.memory_space<hbm>>
        %dma_wait3A_511 = tpu.memref_squeeze %dma_wait3A_510 : memref<1x2x96xi32, #tpu.memory_space<hbm>> -> memref<2x96xi32, #tpu.memory_space<hbm>>
        %dma_wait3A_512 = arith.constant 0 : i32
        %dma_wait3A_513 = arith.constant 0 : i32
        %dma_wait3A_514 = tpu.memref_slice %arg14[%and3A_503, %dma_wait3A_512, %dma_wait3A_513] : memref<2x2x96xi32, #tpu.memory_space<vmem>> -> memref<1x2x96xi32, #tpu.memory_space<vmem>>
        %dma_wait3A_515 = tpu.memref_squeeze %dma_wait3A_514 : memref<1x2x96xi32, #tpu.memory_space<vmem>> -> memref<2x96xi32, #tpu.memory_space<vmem>>
        %dma_wait3A_516 = arith.constant 0 : i32
        %dma_wait3A_517 = arith.constant 0 : i32
        %dma_wait3A_518 = tpu.memref_slice %arg3[%add3A_501, %dma_wait3A_516, %dma_wait3A_517] : memref<3360x2x96xi32, #tpu.memory_space<hbm>> -> memref<1x2x96xi32, #tpu.memory_space<hbm>>
        %dma_wait3A_519 = tpu.memref_squeeze %dma_wait3A_518 : memref<1x2x96xi32, #tpu.memory_space<hbm>> -> memref<2x96xi32, #tpu.memory_space<hbm>>
        tpu.wait_dma2 semaphore(%arg23 : memref<!tpu.dma_semaphore, #tpu.memory_space<semaphore_mem>>) src(%dma_wait3A_519 : memref<2x96xi32, #tpu.memory_space<hbm>>) dst(%dma_wait3A_515 : memref<2x96xi32, #tpu.memory_space<vmem>>)
        %gt3A_520 = arith.constant 0 : i32
        %gt3A_521 = arith.cmpi sgt, %while3A_220, %gt3A_520 : i32
        %convert_element_type3A_522 = arith.extui %gt3A_521 : i1 to i32
        %cond3A_523 = arith.constant 0 : i32
        %cond3A_524 = arith.cmpi ne, %convert_element_type3A_522, %cond3A_523 : i32
        scf.if %cond3A_524 {
          %sub3A_601 = arith.constant 1 : i32
          %sub3A_602 = arith.subi %sub3A_601, %and3A_221 : i32
          %dma_wait3A_603 = arith.constant 0 : i32
          %dma_wait3A_604 = arith.constant 0 : i32
          %dma_wait3A_605 = tpu.memref_slice %arg12[%sub3A_602, %dma_wait3A_603, %dma_wait3A_604] : memref<2x96x128xf32, #tpu.memory_space<vmem>> -> memref<1x96x128xf32, #tpu.memory_space<vmem>>
          %dma_wait3A_606 = tpu.memref_squeeze %dma_wait3A_605 : memref<1x96x128xf32, #tpu.memory_space<vmem>> -> memref<96x128xf32, #tpu.memory_space<vmem>>
          %dma_wait3A_607 = arith.constant 0 : i32
          %dma_wait3A_608 = tpu.memref_slice %arg16[%sub3A_602, %dma_wait3A_607] : memref<2x96xi32, #tpu.memory_space<vmem>> -> memref<1x96xi32, #tpu.memory_space<vmem>>
          %dma_wait3A_609 = tpu.memref_squeeze %dma_wait3A_608 : memref<1x96xi32, #tpu.memory_space<vmem>> -> memref<96xi32, #tpu.memory_space<vmem>>
          %dma_wait3A_610 = arith.constant 0 : i32
          %dma_wait3A_611 = arith.constant 0 : i32
          %dma_wait3A_612 = tpu.memref_slice %arg19[%dma_wait3A_610, %dma_wait3A_611] : memref<10240x128xf32, #tpu.memory_space<vmem_shared>> -> memref<10240x128xf32, #tpu.memory_space<vmem_shared>>
          tpu.wait_indirect_dma semaphore(%arg22 : memref<!tpu.dma_semaphore, #tpu.memory_space<semaphore_mem>>) src(%dma_wait3A_606 : memref<96x128xf32, #tpu.memory_space<vmem>>) dst(%dma_wait3A_612 : memref<10240x128xf32, #tpu.memory_space<vmem_shared>>)
          %dma_wait3A_613 = arith.constant 0 : i32
          %dma_wait3A_614 = tpu.memref_slice %arg13[%sub3A_602, %dma_wait3A_613] : memref<2x96xf32, #tpu.memory_space<vmem>> -> memref<1x96xf32, #tpu.memory_space<vmem>>
          %dma_wait3A_615 = tpu.memref_squeeze %dma_wait3A_614 : memref<1x96xf32, #tpu.memory_space<vmem>> -> memref<96xf32, #tpu.memory_space<vmem>>
          %dma_wait3A_616 = arith.constant 0 : i32
          %dma_wait3A_617 = tpu.memref_slice %arg16[%sub3A_602, %dma_wait3A_616] : memref<2x96xi32, #tpu.memory_space<vmem>> -> memref<1x96xi32, #tpu.memory_space<vmem>>
          %dma_wait3A_618 = tpu.memref_squeeze %dma_wait3A_617 : memref<1x96xi32, #tpu.memory_space<vmem>> -> memref<96xi32, #tpu.memory_space<vmem>>
          %dma_wait3A_619 = arith.constant 0 : i32
          %dma_wait3A_620 = tpu.memref_slice %arg20[%dma_wait3A_619] : memref<10240xf32, #tpu.memory_space<vmem_shared>> -> memref<10240xf32, #tpu.memory_space<vmem_shared>>
          tpu.wait_indirect_dma semaphore(%arg24 : memref<!tpu.dma_semaphore, #tpu.memory_space<semaphore_mem>>) src(%dma_wait3A_615 : memref<96xf32, #tpu.memory_space<vmem>>) dst(%dma_wait3A_620 : memref<10240xf32, #tpu.memory_space<vmem_shared>>)
        } else {
        }
        %add3A_525 = arith.constant 1 : i32
        %add3A_526 = arith.addi %while3A_220, %add3A_525 : i32
        %and3A_527 = arith.constant 1 : i32
        %and3A_528 = arith.andi %add3A_526, %and3A_527 : i32
        %get3A_529 = arith.constant 0 : i32
        %get3A_530 = arith.constant 0 : i32
        %get3A_531 = tpu.memref_slice %arg14[%and3A_528, %get3A_529, %get3A_530] : memref<2x2x96xi32, #tpu.memory_space<vmem>> -> memref<1x1x96xi32, #tpu.memory_space<vmem>>
        %get3A_532 = tpu.memref_squeeze %get3A_531 : memref<1x1x96xi32, #tpu.memory_space<vmem>> -> memref<96xi32, #tpu.memory_space<vmem>>
        %get3A_533 = arith.constant 0 : index
        %get3A_534 = tpu.vector_load %get3A_532[%get3A_533] {strides = array<i32>} : memref<96xi32, #tpu.memory_space<vmem>>, vector<16xi32>,
        %swap3A_535 = arith.constant 0 : index
        %swap3A_536 = tpu.vector_load %arg17[%swap3A_535] {strides = array<i32>} : memref<96xi32, #tpu.memory_space<vmem>>, vector<16xi32>,
        tpu.vector_store %arg17[%swap3A_535], %get3A_534 {strides = array<i32>} : memref<96xi32, #tpu.memory_space<vmem>>, vector<16xi32>,
        %get3A_537 = arith.constant 0 : i32
        %get3A_538 = arith.constant 0 : i32
        %get3A_539 = tpu.memref_slice %arg14[%and3A_528, %get3A_537, %get3A_538] : memref<2x2x96xi32, #tpu.memory_space<vmem>> -> memref<1x1x96xi32, #tpu.memory_space<vmem>>
        %get3A_540 = tpu.memref_squeeze %get3A_539 : memref<1x1x96xi32, #tpu.memory_space<vmem>> -> memref<96xi32, #tpu.memory_space<vmem>>
        %get3A_541 = arith.constant 16 : index
        %get3A_542 = tpu.vector_load %get3A_540[%get3A_541] {strides = array<i32>} : memref<96xi32, #tpu.memory_space<vmem>>, vector<16xi32>,
        %swap3A_543 = arith.constant 16 : index
        %swap3A_544 = tpu.vector_load %arg17[%swap3A_543] {strides = array<i32>} : memref<96xi32, #tpu.memory_space<vmem>>, vector<16xi32>,
        tpu.vector_store %arg17[%swap3A_543], %get3A_542 {strides = array<i32>} : memref<96xi32, #tpu.memory_space<vmem>>, vector<16xi32>,
        %get3A_545 = arith.constant 0 : i32
        %get3A_546 = arith.constant 0 : i32
        %get3A_547 = tpu.memref_slice %arg14[%and3A_528, %get3A_545, %get3A_546] : memref<2x2x96xi32, #tpu.memory_space<vmem>> -> memref<1x1x96xi32, #tpu.memory_space<vmem>>
        %get3A_548 = tpu.memref_squeeze %get3A_547 : memref<1x1x96xi32, #tpu.memory_space<vmem>> -> memref<96xi32, #tpu.memory_space<vmem>>
        %get3A_549 = arith.constant 32 : index
        %get3A_550 = tpu.vector_load %get3A_548[%get3A_549] {strides = array<i32>} : memref<96xi32, #tpu.memory_space<vmem>>, vector<16xi32>,
        %swap3A_551 = arith.constant 32 : index
        %swap3A_552 = tpu.vector_load %arg17[%swap3A_551] {strides = array<i32>} : memref<96xi32, #tpu.memory_space<vmem>>, vector<16xi32>,
        tpu.vector_store %arg17[%swap3A_551], %get3A_550 {strides = array<i32>} : memref<96xi32, #tpu.memory_space<vmem>>, vector<16xi32>,
        %get3A_553 = arith.constant 0 : i32
        %get3A_554 = arith.constant 0 : i32
        %get3A_555 = tpu.memref_slice %arg14[%and3A_528, %get3A_553, %get3A_554] : memref<2x2x96xi32, #tpu.memory_space<vmem>> -> memref<1x1x96xi32, #tpu.memory_space<vmem>>
        %get3A_556 = tpu.memref_squeeze %get3A_555 : memref<1x1x96xi32, #tpu.memory_space<vmem>> -> memref<96xi32, #tpu.memory_space<vmem>>
        %get3A_557 = arith.constant 48 : index
        %get3A_558 = tpu.vector_load %get3A_556[%get3A_557] {strides = array<i32>} : memref<96xi32, #tpu.memory_space<vmem>>, vector<16xi32>,
        %swap3A_559 = arith.constant 48 : index
        %swap3A_560 = tpu.vector_load %arg17[%swap3A_559] {strides = array<i32>} : memref<96xi32, #tpu.memory_space<vmem>>, vector<16xi32>,
        tpu.vector_store %arg17[%swap3A_559], %get3A_558 {strides = array<i32>} : memref<96xi32, #tpu.memory_space<vmem>>, vector<16xi32>,
        %get3A_561 = arith.constant 0 : i32
        %get3A_562 = arith.constant 0 : i32
        %get3A_563 = tpu.memref_slice %arg14[%and3A_528, %get3A_561, %get3A_562] : memref<2x2x96xi32, #tpu.memory_space<vmem>> -> memref<1x1x96xi32, #tpu.memory_space<vmem>>
        %get3A_564 = tpu.memref_squeeze %get3A_563 : memref<1x1x96xi32, #tpu.memory_space<vmem>> -> memref<96xi32, #tpu.memory_space<vmem>>
        %get3A_565 = arith.constant 64 : index
        %get3A_566 = tpu.vector_load %get3A_564[%get3A_565] {strides = array<i32>} : memref<96xi32, #tpu.memory_space<vmem>>, vector<16xi32>,
        %swap3A_567 = arith.constant 64 : index
        %swap3A_568 = tpu.vector_load %arg17[%swap3A_567] {strides = array<i32>} : memref<96xi32, #tpu.memory_space<vmem>>, vector<16xi32>,
        tpu.vector_store %arg17[%swap3A_567], %get3A_566 {strides = array<i32>} : memref<96xi32, #tpu.memory_space<vmem>>, vector<16xi32>,
        %get3A_569 = arith.constant 0 : i32
        %get3A_570 = arith.constant 0 : i32
        %get3A_571 = tpu.memref_slice %arg14[%and3A_528, %get3A_569, %get3A_570] : memref<2x2x96xi32, #tpu.memory_space<vmem>> -> memref<1x1x96xi32, #tpu.memory_space<vmem>>
        %get3A_572 = tpu.memref_squeeze %get3A_571 : memref<1x1x96xi32, #tpu.memory_space<vmem>> -> memref<96xi32, #tpu.memory_space<vmem>>
        %get3A_573 = arith.constant 80 : index
        %get3A_574 = tpu.vector_load %get3A_572[%get3A_573] {strides = array<i32>} : memref<96xi32, #tpu.memory_space<vmem>>, vector<16xi32>,
        %swap3A_575 = arith.constant 80 : index
        %swap3A_576 = tpu.vector_load %arg17[%swap3A_575] {strides = array<i32>} : memref<96xi32, #tpu.memory_space<vmem>>, vector<16xi32>,
        tpu.vector_store %arg17[%swap3A_575], %get3A_574 {strides = array<i32>} : memref<96xi32, #tpu.memory_space<vmem>>, vector<16xi32>,
        %dma_start3A_577 = arith.constant 0 : i32
        %dma_start3A_578 = arith.constant 0 : i32
        %dma_start3A_579 = tpu.memref_slice %arg12[%and3A_528, %dma_start3A_577, %dma_start3A_578] : memref<2x96x128xf32, #tpu.memory_space<vmem>> -> memref<1x48x128xf32, #tpu.memory_space<vmem>>
        %dma_start3A_580 = tpu.memref_squeeze %dma_start3A_579 : memref<1x48x128xf32, #tpu.memory_space<vmem>> -> memref<48x128xf32, #tpu.memory_space<vmem>>
        %dma_start3A_581 = arith.constant 0 : i32
        %dma_start3A_582 = tpu.memref_slice %arg17[%dma_start3A_581] : memref<96xi32, #tpu.memory_space<vmem>> -> memref<48xi32, #tpu.memory_space<vmem>>
        %dma_start3A_583 = arith.constant 0 : i32
        %dma_start3A_584 = arith.constant 0 : i32
        %dma_start3A_585 = tpu.memref_slice %arg2[%dma_start3A_583, %dma_start3A_584] : memref<10240x128xf32, #tpu.memory_space<hbm>> -> memref<10240x128xf32, #tpu.memory_space<hbm>>
        tpu.enqueue_indirect_dma source(%dma_start3A_585 : memref<10240x128xf32, #tpu.memory_space<hbm>>) target(%dma_start3A_580 : memref<48x128xf32, #tpu.memory_space<vmem>>) offsets(%dma_start3A_582 : memref<48xi32, #tpu.memory_space<vmem>>) semaphore(%arg21 : memref<!tpu.dma_semaphore, #tpu.memory_space<semaphore_mem>>)
        %dma_start3A_586 = arith.constant 48 : i32
        %dma_start3A_587 = arith.constant 0 : i32
        %dma_start3A_588 = tpu.memref_slice %arg12[%and3A_528, %dma_start3A_586, %dma_start3A_587] : memref<2x96x128xf32, #tpu.memory_space<vmem>> -> memref<1x48x128xf32, #tpu.memory_space<vmem>>
        %dma_start3A_589 = tpu.memref_squeeze %dma_start3A_588 : memref<1x48x128xf32, #tpu.memory_space<vmem>> -> memref<48x128xf32, #tpu.memory_space<vmem>>
        %dma_start3A_590 = arith.constant 48 : i32
        %dma_start3A_591 = tpu.memref_slice %arg17[%dma_start3A_590] : memref<96xi32, #tpu.memory_space<vmem>> -> memref<48xi32, #tpu.memory_space<vmem>>
        %dma_start3A_592 = arith.constant 0 : i32
        %dma_start3A_593 = arith.constant 0 : i32
        %dma_start3A_594 = tpu.memref_slice %arg2[%dma_start3A_592, %dma_start3A_593] : memref<10240x128xf32, #tpu.memory_space<hbm>> -> memref<10240x128xf32, #tpu.memory_space<hbm>>
        tpu.enqueue_indirect_dma source(%dma_start3A_594 : memref<10240x128xf32, #tpu.memory_space<hbm>>) target(%dma_start3A_589 : memref<48x128xf32, #tpu.memory_space<vmem>>) offsets(%dma_start3A_591 : memref<48xi32, #tpu.memory_space<vmem>>) semaphore(%arg21 : memref<!tpu.dma_semaphore, #tpu.memory_space<semaphore_mem>>)
        %add3A_595 = arith.constant 2 : i32
        %add3A_596 = arith.addi %while3A_220, %add3A_595 : i32
        %lt3A_597 = arith.cmpi slt, %add3A_596, %select_n3A : i32
        %convert_element_type3A_598 = arith.extui %lt3A_597 : i1 to i32
        %cond3A_599 = arith.constant 0 : i32
        %cond3A_600 = arith.cmpi ne, %convert_element_type3A_598, %cond3A_599 : i32
        scf.if %cond3A_600 {
          %add3A_601 = arith.constant 2 : i32
          %add3A_602 = arith.addi %while3A_220, %add3A_601 : i32
          %add3A_603 = arith.addi %select_n3A_8, %add3A_602 : i32
          %and3A_604 = arith.constant 1 : i32
          %and3A_605 = arith.andi %add3A_602, %and3A_604 : i32
          %dma_start3A_606 = arith.constant 0 : i32
          %dma_start3A_607 = arith.constant 0 : i32
          %dma_start3A_608 = tpu.memref_slice %arg14[%and3A_605, %dma_start3A_606, %dma_start3A_607] : memref<2x2x96xi32, #tpu.memory_space<vmem>> -> memref<1x2x96xi32, #tpu.memory_space<vmem>>
          %dma_start3A_609 = tpu.memref_squeeze %dma_start3A_608 : memref<1x2x96xi32, #tpu.memory_space<vmem>> -> memref<2x96xi32, #tpu.memory_space<vmem>>
          %dma_start3A_610 = arith.constant 0 : i32
          %dma_start3A_611 = arith.constant 0 : i32
          %dma_start3A_612 = tpu.memref_slice %arg3[%add3A_603, %dma_start3A_610, %dma_start3A_611] : memref<3360x2x96xi32, #tpu.memory_space<hbm>> -> memref<1x2x96xi32, #tpu.memory_space<hbm>>
          %dma_start3A_613 = tpu.memref_squeeze %dma_start3A_612 : memref<1x2x96xi32, #tpu.memory_space<hbm>> -> memref<2x96xi32, #tpu.memory_space<hbm>>
          %dma_start3A_614 = arith.constant 0 : i32
          %dma_start3A_615 = arith.constant 0 : i32
          %dma_start3A_616 = tpu.memref_slice %arg14[%and3A_605, %dma_start3A_614, %dma_start3A_615] : memref<2x2x96xi32, #tpu.memory_space<vmem>> -> memref<1x2x96xi32, #tpu.memory_space<vmem>>
          %dma_start3A_617 = tpu.memref_squeeze %dma_start3A_616 : memref<1x2x96xi32, #tpu.memory_space<vmem>> -> memref<2x96xi32, #tpu.memory_space<vmem>>
          %dma_start3A_618 = arith.constant 0 : i32
          %dma_start3A_619 = arith.constant 0 : i32
          %dma_start3A_620 = tpu.memref_slice %arg3[%add3A_603, %dma_start3A_618, %dma_start3A_619] : memref<3360x2x96xi32, #tpu.memory_space<hbm>> -> memref<1x2x96xi32, #tpu.memory_space<hbm>>
          %dma_start3A_621 = tpu.memref_squeeze %dma_start3A_620 : memref<1x2x96xi32, #tpu.memory_space<hbm>> -> memref<2x96xi32, #tpu.memory_space<hbm>>
          tpu.enqueue_dma source(%dma_start3A_621 : memref<2x96xi32, #tpu.memory_space<hbm>>) target(%dma_start3A_617 : memref<2x96xi32, #tpu.memory_space<vmem>>) target_semaphore(%arg23 : memref<!tpu.dma_semaphore, #tpu.memory_space<semaphore_mem>>)
        } else {
        }
      } else {
      }
    }
    %while3A_166 = arith.constant 1 : i32
    scf.for %while3A_220 = %while3A_164 to %while3A_160 step %while3A_166  : i32 {
      %and3A = arith.constant 1 : i32
      %and3A_221 = arith.andi %while3A_220, %and3A : i32
      %and3A_222 = arith.constant 1 : i32
      %and3A_223 = arith.andi %while3A_220, %and3A_222 : i32
      %dma_wait3A_224 = arith.constant 0 : i32
      %dma_wait3A_225 = arith.constant 0 : i32
      %dma_wait3A_226 = tpu.memref_slice %arg12[%and3A_223, %dma_wait3A_224, %dma_wait3A_225] : memref<2x96x128xf32, #tpu.memory_space<vmem>> -> memref<1x48x128xf32, #tpu.memory_space<vmem>>
      %dma_wait3A_227 = tpu.memref_squeeze %dma_wait3A_226 : memref<1x48x128xf32, #tpu.memory_space<vmem>> -> memref<48x128xf32, #tpu.memory_space<vmem>>
      %dma_wait3A_228 = arith.constant 0 : i32
      %dma_wait3A_229 = tpu.memref_slice %arg17[%dma_wait3A_228] : memref<96xi32, #tpu.memory_space<vmem>> -> memref<48xi32, #tpu.memory_space<vmem>>
      %dma_wait3A_230 = arith.constant 0 : i32
      %dma_wait3A_231 = arith.constant 0 : i32
      %dma_wait3A_232 = tpu.memref_slice %arg2[%dma_wait3A_230, %dma_wait3A_231] : memref<10240x128xf32, #tpu.memory_space<hbm>> -> memref<10240x128xf32, #tpu.memory_space<hbm>>
      tpu.wait_indirect_dma semaphore(%arg21 : memref<!tpu.dma_semaphore, #tpu.memory_space<semaphore_mem>>) src(%dma_wait3A_232 : memref<10240x128xf32, #tpu.memory_space<hbm>>) dst(%dma_wait3A_227 : memref<48x128xf32, #tpu.memory_space<vmem>>)
      %dma_wait3A_233 = arith.constant 48 : i32
      %dma_wait3A_234 = arith.constant 0 : i32
      %dma_wait3A_235 = tpu.memref_slice %arg12[%and3A_223, %dma_wait3A_233, %dma_wait3A_234] : memref<2x96x128xf32, #tpu.memory_space<vmem>> -> memref<1x48x128xf32, #tpu.memory_space<vmem>>
      %dma_wait3A_236 = tpu.memref_squeeze %dma_wait3A_235 : memref<1x48x128xf32, #tpu.memory_space<vmem>> -> memref<48x128xf32, #tpu.memory_space<vmem>>
      %dma_wait3A_237 = arith.constant 48 : i32
      %dma_wait3A_238 = tpu.memref_slice %arg17[%dma_wait3A_237] : memref<96xi32, #tpu.memory_space<vmem>> -> memref<48xi32, #tpu.memory_space<vmem>>
      %dma_wait3A_239 = arith.constant 0 : i32
      %dma_wait3A_240 = arith.constant 0 : i32
      %dma_wait3A_241 = tpu.memref_slice %arg2[%dma_wait3A_239, %dma_wait3A_240] : memref<10240x128xf32, #tpu.memory_space<hbm>> -> memref<10240x128xf32, #tpu.memory_space<hbm>>
      tpu.wait_indirect_dma semaphore(%arg21 : memref<!tpu.dma_semaphore, #tpu.memory_space<semaphore_mem>>) src(%dma_wait3A_241 : memref<10240x128xf32, #tpu.memory_space<hbm>>) dst(%dma_wait3A_236 : memref<48x128xf32, #tpu.memory_space<vmem>>)
      %get3A_242 = arith.constant 0 : i32
      %get3A_243 = arith.constant 0 : i32
      %get3A_244 = tpu.memref_slice %arg14[%and3A_221, %get3A_242, %get3A_243] : memref<2x2x96xi32, #tpu.memory_space<vmem>> -> memref<1x1x96xi32, #tpu.memory_space<vmem>>
      %get3A_245 = tpu.memref_squeeze %get3A_244 : memref<1x1x96xi32, #tpu.memory_space<vmem>> -> memref<96xi32, #tpu.memory_space<vmem>>
      %get3A_246 = arith.constant 0 : index
      %get3A_247 = tpu.vector_load %get3A_245[%get3A_246] {strides = array<i32>} : memref<96xi32, #tpu.memory_space<vmem>>, vector<16xi32>,
      %swap3A_248 = arith.constant 0 : index
      %swap3A_249 = tpu.vector_load %arg15[%swap3A_248] {strides = array<i32>} : memref<96xi32, #tpu.memory_space<vmem>>, vector<16xi32>,
      tpu.vector_store %arg15[%swap3A_248], %get3A_247 {strides = array<i32>} : memref<96xi32, #tpu.memory_space<vmem>>, vector<16xi32>,
      %get3A_250 = arith.constant 0 : i32
      %get3A_251 = arith.constant 0 : i32
      %get3A_252 = tpu.memref_slice %arg14[%and3A_221, %get3A_250, %get3A_251] : memref<2x2x96xi32, #tpu.memory_space<vmem>> -> memref<1x1x96xi32, #tpu.memory_space<vmem>>
      %get3A_253 = tpu.memref_squeeze %get3A_252 : memref<1x1x96xi32, #tpu.memory_space<vmem>> -> memref<96xi32, #tpu.memory_space<vmem>>
      %get3A_254 = arith.constant 16 : index
      %get3A_255 = tpu.vector_load %get3A_253[%get3A_254] {strides = array<i32>} : memref<96xi32, #tpu.memory_space<vmem>>, vector<16xi32>,
      %swap3A_256 = arith.constant 16 : index
      %swap3A_257 = tpu.vector_load %arg15[%swap3A_256] {strides = array<i32>} : memref<96xi32, #tpu.memory_space<vmem>>, vector<16xi32>,
      tpu.vector_store %arg15[%swap3A_256], %get3A_255 {strides = array<i32>} : memref<96xi32, #tpu.memory_space<vmem>>, vector<16xi32>,
      %get3A_258 = arith.constant 0 : i32
      %get3A_259 = arith.constant 0 : i32
      %get3A_260 = tpu.memref_slice %arg14[%and3A_221, %get3A_258, %get3A_259] : memref<2x2x96xi32, #tpu.memory_space<vmem>> -> memref<1x1x96xi32, #tpu.memory_space<vmem>>
      %get3A_261 = tpu.memref_squeeze %get3A_260 : memref<1x1x96xi32, #tpu.memory_space<vmem>> -> memref<96xi32, #tpu.memory_space<vmem>>
      %get3A_262 = arith.constant 32 : index
      %get3A_263 = tpu.vector_load %get3A_261[%get3A_262] {strides = array<i32>} : memref<96xi32, #tpu.memory_space<vmem>>, vector<16xi32>,
      %swap3A_264 = arith.constant 32 : index
      %swap3A_265 = tpu.vector_load %arg15[%swap3A_264] {strides = array<i32>} : memref<96xi32, #tpu.memory_space<vmem>>, vector<16xi32>,
      tpu.vector_store %arg15[%swap3A_264], %get3A_263 {strides = array<i32>} : memref<96xi32, #tpu.memory_space<vmem>>, vector<16xi32>,
      %get3A_266 = arith.constant 0 : i32
      %get3A_267 = arith.constant 0 : i32
      %get3A_268 = tpu.memref_slice %arg14[%and3A_221, %get3A_266, %get3A_267] : memref<2x2x96xi32, #tpu.memory_space<vmem>> -> memref<1x1x96xi32, #tpu.memory_space<vmem>>
      %get3A_269 = tpu.memref_squeeze %get3A_268 : memref<1x1x96xi32, #tpu.memory_space<vmem>> -> memref<96xi32, #tpu.memory_space<vmem>>
      %get3A_270 = arith.constant 48 : index
      %get3A_271 = tpu.vector_load %get3A_269[%get3A_270] {strides = array<i32>} : memref<96xi32, #tpu.memory_space<vmem>>, vector<16xi32>,
      %swap3A_272 = arith.constant 48 : index
      %swap3A_273 = tpu.vector_load %arg15[%swap3A_272] {strides = array<i32>} : memref<96xi32, #tpu.memory_space<vmem>>, vector<16xi32>,
      tpu.vector_store %arg15[%swap3A_272], %get3A_271 {strides = array<i32>} : memref<96xi32, #tpu.memory_space<vmem>>, vector<16xi32>,
      %get3A_274 = arith.constant 0 : i32
      %get3A_275 = arith.constant 0 : i32
      %get3A_276 = tpu.memref_slice %arg14[%and3A_221, %get3A_274, %get3A_275] : memref<2x2x96xi32, #tpu.memory_space<vmem>> -> memref<1x1x96xi32, #tpu.memory_space<vmem>>
      %get3A_277 = tpu.memref_squeeze %get3A_276 : memref<1x1x96xi32, #tpu.memory_space<vmem>> -> memref<96xi32, #tpu.memory_space<vmem>>
      %get3A_278 = arith.constant 64 : index
      %get3A_279 = tpu.vector_load %get3A_277[%get3A_278] {strides = array<i32>} : memref<96xi32, #tpu.memory_space<vmem>>, vector<16xi32>,
      %swap3A_280 = arith.constant 64 : index
      %swap3A_281 = tpu.vector_load %arg15[%swap3A_280] {strides = array<i32>} : memref<96xi32, #tpu.memory_space<vmem>>, vector<16xi32>,
      tpu.vector_store %arg15[%swap3A_280], %get3A_279 {strides = array<i32>} : memref<96xi32, #tpu.memory_space<vmem>>, vector<16xi32>,
      %get3A_282 = arith.constant 0 : i32
      %get3A_283 = arith.constant 0 : i32
      %get3A_284 = tpu.memref_slice %arg14[%and3A_221, %get3A_282, %get3A_283] : memref<2x2x96xi32, #tpu.memory_space<vmem>> -> memref<1x1x96xi32, #tpu.memory_space<vmem>>
      %get3A_285 = tpu.memref_squeeze %get3A_284 : memref<1x1x96xi32, #tpu.memory_space<vmem>> -> memref<96xi32, #tpu.memory_space<vmem>>
      %get3A_286 = arith.constant 80 : index
      %get3A_287 = tpu.vector_load %get3A_285[%get3A_286] {strides = array<i32>} : memref<96xi32, #tpu.memory_space<vmem>>, vector<16xi32>,
      %swap3A_288 = arith.constant 80 : index
      %swap3A_289 = tpu.vector_load %arg15[%swap3A_288] {strides = array<i32>} : memref<96xi32, #tpu.memory_space<vmem>>, vector<16xi32>,
      tpu.vector_store %arg15[%swap3A_288], %get3A_287 {strides = array<i32>} : memref<96xi32, #tpu.memory_space<vmem>>, vector<16xi32>,
      %get3A_290 = arith.constant 1 : i32
      %get3A_291 = arith.constant 0 : i32
      %get3A_292 = tpu.memref_slice %arg14[%and3A_221, %get3A_290, %get3A_291] : memref<2x2x96xi32, #tpu.memory_space<vmem>> -> memref<1x1x96xi32, #tpu.memory_space<vmem>>
      %get3A_293 = tpu.memref_squeeze %get3A_292 : memref<1x1x96xi32, #tpu.memory_space<vmem>> -> memref<96xi32, #tpu.memory_space<vmem>>
      %get3A_294 = arith.constant 0 : index
      %get3A_295 = tpu.vector_load %get3A_293[%get3A_294] {strides = array<i32>} : memref<96xi32, #tpu.memory_space<vmem>>, vector<16xi32>,
      %swap3A_296 = arith.constant 0 : i32
      %swap3A_297 = tpu.memref_slice %arg16[%and3A_221, %swap3A_296] : memref<2x96xi32, #tpu.memory_space<vmem>> -> memref<1x96xi32, #tpu.memory_space<vmem>>
      %swap3A_298 = tpu.memref_squeeze %swap3A_297 : memref<1x96xi32, #tpu.memory_space<vmem>> -> memref<96xi32, #tpu.memory_space<vmem>>
      %swap3A_299 = arith.constant 0 : index
      %swap3A_300 = tpu.vector_load %swap3A_298[%swap3A_299] {strides = array<i32>} : memref<96xi32, #tpu.memory_space<vmem>>, vector<16xi32>,
      tpu.vector_store %swap3A_298[%swap3A_299], %get3A_295 {strides = array<i32>} : memref<96xi32, #tpu.memory_space<vmem>>, vector<16xi32>,
      %get3A_301 = arith.constant 1 : i32
      %get3A_302 = arith.constant 0 : i32
      %get3A_303 = tpu.memref_slice %arg14[%and3A_221, %get3A_301, %get3A_302] : memref<2x2x96xi32, #tpu.memory_space<vmem>> -> memref<1x1x96xi32, #tpu.memory_space<vmem>>
      %get3A_304 = tpu.memref_squeeze %get3A_303 : memref<1x1x96xi32, #tpu.memory_space<vmem>> -> memref<96xi32, #tpu.memory_space<vmem>>
      %get3A_305 = arith.constant 16 : index
      %get3A_306 = tpu.vector_load %get3A_304[%get3A_305] {strides = array<i32>} : memref<96xi32, #tpu.memory_space<vmem>>, vector<16xi32>,
      %swap3A_307 = arith.constant 0 : i32
      %swap3A_308 = tpu.memref_slice %arg16[%and3A_221, %swap3A_307] : memref<2x96xi32, #tpu.memory_space<vmem>> -> memref<1x96xi32, #tpu.memory_space<vmem>>
      %swap3A_309 = tpu.memref_squeeze %swap3A_308 : memref<1x96xi32, #tpu.memory_space<vmem>> -> memref<96xi32, #tpu.memory_space<vmem>>
      %swap3A_310 = arith.constant 16 : index
      %swap3A_311 = tpu.vector_load %swap3A_309[%swap3A_310] {strides = array<i32>} : memref<96xi32, #tpu.memory_space<vmem>>, vector<16xi32>,
      tpu.vector_store %swap3A_309[%swap3A_310], %get3A_306 {strides = array<i32>} : memref<96xi32, #tpu.memory_space<vmem>>, vector<16xi32>,
      %get3A_312 = arith.constant 1 : i32
      %get3A_313 = arith.constant 0 : i32
      %get3A_314 = tpu.memref_slice %arg14[%and3A_221, %get3A_312, %get3A_313] : memref<2x2x96xi32, #tpu.memory_space<vmem>> -> memref<1x1x96xi32, #tpu.memory_space<vmem>>
      %get3A_315 = tpu.memref_squeeze %get3A_314 : memref<1x1x96xi32, #tpu.memory_space<vmem>> -> memref<96xi32, #tpu.memory_space<vmem>>
      %get3A_316 = arith.constant 32 : index
      %get3A_317 = tpu.vector_load %get3A_315[%get3A_316] {strides = array<i32>} : memref<96xi32, #tpu.memory_space<vmem>>, vector<16xi32>,
      %swap3A_318 = arith.constant 0 : i32
      %swap3A_319 = tpu.memref_slice %arg16[%and3A_221, %swap3A_318] : memref<2x96xi32, #tpu.memory_space<vmem>> -> memref<1x96xi32, #tpu.memory_space<vmem>>
      %swap3A_320 = tpu.memref_squeeze %swap3A_319 : memref<1x96xi32, #tpu.memory_space<vmem>> -> memref<96xi32, #tpu.memory_space<vmem>>
      %swap3A_321 = arith.constant 32 : index
      %swap3A_322 = tpu.vector_load %swap3A_320[%swap3A_321] {strides = array<i32>} : memref<96xi32, #tpu.memory_space<vmem>>, vector<16xi32>,
      tpu.vector_store %swap3A_320[%swap3A_321], %get3A_317 {strides = array<i32>} : memref<96xi32, #tpu.memory_space<vmem>>, vector<16xi32>,
      %get3A_323 = arith.constant 1 : i32
      %get3A_324 = arith.constant 0 : i32
      %get3A_325 = tpu.memref_slice %arg14[%and3A_221, %get3A_323, %get3A_324] : memref<2x2x96xi32, #tpu.memory_space<vmem>> -> memref<1x1x96xi32, #tpu.memory_space<vmem>>
      %get3A_326 = tpu.memref_squeeze %get3A_325 : memref<1x1x96xi32, #tpu.memory_space<vmem>> -> memref<96xi32, #tpu.memory_space<vmem>>
      %get3A_327 = arith.constant 48 : index
      %get3A_328 = tpu.vector_load %get3A_326[%get3A_327] {strides = array<i32>} : memref<96xi32, #tpu.memory_space<vmem>>, vector<16xi32>,
      %swap3A_329 = arith.constant 0 : i32
      %swap3A_330 = tpu.memref_slice %arg16[%and3A_221, %swap3A_329] : memref<2x96xi32, #tpu.memory_space<vmem>> -> memref<1x96xi32, #tpu.memory_space<vmem>>
      %swap3A_331 = tpu.memref_squeeze %swap3A_330 : memref<1x96xi32, #tpu.memory_space<vmem>> -> memref<96xi32, #tpu.memory_space<vmem>>
      %swap3A_332 = arith.constant 48 : index
      %swap3A_333 = tpu.vector_load %swap3A_331[%swap3A_332] {strides = array<i32>} : memref<96xi32, #tpu.memory_space<vmem>>, vector<16xi32>,
      tpu.vector_store %swap3A_331[%swap3A_332], %get3A_328 {strides = array<i32>} : memref<96xi32, #tpu.memory_space<vmem>>, vector<16xi32>,
      %get3A_334 = arith.constant 1 : i32
      %get3A_335 = arith.constant 0 : i32
      %get3A_336 = tpu.memref_slice %arg14[%and3A_221, %get3A_334, %get3A_335] : memref<2x2x96xi32, #tpu.memory_space<vmem>> -> memref<1x1x96xi32, #tpu.memory_space<vmem>>
      %get3A_337 = tpu.memref_squeeze %get3A_336 : memref<1x1x96xi32, #tpu.memory_space<vmem>> -> memref<96xi32, #tpu.memory_space<vmem>>
      %get3A_338 = arith.constant 64 : index
      %get3A_339 = tpu.vector_load %get3A_337[%get3A_338] {strides = array<i32>} : memref<96xi32, #tpu.memory_space<vmem>>, vector<16xi32>,
      %swap3A_340 = arith.constant 0 : i32
      %swap3A_341 = tpu.memref_slice %arg16[%and3A_221, %swap3A_340] : memref<2x96xi32, #tpu.memory_space<vmem>> -> memref<1x96xi32, #tpu.memory_space<vmem>>
      %swap3A_342 = tpu.memref_squeeze %swap3A_341 : memref<1x96xi32, #tpu.memory_space<vmem>> -> memref<96xi32, #tpu.memory_space<vmem>>
      %swap3A_343 = arith.constant 64 : index
      %swap3A_344 = tpu.vector_load %swap3A_342[%swap3A_343] {strides = array<i32>} : memref<96xi32, #tpu.memory_space<vmem>>, vector<16xi32>,
      tpu.vector_store %swap3A_342[%swap3A_343], %get3A_339 {strides = array<i32>} : memref<96xi32, #tpu.memory_space<vmem>>, vector<16xi32>,
      %get3A_345 = arith.constant 1 : i32
      %get3A_346 = arith.constant 0 : i32
      %get3A_347 = tpu.memref_slice %arg14[%and3A_221, %get3A_345, %get3A_346] : memref<2x2x96xi32, #tpu.memory_space<vmem>> -> memref<1x1x96xi32, #tpu.memory_space<vmem>>
      %get3A_348 = tpu.memref_squeeze %get3A_347 : memref<1x1x96xi32, #tpu.memory_space<vmem>> -> memref<96xi32, #tpu.memory_space<vmem>>
      %get3A_349 = arith.constant 80 : index
      %get3A_350 = tpu.vector_load %get3A_348[%get3A_349] {strides = array<i32>} : memref<96xi32, #tpu.memory_space<vmem>>, vector<16xi32>,
      %swap3A_351 = arith.constant 0 : i32
      %swap3A_352 = tpu.memref_slice %arg16[%and3A_221, %swap3A_351] : memref<2x96xi32, #tpu.memory_space<vmem>> -> memref<1x96xi32, #tpu.memory_space<vmem>>
      %swap3A_353 = tpu.memref_squeeze %swap3A_352 : memref<1x96xi32, #tpu.memory_space<vmem>> -> memref<96xi32, #tpu.memory_space<vmem>>
      %swap3A_354 = arith.constant 80 : index
      %swap3A_355 = tpu.vector_load %swap3A_353[%swap3A_354] {strides = array<i32>} : memref<96xi32, #tpu.memory_space<vmem>>, vector<16xi32>,
      tpu.vector_store %swap3A_353[%swap3A_354], %get3A_350 {strides = array<i32>} : memref<96xi32, #tpu.memory_space<vmem>>, vector<16xi32>,
      %get3A_356 = arith.constant 0 : index
      %get3A_357 = tpu.vector_load %arg15[%get3A_356] {strides = array<i32>} : memref<96xi32, #tpu.memory_space<vmem>>, vector<16xi32>,
      %get3A_358 = arith.index_cast %and3A_221 : i32 to index
      %get3A_359 = arith.constant 0 : index
      %get3A_360 = tpu.vector_load %arg16[%get3A_358, %get3A_359] {strides = array<i32>} : memref<2x96xi32, #tpu.memory_space<vmem>>, vector<16xi32>,
      %gather3A = tpu.vector_load_idx %arg9[%get3A_357] : memref<10240xf32, #tpu.memory_space<vmem>>[vector<16xi32>], vector<16xf32>,
      %gather3A_361 = tpu.vector_load_idx %arg10[%get3A_360] : memref<10240xf32, #tpu.memory_space<vmem>>[vector<16xi32>], vector<16xf32>,
      %add3A_362 = arith.addf %gather3A, %gather3A_361 : vector<16xf32>
      %gt3A = arith.constant 0.000000e+00 : f32
      %gt3A_363 = vector.broadcast %gt3A : f32 to vector<16xf32>
      %gt3A_364 = arith.cmpf ogt, %add3A_362, %gt3A_363 : vector<16xf32>
      %mul3A_365 = arith.constant 0.00999999977 : f32
      %mul3A_366 = vector.broadcast %mul3A_365 : f32 to vector<16xf32>
      %mul3A_367 = arith.mulf %add3A_362, %mul3A_366 : vector<16xf32>
      %select_n3A_368 = arith.select %gt3A_364, %add3A_362, %mul3A_367 : vector<16xi1>, vector<16xf32>
      %sub3A = arith.subf %select_n3A_368, %get3A_29 : vector<16xf32>
      %exp3A = math.exp %sub3A : vector<16xf32>
      %swap3A_369 = arith.index_cast %and3A_221 : i32 to index
      %swap3A_370 = arith.constant 0 : index
      %swap3A_371 = tpu.vector_load %arg13[%swap3A_369, %swap3A_370] {strides = array<i32>} : memref<2x96xf32, #tpu.memory_space<vmem>>, vector<16xf32>,
      tpu.vector_store %arg13[%swap3A_369, %swap3A_370], %exp3A {strides = array<i32>} : memref<2x96xf32, #tpu.memory_space<vmem>>, vector<16xf32>,
      %get3A_372 = arith.constant 16 : index
      %get3A_373 = tpu.vector_load %arg15[%get3A_372] {strides = array<i32>} : memref<96xi32, #tpu.memory_space<vmem>>, vector<16xi32>,
      %get3A_374 = arith.index_cast %and3A_221 : i32 to index
      %get3A_375 = arith.constant 16 : index
      %get3A_376 = tpu.vector_load %arg16[%get3A_374, %get3A_375] {strides = array<i32>} : memref<2x96xi32, #tpu.memory_space<vmem>>, vector<16xi32>,
      %gather3A_377 = tpu.vector_load_idx %arg9[%get3A_373] : memref<10240xf32, #tpu.memory_space<vmem>>[vector<16xi32>], vector<16xf32>,
      %gather3A_378 = tpu.vector_load_idx %arg10[%get3A_376] : memref<10240xf32, #tpu.memory_space<vmem>>[vector<16xi32>], vector<16xf32>,
      %add3A_379 = arith.addf %gather3A_377, %gather3A_378 : vector<16xf32>
      %gt3A_380 = arith.constant 0.000000e+00 : f32
      %gt3A_381 = vector.broadcast %gt3A_380 : f32 to vector<16xf32>
      %gt3A_382 = arith.cmpf ogt, %add3A_379, %gt3A_381 : vector<16xf32>
      %mul3A_383 = arith.constant 0.00999999977 : f32
      %mul3A_384 = vector.broadcast %mul3A_383 : f32 to vector<16xf32>
      %mul3A_385 = arith.mulf %add3A_379, %mul3A_384 : vector<16xf32>
      %select_n3A_386 = arith.select %gt3A_382, %add3A_379, %mul3A_385 : vector<16xi1>, vector<16xf32>
      %sub3A_387 = arith.subf %select_n3A_386, %get3A_29 : vector<16xf32>
      %exp3A_388 = math.exp %sub3A_387 : vector<16xf32>
      %swap3A_389 = arith.index_cast %and3A_221 : i32 to index
      %swap3A_390 = arith.constant 16 : index
      %swap3A_391 = tpu.vector_load %arg13[%swap3A_389, %swap3A_390] {strides = array<i32>} : memref<2x96xf32, #tpu.memory_space<vmem>>, vector<16xf32>,
      tpu.vector_store %arg13[%swap3A_389, %swap3A_390], %exp3A_388 {strides = array<i32>} : memref<2x96xf32, #tpu.memory_space<vmem>>, vector<16xf32>,
      %get3A_392 = arith.constant 32 : index
      %get3A_393 = tpu.vector_load %arg15[%get3A_392] {strides = array<i32>} : memref<96xi32, #tpu.memory_space<vmem>>, vector<16xi32>,
      %get3A_394 = arith.index_cast %and3A_221 : i32 to index
      %get3A_395 = arith.constant 32 : index
      %get3A_396 = tpu.vector_load %arg16[%get3A_394, %get3A_395] {strides = array<i32>} : memref<2x96xi32, #tpu.memory_space<vmem>>, vector<16xi32>,
      %gather3A_397 = tpu.vector_load_idx %arg9[%get3A_393] : memref<10240xf32, #tpu.memory_space<vmem>>[vector<16xi32>], vector<16xf32>,
      %gather3A_398 = tpu.vector_load_idx %arg10[%get3A_396] : memref<10240xf32, #tpu.memory_space<vmem>>[vector<16xi32>], vector<16xf32>,
      %add3A_399 = arith.addf %gather3A_397, %gather3A_398 : vector<16xf32>
      %gt3A_400 = arith.constant 0.000000e+00 : f32
      %gt3A_401 = vector.broadcast %gt3A_400 : f32 to vector<16xf32>
      %gt3A_402 = arith.cmpf ogt, %add3A_399, %gt3A_401 : vector<16xf32>
      %mul3A_403 = arith.constant 0.00999999977 : f32
      %mul3A_404 = vector.broadcast %mul3A_403 : f32 to vector<16xf32>
      %mul3A_405 = arith.mulf %add3A_399, %mul3A_404 : vector<16xf32>
      %select_n3A_406 = arith.select %gt3A_402, %add3A_399, %mul3A_405 : vector<16xi1>, vector<16xf32>
      %sub3A_407 = arith.subf %select_n3A_406, %get3A_29 : vector<16xf32>
      %exp3A_408 = math.exp %sub3A_407 : vector<16xf32>
      %swap3A_409 = arith.index_cast %and3A_221 : i32 to index
      %swap3A_410 = arith.constant 32 : index
      %swap3A_411 = tpu.vector_load %arg13[%swap3A_409, %swap3A_410] {strides = array<i32>} : memref<2x96xf32, #tpu.memory_space<vmem>>, vector<16xf32>,
      tpu.vector_store %arg13[%swap3A_409, %swap3A_410], %exp3A_408 {strides = array<i32>} : memref<2x96xf32, #tpu.memory_space<vmem>>, vector<16xf32>,
      %get3A_412 = arith.constant 48 : index
      %get3A_413 = tpu.vector_load %arg15[%get3A_412] {strides = array<i32>} : memref<96xi32, #tpu.memory_space<vmem>>, vector<16xi32>,
      %get3A_414 = arith.index_cast %and3A_221 : i32 to index
      %get3A_415 = arith.constant 48 : index
      %get3A_416 = tpu.vector_load %arg16[%get3A_414, %get3A_415] {strides = array<i32>} : memref<2x96xi32, #tpu.memory_space<vmem>>, vector<16xi32>,
      %gather3A_417 = tpu.vector_load_idx %arg9[%get3A_413] : memref<10240xf32, #tpu.memory_space<vmem>>[vector<16xi32>], vector<16xf32>,
      %gather3A_418 = tpu.vector_load_idx %arg10[%get3A_416] : memref<10240xf32, #tpu.memory_space<vmem>>[vector<16xi32>], vector<16xf32>,
      %add3A_419 = arith.addf %gather3A_417, %gather3A_418 : vector<16xf32>
      %gt3A_420 = arith.constant 0.000000e+00 : f32
      %gt3A_421 = vector.broadcast %gt3A_420 : f32 to vector<16xf32>
      %gt3A_422 = arith.cmpf ogt, %add3A_419, %gt3A_421 : vector<16xf32>
      %mul3A_423 = arith.constant 0.00999999977 : f32
      %mul3A_424 = vector.broadcast %mul3A_423 : f32 to vector<16xf32>
      %mul3A_425 = arith.mulf %add3A_419, %mul3A_424 : vector<16xf32>
      %select_n3A_426 = arith.select %gt3A_422, %add3A_419, %mul3A_425 : vector<16xi1>, vector<16xf32>
      %sub3A_427 = arith.subf %select_n3A_426, %get3A_29 : vector<16xf32>
      %exp3A_428 = math.exp %sub3A_427 : vector<16xf32>
      %swap3A_429 = arith.index_cast %and3A_221 : i32 to index
      %swap3A_430 = arith.constant 48 : index
      %swap3A_431 = tpu.vector_load %arg13[%swap3A_429, %swap3A_430] {strides = array<i32>} : memref<2x96xf32, #tpu.memory_space<vmem>>, vector<16xf32>,
      tpu.vector_store %arg13[%swap3A_429, %swap3A_430], %exp3A_428 {strides = array<i32>} : memref<2x96xf32, #tpu.memory_space<vmem>>, vector<16xf32>,
      %get3A_432 = arith.constant 64 : index
      %get3A_433 = tpu.vector_load %arg15[%get3A_432] {strides = array<i32>} : memref<96xi32, #tpu.memory_space<vmem>>, vector<16xi32>,
      %get3A_434 = arith.index_cast %and3A_221 : i32 to index
      %get3A_435 = arith.constant 64 : index
      %get3A_436 = tpu.vector_load %arg16[%get3A_434, %get3A_435] {strides = array<i32>} : memref<2x96xi32, #tpu.memory_space<vmem>>, vector<16xi32>,
      %gather3A_437 = tpu.vector_load_idx %arg9[%get3A_433] : memref<10240xf32, #tpu.memory_space<vmem>>[vector<16xi32>], vector<16xf32>,
      %gather3A_438 = tpu.vector_load_idx %arg10[%get3A_436] : memref<10240xf32, #tpu.memory_space<vmem>>[vector<16xi32>], vector<16xf32>,
      %add3A_439 = arith.addf %gather3A_437, %gather3A_438 : vector<16xf32>
      %gt3A_440 = arith.constant 0.000000e+00 : f32
      %gt3A_441 = vector.broadcast %gt3A_440 : f32 to vector<16xf32>
      %gt3A_442 = arith.cmpf ogt, %add3A_439, %gt3A_441 : vector<16xf32>
      %mul3A_443 = arith.constant 0.00999999977 : f32
      %mul3A_444 = vector.broadcast %mul3A_443 : f32 to vector<16xf32>
      %mul3A_445 = arith.mulf %add3A_439, %mul3A_444 : vector<16xf32>
      %select_n3A_446 = arith.select %gt3A_442, %add3A_439, %mul3A_445 : vector<16xi1>, vector<16xf32>
      %sub3A_447 = arith.subf %select_n3A_446, %get3A_29 : vector<16xf32>
      %exp3A_448 = math.exp %sub3A_447 : vector<16xf32>
      %swap3A_449 = arith.index_cast %and3A_221 : i32 to index
      %swap3A_450 = arith.constant 64 : index
      %swap3A_451 = tpu.vector_load %arg13[%swap3A_449, %swap3A_450] {strides = array<i32>} : memref<2x96xf32, #tpu.memory_space<vmem>>, vector<16xf32>,
      tpu.vector_store %arg13[%swap3A_449, %swap3A_450], %exp3A_448 {strides = array<i32>} : memref<2x96xf32, #tpu.memory_space<vmem>>, vector<16xf32>,
      %get3A_452 = arith.constant 80 : index
      %get3A_453 = tpu.vector_load %arg15[%get3A_452] {strides = array<i32>} : memref<96xi32, #tpu.memory_space<vmem>>, vector<16xi32>,
      %get3A_454 = arith.index_cast %and3A_221 : i32 to index
      %get3A_455 = arith.constant 80 : index
      %get3A_456 = tpu.vector_load %arg16[%get3A_454, %get3A_455] {strides = array<i32>} : memref<2x96xi32, #tpu.memory_space<vmem>>, vector<16xi32>,
      %gather3A_457 = tpu.vector_load_idx %arg9[%get3A_453] : memref<10240xf32, #tpu.memory_space<vmem>>[vector<16xi32>], vector<16xf32>,
      %gather3A_458 = tpu.vector_load_idx %arg10[%get3A_456] : memref<10240xf32, #tpu.memory_space<vmem>>[vector<16xi32>], vector<16xf32>,
      %add3A_459 = arith.addf %gather3A_457, %gather3A_458 : vector<16xf32>
      %gt3A_460 = arith.constant 0.000000e+00 : f32
      %gt3A_461 = vector.broadcast %gt3A_460 : f32 to vector<16xf32>
      %gt3A_462 = arith.cmpf ogt, %add3A_459, %gt3A_461 : vector<16xf32>
      %mul3A_463 = arith.constant 0.00999999977 : f32
      %mul3A_464 = vector.broadcast %mul3A_463 : f32 to vector<16xf32>
      %mul3A_465 = arith.mulf %add3A_459, %mul3A_464 : vector<16xf32>
      %select_n3A_466 = arith.select %gt3A_462, %add3A_459, %mul3A_465 : vector<16xi1>, vector<16xf32>
      %sub3A_467 = arith.subf %select_n3A_466, %get3A_29 : vector<16xf32>
      %exp3A_468 = math.exp %sub3A_467 : vector<16xf32>
      %swap3A_469 = arith.index_cast %and3A_221 : i32 to index
      %swap3A_470 = arith.constant 80 : index
      %swap3A_471 = tpu.vector_load %arg13[%swap3A_469, %swap3A_470] {strides = array<i32>} : memref<2x96xf32, #tpu.memory_space<vmem>>, vector<16xf32>,
      tpu.vector_store %arg13[%swap3A_469, %swap3A_470], %exp3A_468 {strides = array<i32>} : memref<2x96xf32, #tpu.memory_space<vmem>>, vector<16xf32>,
      %scan3A_472 = arith.constant 0 : i32
      %scan3A_473 = arith.constant 0 : i32
      %scan3A_474 = arith.constant 24 : i32
      %scan3A_475 = arith.addi %scan3A_473, %scan3A_474 : i32
      %scan3A_476 = arith.constant 1 : i32
      scf.for %scan3A_499 = %scan3A_473 to %scan3A_475 step %scan3A_476  : i32 {
        %mul3A_500 = arith.constant 4 : i32
        %mul3A_501 = arith.muli %scan3A_499, %mul3A_500 : i32
        %add3A_502 = arith.constant 0 : i32
        %add3A_503 = arith.addi %mul3A_501, %add3A_502 : i32
        %broadcast_in_dim3A_504 = vector.broadcast %add3A_503 : i32 to vector<16xi32>
        %gather3A_505 = arith.constant 0 : i32
        %gather3A_506 = tpu.memref_slice %arg13[%and3A_221, %gather3A_505] : memref<2x96xf32, #tpu.memory_space<vmem>> -> memref<1x96xf32, #tpu.memory_space<vmem>>
        %gather3A_507 = tpu.memref_squeeze %gather3A_506 : memref<1x96xf32, #tpu.memory_space<vmem>> -> memref<96xf32, #tpu.memory_space<vmem>>
        %gather3A_508 = tpu.vector_load_idx %gather3A_507[%broadcast_in_dim3A_504] : memref<96xf32, #tpu.memory_space<vmem>>[vector<16xi32>], vector<16xf32>,
        %get3A_509 = arith.index_cast %and3A_221 : i32 to index
        %get3A_510 = arith.index_cast %add3A_503 : i32 to index
        %get3A_511 = arith.constant 0 : index
        %get3A_512 = tpu.vector_load %arg12[%get3A_509, %get3A_510, %get3A_511] {strides = array<i32>} : memref<2x96x128xf32, #tpu.memory_space<vmem>>, vector<16xf32>,
        %mul3A_513 = arith.mulf %get3A_512, %gather3A_508 : vector<16xf32>
        %swap3A_514 = arith.index_cast %and3A_221 : i32 to index
        %swap3A_515 = arith.index_cast %add3A_503 : i32 to index
        %swap3A_516 = arith.constant 0 : index
        %swap3A_517 = tpu.vector_load %arg12[%swap3A_514, %swap3A_515, %swap3A_516] {strides = array<i32>} : memref<2x96x128xf32, #tpu.memory_space<vmem>>, vector<16xf32>,
        tpu.vector_store %arg12[%swap3A_514, %swap3A_515, %swap3A_516], %mul3A_513 {strides = array<i32>} : memref<2x96x128xf32, #tpu.memory_space<vmem>>, vector<16xf32>,
        %get3A_518 = arith.index_cast %and3A_221 : i32 to index
        %get3A_519 = arith.index_cast %add3A_503 : i32 to index
        %get3A_520 = arith.constant 16 : index
        %get3A_521 = tpu.vector_load %arg12[%get3A_518, %get3A_519, %get3A_520] {strides = array<i32>} : memref<2x96x128xf32, #tpu.memory_space<vmem>>, vector<16xf32>,
        %mul3A_522 = arith.mulf %get3A_521, %gather3A_508 : vector<16xf32>
        %swap3A_523 = arith.index_cast %and3A_221 : i32 to index
        %swap3A_524 = arith.index_cast %add3A_503 : i32 to index
        %swap3A_525 = arith.constant 16 : index
        %swap3A_526 = tpu.vector_load %arg12[%swap3A_523, %swap3A_524, %swap3A_525] {strides = array<i32>} : memref<2x96x128xf32, #tpu.memory_space<vmem>>, vector<16xf32>,
        tpu.vector_store %arg12[%swap3A_523, %swap3A_524, %swap3A_525], %mul3A_522 {strides = array<i32>} : memref<2x96x128xf32, #tpu.memory_space<vmem>>, vector<16xf32>,
        %get3A_527 = arith.index_cast %and3A_221 : i32 to index
        %get3A_528 = arith.index_cast %add3A_503 : i32 to index
        %get3A_529 = arith.constant 32 : index
        %get3A_530 = tpu.vector_load %arg12[%get3A_527, %get3A_528, %get3A_529] {strides = array<i32>} : memref<2x96x128xf32, #tpu.memory_space<vmem>>, vector<16xf32>,
        %mul3A_531 = arith.mulf %get3A_530, %gather3A_508 : vector<16xf32>
        %swap3A_532 = arith.index_cast %and3A_221 : i32 to index
        %swap3A_533 = arith.index_cast %add3A_503 : i32 to index
        %swap3A_534 = arith.constant 32 : index
        %swap3A_535 = tpu.vector_load %arg12[%swap3A_532, %swap3A_533, %swap3A_534] {strides = array<i32>} : memref<2x96x128xf32, #tpu.memory_space<vmem>>, vector<16xf32>,
        tpu.vector_store %arg12[%swap3A_532, %swap3A_533, %swap3A_534], %mul3A_531 {strides = array<i32>} : memref<2x96x128xf32, #tpu.memory_space<vmem>>, vector<16xf32>,
        %get3A_536 = arith.index_cast %and3A_221 : i32 to index
        %get3A_537 = arith.index_cast %add3A_503 : i32 to index
        %get3A_538 = arith.constant 48 : index
        %get3A_539 = tpu.vector_load %arg12[%get3A_536, %get3A_537, %get3A_538] {strides = array<i32>} : memref<2x96x128xf32, #tpu.memory_space<vmem>>, vector<16xf32>,
        %mul3A_540 = arith.mulf %get3A_539, %gather3A_508 : vector<16xf32>
        %swap3A_541 = arith.index_cast %and3A_221 : i32 to index
        %swap3A_542 = arith.index_cast %add3A_503 : i32 to index
        %swap3A_543 = arith.constant 48 : index
        %swap3A_544 = tpu.vector_load %arg12[%swap3A_541, %swap3A_542, %swap3A_543] {strides = array<i32>} : memref<2x96x128xf32, #tpu.memory_space<vmem>>, vector<16xf32>,
        tpu.vector_store %arg12[%swap3A_541, %swap3A_542, %swap3A_543], %mul3A_540 {strides = array<i32>} : memref<2x96x128xf32, #tpu.memory_space<vmem>>, vector<16xf32>,
        %get3A_545 = arith.index_cast %and3A_221 : i32 to index
        %get3A_546 = arith.index_cast %add3A_503 : i32 to index
        %get3A_547 = arith.constant 64 : index
        %get3A_548 = tpu.vector_load %arg12[%get3A_545, %get3A_546, %get3A_547] {strides = array<i32>} : memref<2x96x128xf32, #tpu.memory_space<vmem>>, vector<16xf32>,
        %mul3A_549 = arith.mulf %get3A_548, %gather3A_508 : vector<16xf32>
        %swap3A_550 = arith.index_cast %and3A_221 : i32 to index
        %swap3A_551 = arith.index_cast %add3A_503 : i32 to index
        %swap3A_552 = arith.constant 64 : index
        %swap3A_553 = tpu.vector_load %arg12[%swap3A_550, %swap3A_551, %swap3A_552] {strides = array<i32>} : memref<2x96x128xf32, #tpu.memory_space<vmem>>, vector<16xf32>,
        tpu.vector_store %arg12[%swap3A_550, %swap3A_551, %swap3A_552], %mul3A_549 {strides = array<i32>} : memref<2x96x128xf32, #tpu.memory_space<vmem>>, vector<16xf32>,
        %get3A_554 = arith.index_cast %and3A_221 : i32 to index
        %get3A_555 = arith.index_cast %add3A_503 : i32 to index
        %get3A_556 = arith.constant 80 : index
        %get3A_557 = tpu.vector_load %arg12[%get3A_554, %get3A_555, %get3A_556] {strides = array<i32>} : memref<2x96x128xf32, #tpu.memory_space<vmem>>, vector<16xf32>,
        %mul3A_558 = arith.mulf %get3A_557, %gather3A_508 : vector<16xf32>
        %swap3A_559 = arith.index_cast %and3A_221 : i32 to index
        %swap3A_560 = arith.index_cast %add3A_503 : i32 to index
        %swap3A_561 = arith.constant 80 : index
        %swap3A_562 = tpu.vector_load %arg12[%swap3A_559, %swap3A_560, %swap3A_561] {strides = array<i32>} : memref<2x96x128xf32, #tpu.memory_space<vmem>>, vector<16xf32>,
        tpu.vector_store %arg12[%swap3A_559, %swap3A_560, %swap3A_561], %mul3A_558 {strides = array<i32>} : memref<2x96x128xf32, #tpu.memory_space<vmem>>, vector<16xf32>,
        %get3A_563 = arith.index_cast %and3A_221 : i32 to index
        %get3A_564 = arith.index_cast %add3A_503 : i32 to index
        %get3A_565 = arith.constant 96 : index
        %get3A_566 = tpu.vector_load %arg12[%get3A_563, %get3A_564, %get3A_565] {strides = array<i32>} : memref<2x96x128xf32, #tpu.memory_space<vmem>>, vector<16xf32>,
        %mul3A_567 = arith.mulf %get3A_566, %gather3A_508 : vector<16xf32>
        %swap3A_568 = arith.index_cast %and3A_221 : i32 to index
        %swap3A_569 = arith.index_cast %add3A_503 : i32 to index
        %swap3A_570 = arith.constant 96 : index
        %swap3A_571 = tpu.vector_load %arg12[%swap3A_568, %swap3A_569, %swap3A_570] {strides = array<i32>} : memref<2x96x128xf32, #tpu.memory_space<vmem>>, vector<16xf32>,
        tpu.vector_store %arg12[%swap3A_568, %swap3A_569, %swap3A_570], %mul3A_567 {strides = array<i32>} : memref<2x96x128xf32, #tpu.memory_space<vmem>>, vector<16xf32>,
        %get3A_572 = arith.index_cast %and3A_221 : i32 to index
        %get3A_573 = arith.index_cast %add3A_503 : i32 to index
        %get3A_574 = arith.constant 112 : index
        %get3A_575 = tpu.vector_load %arg12[%get3A_572, %get3A_573, %get3A_574] {strides = array<i32>} : memref<2x96x128xf32, #tpu.memory_space<vmem>>, vector<16xf32>,
        %mul3A_576 = arith.mulf %get3A_575, %gather3A_508 : vector<16xf32>
        %swap3A_577 = arith.index_cast %and3A_221 : i32 to index
        %swap3A_578 = arith.index_cast %add3A_503 : i32 to index
        %swap3A_579 = arith.constant 112 : index
        %swap3A_580 = tpu.vector_load %arg12[%swap3A_577, %swap3A_578, %swap3A_579] {strides = array<i32>} : memref<2x96x128xf32, #tpu.memory_space<vmem>>, vector<16xf32>,
        tpu.vector_store %arg12[%swap3A_577, %swap3A_578, %swap3A_579], %mul3A_576 {strides = array<i32>} : memref<2x96x128xf32, #tpu.memory_space<vmem>>, vector<16xf32>,
        %mul3A_581 = arith.constant 4 : i32
        %mul3A_582 = arith.muli %scan3A_499, %mul3A_581 : i32
        %add3A_583 = arith.constant 1 : i32
        %add3A_584 = arith.addi %mul3A_582, %add3A_583 : i32
        %broadcast_in_dim3A_585 = vector.broadcast %add3A_584 : i32 to vector<16xi32>
        %gather3A_586 = arith.constant 0 : i32
        %gather3A_587 = tpu.memref_slice %arg13[%and3A_221, %gather3A_586] : memref<2x96xf32, #tpu.memory_space<vmem>> -> memref<1x96xf32, #tpu.memory_space<vmem>>
        %gather3A_588 = tpu.memref_squeeze %gather3A_587 : memref<1x96xf32, #tpu.memory_space<vmem>> -> memref<96xf32, #tpu.memory_space<vmem>>
        %gather3A_589 = tpu.vector_load_idx %gather3A_588[%broadcast_in_dim3A_585] : memref<96xf32, #tpu.memory_space<vmem>>[vector<16xi32>], vector<16xf32>,
        %get3A_590 = arith.index_cast %and3A_221 : i32 to index
        %get3A_591 = arith.index_cast %add3A_584 : i32 to index
        %get3A_592 = arith.constant 0 : index
        %get3A_593 = tpu.vector_load %arg12[%get3A_590, %get3A_591, %get3A_592] {strides = array<i32>} : memref<2x96x128xf32, #tpu.memory_space<vmem>>, vector<16xf32>,
        %mul3A_594 = arith.mulf %get3A_593, %gather3A_589 : vector<16xf32>
        %swap3A_595 = arith.index_cast %and3A_221 : i32 to index
        %swap3A_596 = arith.index_cast %add3A_584 : i32 to index
        %swap3A_597 = arith.constant 0 : index
        %swap3A_598 = tpu.vector_load %arg12[%swap3A_595, %swap3A_596, %swap3A_597] {strides = array<i32>} : memref<2x96x128xf32, #tpu.memory_space<vmem>>, vector<16xf32>,
        tpu.vector_store %arg12[%swap3A_595, %swap3A_596, %swap3A_597], %mul3A_594 {strides = array<i32>} : memref<2x96x128xf32, #tpu.memory_space<vmem>>, vector<16xf32>,
        %get3A_599 = arith.index_cast %and3A_221 : i32 to index
        %get3A_600 = arith.index_cast %add3A_584 : i32 to index
        %get3A_601 = arith.constant 16 : index
        %get3A_602 = tpu.vector_load %arg12[%get3A_599, %get3A_600, %get3A_601] {strides = array<i32>} : memref<2x96x128xf32, #tpu.memory_space<vmem>>, vector<16xf32>,
        %mul3A_603 = arith.mulf %get3A_602, %gather3A_589 : vector<16xf32>
        %swap3A_604 = arith.index_cast %and3A_221 : i32 to index
        %swap3A_605 = arith.index_cast %add3A_584 : i32 to index
        %swap3A_606 = arith.constant 16 : index
        %swap3A_607 = tpu.vector_load %arg12[%swap3A_604, %swap3A_605, %swap3A_606] {strides = array<i32>} : memref<2x96x128xf32, #tpu.memory_space<vmem>>, vector<16xf32>,
        tpu.vector_store %arg12[%swap3A_604, %swap3A_605, %swap3A_606], %mul3A_603 {strides = array<i32>} : memref<2x96x128xf32, #tpu.memory_space<vmem>>, vector<16xf32>,
        %get3A_608 = arith.index_cast %and3A_221 : i32 to index
        %get3A_609 = arith.index_cast %add3A_584 : i32 to index
        %get3A_610 = arith.constant 32 : index
        %get3A_611 = tpu.vector_load %arg12[%get3A_608, %get3A_609, %get3A_610] {strides = array<i32>} : memref<2x96x128xf32, #tpu.memory_space<vmem>>, vector<16xf32>,
        %mul3A_612 = arith.mulf %get3A_611, %gather3A_589 : vector<16xf32>
        %swap3A_613 = arith.index_cast %and3A_221 : i32 to index
        %swap3A_614 = arith.index_cast %add3A_584 : i32 to index
        %swap3A_615 = arith.constant 32 : index
        %swap3A_616 = tpu.vector_load %arg12[%swap3A_613, %swap3A_614, %swap3A_615] {strides = array<i32>} : memref<2x96x128xf32, #tpu.memory_space<vmem>>, vector<16xf32>,
        tpu.vector_store %arg12[%swap3A_613, %swap3A_614, %swap3A_615], %mul3A_612 {strides = array<i32>} : memref<2x96x128xf32, #tpu.memory_space<vmem>>, vector<16xf32>,
        %get3A_617 = arith.index_cast %and3A_221 : i32 to index
        %get3A_618 = arith.index_cast %add3A_584 : i32 to index
        %get3A_619 = arith.constant 48 : index
        %get3A_620 = tpu.vector_load %arg12[%get3A_617, %get3A_618, %get3A_619] {strides = array<i32>} : memref<2x96x128xf32, #tpu.memory_space<vmem>>, vector<16xf32>,
        %mul3A_621 = arith.mulf %get3A_620, %gather3A_589 : vector<16xf32>
        %swap3A_622 = arith.index_cast %and3A_221 : i32 to index
        %swap3A_623 = arith.index_cast %add3A_584 : i32 to index
        %swap3A_624 = arith.constant 48 : index
        %swap3A_625 = tpu.vector_load %arg12[%swap3A_622, %swap3A_623, %swap3A_624] {strides = array<i32>} : memref<2x96x128xf32, #tpu.memory_space<vmem>>, vector<16xf32>,
        tpu.vector_store %arg12[%swap3A_622, %swap3A_623, %swap3A_624], %mul3A_621 {strides = array<i32>} : memref<2x96x128xf32, #tpu.memory_space<vmem>>, vector<16xf32>,
        %get3A_626 = arith.index_cast %and3A_221 : i32 to index
        %get3A_627 = arith.index_cast %add3A_584 : i32 to index
        %get3A_628 = arith.constant 64 : index
        %get3A_629 = tpu.vector_load %arg12[%get3A_626, %get3A_627, %get3A_628] {strides = array<i32>} : memref<2x96x128xf32, #tpu.memory_space<vmem>>, vector<16xf32>,
        %mul3A_630 = arith.mulf %get3A_629, %gather3A_589 : vector<16xf32>
        %swap3A_631 = arith.index_cast %and3A_221 : i32 to index
        %swap3A_632 = arith.index_cast %add3A_584 : i32 to index
        %swap3A_633 = arith.constant 64 : index
        %swap3A_634 = tpu.vector_load %arg12[%swap3A_631, %swap3A_632, %swap3A_633] {strides = array<i32>} : memref<2x96x128xf32, #tpu.memory_space<vmem>>, vector<16xf32>,
        tpu.vector_store %arg12[%swap3A_631, %swap3A_632, %swap3A_633], %mul3A_630 {strides = array<i32>} : memref<2x96x128xf32, #tpu.memory_space<vmem>>, vector<16xf32>,
        %get3A_635 = arith.index_cast %and3A_221 : i32 to index
        %get3A_636 = arith.index_cast %add3A_584 : i32 to index
        %get3A_637 = arith.constant 80 : index
        %get3A_638 = tpu.vector_load %arg12[%get3A_635, %get3A_636, %get3A_637] {strides = array<i32>} : memref<2x96x128xf32, #tpu.memory_space<vmem>>, vector<16xf32>,
        %mul3A_639 = arith.mulf %get3A_638, %gather3A_589 : vector<16xf32>
        %swap3A_640 = arith.index_cast %and3A_221 : i32 to index
        %swap3A_641 = arith.index_cast %add3A_584 : i32 to index
        %swap3A_642 = arith.constant 80 : index
        %swap3A_643 = tpu.vector_load %arg12[%swap3A_640, %swap3A_641, %swap3A_642] {strides = array<i32>} : memref<2x96x128xf32, #tpu.memory_space<vmem>>, vector<16xf32>,
        tpu.vector_store %arg12[%swap3A_640, %swap3A_641, %swap3A_642], %mul3A_639 {strides = array<i32>} : memref<2x96x128xf32, #tpu.memory_space<vmem>>, vector<16xf32>,
        %get3A_644 = arith.index_cast %and3A_221 : i32 to index
        %get3A_645 = arith.index_cast %add3A_584 : i32 to index
        %get3A_646 = arith.constant 96 : index
        %get3A_647 = tpu.vector_load %arg12[%get3A_644, %get3A_645, %get3A_646] {strides = array<i32>} : memref<2x96x128xf32, #tpu.memory_space<vmem>>, vector<16xf32>,
        %mul3A_648 = arith.mulf %get3A_647, %gather3A_589 : vector<16xf32>
        %swap3A_649 = arith.index_cast %and3A_221 : i32 to index
        %swap3A_650 = arith.index_cast %add3A_584 : i32 to index
        %swap3A_651 = arith.constant 96 : index
        %swap3A_652 = tpu.vector_load %arg12[%swap3A_649, %swap3A_650, %swap3A_651] {strides = array<i32>} : memref<2x96x128xf32, #tpu.memory_space<vmem>>, vector<16xf32>,
        tpu.vector_store %arg12[%swap3A_649, %swap3A_650, %swap3A_651], %mul3A_648 {strides = array<i32>} : memref<2x96x128xf32, #tpu.memory_space<vmem>>, vector<16xf32>,
        %get3A_653 = arith.index_cast %and3A_221 : i32 to index
        %get3A_654 = arith.index_cast %add3A_584 : i32 to index
        %get3A_655 = arith.constant 112 : index
        %get3A_656 = tpu.vector_load %arg12[%get3A_653, %get3A_654, %get3A_655] {strides = array<i32>} : memref<2x96x128xf32, #tpu.memory_space<vmem>>, vector<16xf32>,
        %mul3A_657 = arith.mulf %get3A_656, %gather3A_589 : vector<16xf32>
        %swap3A_658 = arith.index_cast %and3A_221 : i32 to index
        %swap3A_659 = arith.index_cast %add3A_584 : i32 to index
        %swap3A_660 = arith.constant 112 : index
        %swap3A_661 = tpu.vector_load %arg12[%swap3A_658, %swap3A_659, %swap3A_660] {strides = array<i32>} : memref<2x96x128xf32, #tpu.memory_space<vmem>>, vector<16xf32>,
        tpu.vector_store %arg12[%swap3A_658, %swap3A_659, %swap3A_660], %mul3A_657 {strides = array<i32>} : memref<2x96x128xf32, #tpu.memory_space<vmem>>, vector<16xf32>,
        %mul3A_662 = arith.constant 4 : i32
        %mul3A_663 = arith.muli %scan3A_499, %mul3A_662 : i32
        %add3A_664 = arith.constant 2 : i32
        %add3A_665 = arith.addi %mul3A_663, %add3A_664 : i32
        %broadcast_in_dim3A_666 = vector.broadcast %add3A_665 : i32 to vector<16xi32>
        %gather3A_667 = arith.constant 0 : i32
        %gather3A_668 = tpu.memref_slice %arg13[%and3A_221, %gather3A_667] : memref<2x96xf32, #tpu.memory_space<vmem>> -> memref<1x96xf32, #tpu.memory_space<vmem>>
        %gather3A_669 = tpu.memref_squeeze %gather3A_668 : memref<1x96xf32, #tpu.memory_space<vmem>> -> memref<96xf32, #tpu.memory_space<vmem>>
        %gather3A_670 = tpu.vector_load_idx %gather3A_669[%broadcast_in_dim3A_666] : memref<96xf32, #tpu.memory_space<vmem>>[vector<16xi32>], vector<16xf32>,
        %get3A_671 = arith.index_cast %and3A_221 : i32 to index
        %get3A_672 = arith.index_cast %add3A_665 : i32 to index
        %get3A_673 = arith.constant 0 : index
        %get3A_674 = tpu.vector_load %arg12[%get3A_671, %get3A_672, %get3A_673] {strides = array<i32>} : memref<2x96x128xf32, #tpu.memory_space<vmem>>, vector<16xf32>,
        %mul3A_675 = arith.mulf %get3A_674, %gather3A_670 : vector<16xf32>
        %swap3A_676 = arith.index_cast %and3A_221 : i32 to index
        %swap3A_677 = arith.index_cast %add3A_665 : i32 to index
        %swap3A_678 = arith.constant 0 : index
        %swap3A_679 = tpu.vector_load %arg12[%swap3A_676, %swap3A_677, %swap3A_678] {strides = array<i32>} : memref<2x96x128xf32, #tpu.memory_space<vmem>>, vector<16xf32>,
        tpu.vector_store %arg12[%swap3A_676, %swap3A_677, %swap3A_678], %mul3A_675 {strides = array<i32>} : memref<2x96x128xf32, #tpu.memory_space<vmem>>, vector<16xf32>,
        %get3A_680 = arith.index_cast %and3A_221 : i32 to index
        %get3A_681 = arith.index_cast %add3A_665 : i32 to index
        %get3A_682 = arith.constant 16 : index
        %get3A_683 = tpu.vector_load %arg12[%get3A_680, %get3A_681, %get3A_682] {strides = array<i32>} : memref<2x96x128xf32, #tpu.memory_space<vmem>>, vector<16xf32>,
        %mul3A_684 = arith.mulf %get3A_683, %gather3A_670 : vector<16xf32>
        %swap3A_685 = arith.index_cast %and3A_221 : i32 to index
        %swap3A_686 = arith.index_cast %add3A_665 : i32 to index
        %swap3A_687 = arith.constant 16 : index
        %swap3A_688 = tpu.vector_load %arg12[%swap3A_685, %swap3A_686, %swap3A_687] {strides = array<i32>} : memref<2x96x128xf32, #tpu.memory_space<vmem>>, vector<16xf32>,
        tpu.vector_store %arg12[%swap3A_685, %swap3A_686, %swap3A_687], %mul3A_684 {strides = array<i32>} : memref<2x96x128xf32, #tpu.memory_space<vmem>>, vector<16xf32>,
        %get3A_689 = arith.index_cast %and3A_221 : i32 to index
        %get3A_690 = arith.index_cast %add3A_665 : i32 to index
        %get3A_691 = arith.constant 32 : index
        %get3A_692 = tpu.vector_load %arg12[%get3A_689, %get3A_690, %get3A_691] {strides = array<i32>} : memref<2x96x128xf32, #tpu.memory_space<vmem>>, vector<16xf32>,
        %mul3A_693 = arith.mulf %get3A_692, %gather3A_670 : vector<16xf32>
        %swap3A_694 = arith.index_cast %and3A_221 : i32 to index
        %swap3A_695 = arith.index_cast %add3A_665 : i32 to index
        %swap3A_696 = arith.constant 32 : index
        %swap3A_697 = tpu.vector_load %arg12[%swap3A_694, %swap3A_695, %swap3A_696] {strides = array<i32>} : memref<2x96x128xf32, #tpu.memory_space<vmem>>, vector<16xf32>,
        tpu.vector_store %arg12[%swap3A_694, %swap3A_695, %swap3A_696], %mul3A_693 {strides = array<i32>} : memref<2x96x128xf32, #tpu.memory_space<vmem>>, vector<16xf32>,
        %get3A_698 = arith.index_cast %and3A_221 : i32 to index
        %get3A_699 = arith.index_cast %add3A_665 : i32 to index
        %get3A_700 = arith.constant 48 : index
        %get3A_701 = tpu.vector_load %arg12[%get3A_698, %get3A_699, %get3A_700] {strides = array<i32>} : memref<2x96x128xf32, #tpu.memory_space<vmem>>, vector<16xf32>,
        %mul3A_702 = arith.mulf %get3A_701, %gather3A_670 : vector<16xf32>
        %swap3A_703 = arith.index_cast %and3A_221 : i32 to index
        %swap3A_704 = arith.index_cast %add3A_665 : i32 to index
        %swap3A_705 = arith.constant 48 : index
        %swap3A_706 = tpu.vector_load %arg12[%swap3A_703, %swap3A_704, %swap3A_705] {strides = array<i32>} : memref<2x96x128xf32, #tpu.memory_space<vmem>>, vector<16xf32>,
        tpu.vector_store %arg12[%swap3A_703, %swap3A_704, %swap3A_705], %mul3A_702 {strides = array<i32>} : memref<2x96x128xf32, #tpu.memory_space<vmem>>, vector<16xf32>,
        %get3A_707 = arith.index_cast %and3A_221 : i32 to index
        %get3A_708 = arith.index_cast %add3A_665 : i32 to index
        %get3A_709 = arith.constant 64 : index
        %get3A_710 = tpu.vector_load %arg12[%get3A_707, %get3A_708, %get3A_709] {strides = array<i32>} : memref<2x96x128xf32, #tpu.memory_space<vmem>>, vector<16xf32>,
        %mul3A_711 = arith.mulf %get3A_710, %gather3A_670 : vector<16xf32>
        %swap3A_712 = arith.index_cast %and3A_221 : i32 to index
        %swap3A_713 = arith.index_cast %add3A_665 : i32 to index
        %swap3A_714 = arith.constant 64 : index
        %swap3A_715 = tpu.vector_load %arg12[%swap3A_712, %swap3A_713, %swap3A_714] {strides = array<i32>} : memref<2x96x128xf32, #tpu.memory_space<vmem>>, vector<16xf32>,
        tpu.vector_store %arg12[%swap3A_712, %swap3A_713, %swap3A_714], %mul3A_711 {strides = array<i32>} : memref<2x96x128xf32, #tpu.memory_space<vmem>>, vector<16xf32>,
        %get3A_716 = arith.index_cast %and3A_221 : i32 to index
        %get3A_717 = arith.index_cast %add3A_665 : i32 to index
        %get3A_718 = arith.constant 80 : index
        %get3A_719 = tpu.vector_load %arg12[%get3A_716, %get3A_717, %get3A_718] {strides = array<i32>} : memref<2x96x128xf32, #tpu.memory_space<vmem>>, vector<16xf32>,
        %mul3A_720 = arith.mulf %get3A_719, %gather3A_670 : vector<16xf32>
        %swap3A_721 = arith.index_cast %and3A_221 : i32 to index
        %swap3A_722 = arith.index_cast %add3A_665 : i32 to index
        %swap3A_723 = arith.constant 80 : index
        %swap3A_724 = tpu.vector_load %arg12[%swap3A_721, %swap3A_722, %swap3A_723] {strides = array<i32>} : memref<2x96x128xf32, #tpu.memory_space<vmem>>, vector<16xf32>,
        tpu.vector_store %arg12[%swap3A_721, %swap3A_722, %swap3A_723], %mul3A_720 {strides = array<i32>} : memref<2x96x128xf32, #tpu.memory_space<vmem>>, vector<16xf32>,
        %get3A_725 = arith.index_cast %and3A_221 : i32 to index
        %get3A_726 = arith.index_cast %add3A_665 : i32 to index
        %get3A_727 = arith.constant 96 : index
        %get3A_728 = tpu.vector_load %arg12[%get3A_725, %get3A_726, %get3A_727] {strides = array<i32>} : memref<2x96x128xf32, #tpu.memory_space<vmem>>, vector<16xf32>,
        %mul3A_729 = arith.mulf %get3A_728, %gather3A_670 : vector<16xf32>
        %swap3A_730 = arith.index_cast %and3A_221 : i32 to index
        %swap3A_731 = arith.index_cast %add3A_665 : i32 to index
        %swap3A_732 = arith.constant 96 : index
        %swap3A_733 = tpu.vector_load %arg12[%swap3A_730, %swap3A_731, %swap3A_732] {strides = array<i32>} : memref<2x96x128xf32, #tpu.memory_space<vmem>>, vector<16xf32>,
        tpu.vector_store %arg12[%swap3A_730, %swap3A_731, %swap3A_732], %mul3A_729 {strides = array<i32>} : memref<2x96x128xf32, #tpu.memory_space<vmem>>, vector<16xf32>,
        %get3A_734 = arith.index_cast %and3A_221 : i32 to index
        %get3A_735 = arith.index_cast %add3A_665 : i32 to index
        %get3A_736 = arith.constant 112 : index
        %get3A_737 = tpu.vector_load %arg12[%get3A_734, %get3A_735, %get3A_736] {strides = array<i32>} : memref<2x96x128xf32, #tpu.memory_space<vmem>>, vector<16xf32>,
        %mul3A_738 = arith.mulf %get3A_737, %gather3A_670 : vector<16xf32>
        %swap3A_739 = arith.index_cast %and3A_221 : i32 to index
        %swap3A_740 = arith.index_cast %add3A_665 : i32 to index
        %swap3A_741 = arith.constant 112 : index
        %swap3A_742 = tpu.vector_load %arg12[%swap3A_739, %swap3A_740, %swap3A_741] {strides = array<i32>} : memref<2x96x128xf32, #tpu.memory_space<vmem>>, vector<16xf32>,
        tpu.vector_store %arg12[%swap3A_739, %swap3A_740, %swap3A_741], %mul3A_738 {strides = array<i32>} : memref<2x96x128xf32, #tpu.memory_space<vmem>>, vector<16xf32>,
        %mul3A_743 = arith.constant 4 : i32
        %mul3A_744 = arith.muli %scan3A_499, %mul3A_743 : i32
        %add3A_745 = arith.constant 3 : i32
        %add3A_746 = arith.addi %mul3A_744, %add3A_745 : i32
        %broadcast_in_dim3A_747 = vector.broadcast %add3A_746 : i32 to vector<16xi32>
        %gather3A_748 = arith.constant 0 : i32
        %gather3A_749 = tpu.memref_slice %arg13[%and3A_221, %gather3A_748] : memref<2x96xf32, #tpu.memory_space<vmem>> -> memref<1x96xf32, #tpu.memory_space<vmem>>
        %gather3A_750 = tpu.memref_squeeze %gather3A_749 : memref<1x96xf32, #tpu.memory_space<vmem>> -> memref<96xf32, #tpu.memory_space<vmem>>
        %gather3A_751 = tpu.vector_load_idx %gather3A_750[%broadcast_in_dim3A_747] : memref<96xf32, #tpu.memory_space<vmem>>[vector<16xi32>], vector<16xf32>,
        %get3A_752 = arith.index_cast %and3A_221 : i32 to index
        %get3A_753 = arith.index_cast %add3A_746 : i32 to index
        %get3A_754 = arith.constant 0 : index
        %get3A_755 = tpu.vector_load %arg12[%get3A_752, %get3A_753, %get3A_754] {strides = array<i32>} : memref<2x96x128xf32, #tpu.memory_space<vmem>>, vector<16xf32>,
        %mul3A_756 = arith.mulf %get3A_755, %gather3A_751 : vector<16xf32>
        %swap3A_757 = arith.index_cast %and3A_221 : i32 to index
        %swap3A_758 = arith.index_cast %add3A_746 : i32 to index
        %swap3A_759 = arith.constant 0 : index
        %swap3A_760 = tpu.vector_load %arg12[%swap3A_757, %swap3A_758, %swap3A_759] {strides = array<i32>} : memref<2x96x128xf32, #tpu.memory_space<vmem>>, vector<16xf32>,
        tpu.vector_store %arg12[%swap3A_757, %swap3A_758, %swap3A_759], %mul3A_756 {strides = array<i32>} : memref<2x96x128xf32, #tpu.memory_space<vmem>>, vector<16xf32>,
        %get3A_761 = arith.index_cast %and3A_221 : i32 to index
        %get3A_762 = arith.index_cast %add3A_746 : i32 to index
        %get3A_763 = arith.constant 16 : index
        %get3A_764 = tpu.vector_load %arg12[%get3A_761, %get3A_762, %get3A_763] {strides = array<i32>} : memref<2x96x128xf32, #tpu.memory_space<vmem>>, vector<16xf32>,
        %mul3A_765 = arith.mulf %get3A_764, %gather3A_751 : vector<16xf32>
        %swap3A_766 = arith.index_cast %and3A_221 : i32 to index
        %swap3A_767 = arith.index_cast %add3A_746 : i32 to index
        %swap3A_768 = arith.constant 16 : index
        %swap3A_769 = tpu.vector_load %arg12[%swap3A_766, %swap3A_767, %swap3A_768] {strides = array<i32>} : memref<2x96x128xf32, #tpu.memory_space<vmem>>, vector<16xf32>,
        tpu.vector_store %arg12[%swap3A_766, %swap3A_767, %swap3A_768], %mul3A_765 {strides = array<i32>} : memref<2x96x128xf32, #tpu.memory_space<vmem>>, vector<16xf32>,
        %get3A_770 = arith.index_cast %and3A_221 : i32 to index
        %get3A_771 = arith.index_cast %add3A_746 : i32 to index
        %get3A_772 = arith.constant 32 : index
        %get3A_773 = tpu.vector_load %arg12[%get3A_770, %get3A_771, %get3A_772] {strides = array<i32>} : memref<2x96x128xf32, #tpu.memory_space<vmem>>, vector<16xf32>,
        %mul3A_774 = arith.mulf %get3A_773, %gather3A_751 : vector<16xf32>
        %swap3A_775 = arith.index_cast %and3A_221 : i32 to index
        %swap3A_776 = arith.index_cast %add3A_746 : i32 to index
        %swap3A_777 = arith.constant 32 : index
        %swap3A_778 = tpu.vector_load %arg12[%swap3A_775, %swap3A_776, %swap3A_777] {strides = array<i32>} : memref<2x96x128xf32, #tpu.memory_space<vmem>>, vector<16xf32>,
        tpu.vector_store %arg12[%swap3A_775, %swap3A_776, %swap3A_777], %mul3A_774 {strides = array<i32>} : memref<2x96x128xf32, #tpu.memory_space<vmem>>, vector<16xf32>,
        %get3A_779 = arith.index_cast %and3A_221 : i32 to index
        %get3A_780 = arith.index_cast %add3A_746 : i32 to index
        %get3A_781 = arith.constant 48 : index
        %get3A_782 = tpu.vector_load %arg12[%get3A_779, %get3A_780, %get3A_781] {strides = array<i32>} : memref<2x96x128xf32, #tpu.memory_space<vmem>>, vector<16xf32>,
        %mul3A_783 = arith.mulf %get3A_782, %gather3A_751 : vector<16xf32>
        %swap3A_784 = arith.index_cast %and3A_221 : i32 to index
        %swap3A_785 = arith.index_cast %add3A_746 : i32 to index
        %swap3A_786 = arith.constant 48 : index
        %swap3A_787 = tpu.vector_load %arg12[%swap3A_784, %swap3A_785, %swap3A_786] {strides = array<i32>} : memref<2x96x128xf32, #tpu.memory_space<vmem>>, vector<16xf32>,
        tpu.vector_store %arg12[%swap3A_784, %swap3A_785, %swap3A_786], %mul3A_783 {strides = array<i32>} : memref<2x96x128xf32, #tpu.memory_space<vmem>>, vector<16xf32>,
        %get3A_788 = arith.index_cast %and3A_221 : i32 to index
        %get3A_789 = arith.index_cast %add3A_746 : i32 to index
        %get3A_790 = arith.constant 64 : index
        %get3A_791 = tpu.vector_load %arg12[%get3A_788, %get3A_789, %get3A_790] {strides = array<i32>} : memref<2x96x128xf32, #tpu.memory_space<vmem>>, vector<16xf32>,
        %mul3A_792 = arith.mulf %get3A_791, %gather3A_751 : vector<16xf32>
        %swap3A_793 = arith.index_cast %and3A_221 : i32 to index
        %swap3A_794 = arith.index_cast %add3A_746 : i32 to index
        %swap3A_795 = arith.constant 64 : index
        %swap3A_796 = tpu.vector_load %arg12[%swap3A_793, %swap3A_794, %swap3A_795] {strides = array<i32>} : memref<2x96x128xf32, #tpu.memory_space<vmem>>, vector<16xf32>,
        tpu.vector_store %arg12[%swap3A_793, %swap3A_794, %swap3A_795], %mul3A_792 {strides = array<i32>} : memref<2x96x128xf32, #tpu.memory_space<vmem>>, vector<16xf32>,
        %get3A_797 = arith.index_cast %and3A_221 : i32 to index
        %get3A_798 = arith.index_cast %add3A_746 : i32 to index
        %get3A_799 = arith.constant 80 : index
        %get3A_800 = tpu.vector_load %arg12[%get3A_797, %get3A_798, %get3A_799] {strides = array<i32>} : memref<2x96x128xf32, #tpu.memory_space<vmem>>, vector<16xf32>,
        %mul3A_801 = arith.mulf %get3A_800, %gather3A_751 : vector<16xf32>
        %swap3A_802 = arith.index_cast %and3A_221 : i32 to index
        %swap3A_803 = arith.index_cast %add3A_746 : i32 to index
        %swap3A_804 = arith.constant 80 : index
        %swap3A_805 = tpu.vector_load %arg12[%swap3A_802, %swap3A_803, %swap3A_804] {strides = array<i32>} : memref<2x96x128xf32, #tpu.memory_space<vmem>>, vector<16xf32>,
        tpu.vector_store %arg12[%swap3A_802, %swap3A_803, %swap3A_804], %mul3A_801 {strides = array<i32>} : memref<2x96x128xf32, #tpu.memory_space<vmem>>, vector<16xf32>,
        %get3A_806 = arith.index_cast %and3A_221 : i32 to index
        %get3A_807 = arith.index_cast %add3A_746 : i32 to index
        %get3A_808 = arith.constant 96 : index
        %get3A_809 = tpu.vector_load %arg12[%get3A_806, %get3A_807, %get3A_808] {strides = array<i32>} : memref<2x96x128xf32, #tpu.memory_space<vmem>>, vector<16xf32>,
        %mul3A_810 = arith.mulf %get3A_809, %gather3A_751 : vector<16xf32>
        %swap3A_811 = arith.index_cast %and3A_221 : i32 to index
        %swap3A_812 = arith.index_cast %add3A_746 : i32 to index
        %swap3A_813 = arith.constant 96 : index
        %swap3A_814 = tpu.vector_load %arg12[%swap3A_811, %swap3A_812, %swap3A_813] {strides = array<i32>} : memref<2x96x128xf32, #tpu.memory_space<vmem>>, vector<16xf32>,
        tpu.vector_store %arg12[%swap3A_811, %swap3A_812, %swap3A_813], %mul3A_810 {strides = array<i32>} : memref<2x96x128xf32, #tpu.memory_space<vmem>>, vector<16xf32>,
        %get3A_815 = arith.index_cast %and3A_221 : i32 to index
        %get3A_816 = arith.index_cast %add3A_746 : i32 to index
        %get3A_817 = arith.constant 112 : index
        %get3A_818 = tpu.vector_load %arg12[%get3A_815, %get3A_816, %get3A_817] {strides = array<i32>} : memref<2x96x128xf32, #tpu.memory_space<vmem>>, vector<16xf32>,
        %mul3A_819 = arith.mulf %get3A_818, %gather3A_751 : vector<16xf32>
        %swap3A_820 = arith.index_cast %and3A_221 : i32 to index
        %swap3A_821 = arith.index_cast %add3A_746 : i32 to index
        %swap3A_822 = arith.constant 112 : index
        %swap3A_823 = tpu.vector_load %arg12[%swap3A_820, %swap3A_821, %swap3A_822] {strides = array<i32>} : memref<2x96x128xf32, #tpu.memory_space<vmem>>, vector<16xf32>,
        tpu.vector_store %arg12[%swap3A_820, %swap3A_821, %swap3A_822], %mul3A_819 {strides = array<i32>} : memref<2x96x128xf32, #tpu.memory_space<vmem>>, vector<16xf32>,
      }
      %scan3A_477 = arith.constant 24 : i32
      %dma_start3A_478 = arith.constant 0 : i32
      %dma_start3A_479 = tpu.memref_slice %arg13[%and3A_221, %dma_start3A_478] : memref<2x96xf32, #tpu.memory_space<vmem>> -> memref<1x96xf32, #tpu.memory_space<vmem>>
      %dma_start3A_480 = tpu.memref_squeeze %dma_start3A_479 : memref<1x96xf32, #tpu.memory_space<vmem>> -> memref<96xf32, #tpu.memory_space<vmem>>
      %dma_start3A_481 = arith.constant 0 : i32
      %dma_start3A_482 = tpu.memref_slice %arg16[%and3A_221, %dma_start3A_481] : memref<2x96xi32, #tpu.memory_space<vmem>> -> memref<1x96xi32, #tpu.memory_space<vmem>>
      %dma_start3A_483 = tpu.memref_squeeze %dma_start3A_482 : memref<1x96xi32, #tpu.memory_space<vmem>> -> memref<96xi32, #tpu.memory_space<vmem>>
      %dma_start3A_484 = arith.constant 0 : i32
      %dma_start3A_485 = tpu.memref_slice %arg20[%dma_start3A_484] : memref<10240xf32, #tpu.memory_space<vmem_shared>> -> memref<10240xf32, #tpu.memory_space<vmem_shared>>
      tpu.enqueue_indirect_dma source(%dma_start3A_480 : memref<96xf32, #tpu.memory_space<vmem>>) target(%dma_start3A_485 : memref<10240xf32, #tpu.memory_space<vmem_shared>>) offsets(%dma_start3A_483 : memref<96xi32, #tpu.memory_space<vmem>>) semaphore(%arg24 : memref<!tpu.dma_semaphore, #tpu.memory_space<semaphore_mem>>) {add = true}
      %dma_start3A_486 = arith.constant 0 : i32
      %dma_start3A_487 = arith.constant 0 : i32
      %dma_start3A_488 = tpu.memref_slice %arg12[%and3A_221, %dma_start3A_486, %dma_start3A_487] : memref<2x96x128xf32, #tpu.memory_space<vmem>> -> memref<1x96x128xf32, #tpu.memory_space<vmem>>
      %dma_start3A_489 = tpu.memref_squeeze %dma_start3A_488 : memref<1x96x128xf32, #tpu.memory_space<vmem>> -> memref<96x128xf32, #tpu.memory_space<vmem>>
      %dma_start3A_490 = arith.constant 0 : i32
      %dma_start3A_491 = tpu.memref_slice %arg16[%and3A_221, %dma_start3A_490] : memref<2x96xi32, #tpu.memory_space<vmem>> -> memref<1x96xi32, #tpu.memory_space<vmem>>
      %dma_start3A_492 = tpu.memref_squeeze %dma_start3A_491 : memref<1x96xi32, #tpu.memory_space<vmem>> -> memref<96xi32, #tpu.memory_space<vmem>>
      %dma_start3A_493 = arith.constant 0 : i32
      %dma_start3A_494 = arith.constant 0 : i32
      %dma_start3A_495 = tpu.memref_slice %arg19[%dma_start3A_493, %dma_start3A_494] : memref<10240x128xf32, #tpu.memory_space<vmem_shared>> -> memref<10240x128xf32, #tpu.memory_space<vmem_shared>>
      tpu.enqueue_indirect_dma source(%dma_start3A_489 : memref<96x128xf32, #tpu.memory_space<vmem>>) target(%dma_start3A_495 : memref<10240x128xf32, #tpu.memory_space<vmem_shared>>) offsets(%dma_start3A_492 : memref<96xi32, #tpu.memory_space<vmem>>) semaphore(%arg22 : memref<!tpu.dma_semaphore, #tpu.memory_space<semaphore_mem>>) {add = true}
      %add3A_496 = arith.constant 1 : i32
      %add3A_497 = arith.addi %while3A_220, %add3A_496 : i32
      %lt3A = arith.cmpi slt, %add3A_497, %select_n3A : i32
      %convert_element_type3A = arith.extui %lt3A : i1 to i32
      %cond3A = arith.constant 0 : i32
      %cond3A_498 = arith.cmpi ne, %convert_element_type3A, %cond3A : i32
      scf.if %cond3A_498 {
        %add3A_499 = arith.constant 1 : i32
        %add3A_500 = arith.addi %while3A_220, %add3A_499 : i32
        %add3A_501 = arith.addi %select_n3A_8, %add3A_500 : i32
        %and3A_502 = arith.constant 1 : i32
        %and3A_503 = arith.andi %add3A_500, %and3A_502 : i32
        %dma_wait3A_504 = arith.constant 0 : i32
        %dma_wait3A_505 = arith.constant 0 : i32
        %dma_wait3A_506 = tpu.memref_slice %arg14[%and3A_503, %dma_wait3A_504, %dma_wait3A_505] : memref<2x2x96xi32, #tpu.memory_space<vmem>> -> memref<1x2x96xi32, #tpu.memory_space<vmem>>
        %dma_wait3A_507 = tpu.memref_squeeze %dma_wait3A_506 : memref<1x2x96xi32, #tpu.memory_space<vmem>> -> memref<2x96xi32, #tpu.memory_space<vmem>>
        %dma_wait3A_508 = arith.constant 0 : i32
        %dma_wait3A_509 = arith.constant 0 : i32
        %dma_wait3A_510 = tpu.memref_slice %arg3[%add3A_501, %dma_wait3A_508, %dma_wait3A_509] : memref<3360x2x96xi32, #tpu.memory_space<hbm>> -> memref<1x2x96xi32, #tpu.memory_space<hbm>>
        %dma_wait3A_511 = tpu.memref_squeeze %dma_wait3A_510 : memref<1x2x96xi32, #tpu.memory_space<hbm>> -> memref<2x96xi32, #tpu.memory_space<hbm>>
        %dma_wait3A_512 = arith.constant 0 : i32
        %dma_wait3A_513 = arith.constant 0 : i32
        %dma_wait3A_514 = tpu.memref_slice %arg14[%and3A_503, %dma_wait3A_512, %dma_wait3A_513] : memref<2x2x96xi32, #tpu.memory_space<vmem>> -> memref<1x2x96xi32, #tpu.memory_space<vmem>>
        %dma_wait3A_515 = tpu.memref_squeeze %dma_wait3A_514 : memref<1x2x96xi32, #tpu.memory_space<vmem>> -> memref<2x96xi32, #tpu.memory_space<vmem>>
        %dma_wait3A_516 = arith.constant 0 : i32
        %dma_wait3A_517 = arith.constant 0 : i32
        %dma_wait3A_518 = tpu.memref_slice %arg3[%add3A_501, %dma_wait3A_516, %dma_wait3A_517] : memref<3360x2x96xi32, #tpu.memory_space<hbm>> -> memref<1x2x96xi32, #tpu.memory_space<hbm>>
        %dma_wait3A_519 = tpu.memref_squeeze %dma_wait3A_518 : memref<1x2x96xi32, #tpu.memory_space<hbm>> -> memref<2x96xi32, #tpu.memory_space<hbm>>
        tpu.wait_dma2 semaphore(%arg23 : memref<!tpu.dma_semaphore, #tpu.memory_space<semaphore_mem>>) src(%dma_wait3A_519 : memref<2x96xi32, #tpu.memory_space<hbm>>) dst(%dma_wait3A_515 : memref<2x96xi32, #tpu.memory_space<vmem>>)
        %gt3A_520 = arith.constant 0 : i32
        %gt3A_521 = arith.cmpi sgt, %while3A_220, %gt3A_520 : i32
        %convert_element_type3A_522 = arith.extui %gt3A_521 : i1 to i32
        %cond3A_523 = arith.constant 0 : i32
        %cond3A_524 = arith.cmpi ne, %convert_element_type3A_522, %cond3A_523 : i32
        scf.if %cond3A_524 {
          %sub3A_601 = arith.constant 1 : i32
          %sub3A_602 = arith.subi %sub3A_601, %and3A_221 : i32
          %dma_wait3A_603 = arith.constant 0 : i32
          %dma_wait3A_604 = arith.constant 0 : i32
          %dma_wait3A_605 = tpu.memref_slice %arg12[%sub3A_602, %dma_wait3A_603, %dma_wait3A_604] : memref<2x96x128xf32, #tpu.memory_space<vmem>> -> memref<1x96x128xf32, #tpu.memory_space<vmem>>
          %dma_wait3A_606 = tpu.memref_squeeze %dma_wait3A_605 : memref<1x96x128xf32, #tpu.memory_space<vmem>> -> memref<96x128xf32, #tpu.memory_space<vmem>>
          %dma_wait3A_607 = arith.constant 0 : i32
          %dma_wait3A_608 = tpu.memref_slice %arg16[%sub3A_602, %dma_wait3A_607] : memref<2x96xi32, #tpu.memory_space<vmem>> -> memref<1x96xi32, #tpu.memory_space<vmem>>
          %dma_wait3A_609 = tpu.memref_squeeze %dma_wait3A_608 : memref<1x96xi32, #tpu.memory_space<vmem>> -> memref<96xi32, #tpu.memory_space<vmem>>
          %dma_wait3A_610 = arith.constant 0 : i32
          %dma_wait3A_611 = arith.constant 0 : i32
          %dma_wait3A_612 = tpu.memref_slice %arg19[%dma_wait3A_610, %dma_wait3A_611] : memref<10240x128xf32, #tpu.memory_space<vmem_shared>> -> memref<10240x128xf32, #tpu.memory_space<vmem_shared>>
          tpu.wait_indirect_dma semaphore(%arg22 : memref<!tpu.dma_semaphore, #tpu.memory_space<semaphore_mem>>) src(%dma_wait3A_606 : memref<96x128xf32, #tpu.memory_space<vmem>>) dst(%dma_wait3A_612 : memref<10240x128xf32, #tpu.memory_space<vmem_shared>>)
          %dma_wait3A_613 = arith.constant 0 : i32
          %dma_wait3A_614 = tpu.memref_slice %arg13[%sub3A_602, %dma_wait3A_613] : memref<2x96xf32, #tpu.memory_space<vmem>> -> memref<1x96xf32, #tpu.memory_space<vmem>>
          %dma_wait3A_615 = tpu.memref_squeeze %dma_wait3A_614 : memref<1x96xf32, #tpu.memory_space<vmem>> -> memref<96xf32, #tpu.memory_space<vmem>>
          %dma_wait3A_616 = arith.constant 0 : i32
          %dma_wait3A_617 = tpu.memref_slice %arg16[%sub3A_602, %dma_wait3A_616] : memref<2x96xi32, #tpu.memory_space<vmem>> -> memref<1x96xi32, #tpu.memory_space<vmem>>
          %dma_wait3A_618 = tpu.memref_squeeze %dma_wait3A_617 : memref<1x96xi32, #tpu.memory_space<vmem>> -> memref<96xi32, #tpu.memory_space<vmem>>
          %dma_wait3A_619 = arith.constant 0 : i32
          %dma_wait3A_620 = tpu.memref_slice %arg20[%dma_wait3A_619] : memref<10240xf32, #tpu.memory_space<vmem_shared>> -> memref<10240xf32, #tpu.memory_space<vmem_shared>>
          tpu.wait_indirect_dma semaphore(%arg24 : memref<!tpu.dma_semaphore, #tpu.memory_space<semaphore_mem>>) src(%dma_wait3A_615 : memref<96xf32, #tpu.memory_space<vmem>>) dst(%dma_wait3A_620 : memref<10240xf32, #tpu.memory_space<vmem_shared>>)
        } else {
        }
        %add3A_525 = arith.constant 1 : i32
        %add3A_526 = arith.addi %while3A_220, %add3A_525 : i32
        %and3A_527 = arith.constant 1 : i32
        %and3A_528 = arith.andi %add3A_526, %and3A_527 : i32
        %get3A_529 = arith.constant 0 : i32
        %get3A_530 = arith.constant 0 : i32
        %get3A_531 = tpu.memref_slice %arg14[%and3A_528, %get3A_529, %get3A_530] : memref<2x2x96xi32, #tpu.memory_space<vmem>> -> memref<1x1x96xi32, #tpu.memory_space<vmem>>
        %get3A_532 = tpu.memref_squeeze %get3A_531 : memref<1x1x96xi32, #tpu.memory_space<vmem>> -> memref<96xi32, #tpu.memory_space<vmem>>
        %get3A_533 = arith.constant 0 : index
        %get3A_534 = tpu.vector_load %get3A_532[%get3A_533] {strides = array<i32>} : memref<96xi32, #tpu.memory_space<vmem>>, vector<16xi32>,
        %swap3A_535 = arith.constant 0 : index
        %swap3A_536 = tpu.vector_load %arg17[%swap3A_535] {strides = array<i32>} : memref<96xi32, #tpu.memory_space<vmem>>, vector<16xi32>,
        tpu.vector_store %arg17[%swap3A_535], %get3A_534 {strides = array<i32>} : memref<96xi32, #tpu.memory_space<vmem>>, vector<16xi32>,
        %get3A_537 = arith.constant 0 : i32
        %get3A_538 = arith.constant 0 : i32
        %get3A_539 = tpu.memref_slice %arg14[%and3A_528, %get3A_537, %get3A_538] : memref<2x2x96xi32, #tpu.memory_space<vmem>> -> memref<1x1x96xi32, #tpu.memory_space<vmem>>
        %get3A_540 = tpu.memref_squeeze %get3A_539 : memref<1x1x96xi32, #tpu.memory_space<vmem>> -> memref<96xi32, #tpu.memory_space<vmem>>
        %get3A_541 = arith.constant 16 : index
        %get3A_542 = tpu.vector_load %get3A_540[%get3A_541] {strides = array<i32>} : memref<96xi32, #tpu.memory_space<vmem>>, vector<16xi32>,
        %swap3A_543 = arith.constant 16 : index
        %swap3A_544 = tpu.vector_load %arg17[%swap3A_543] {strides = array<i32>} : memref<96xi32, #tpu.memory_space<vmem>>, vector<16xi32>,
        tpu.vector_store %arg17[%swap3A_543], %get3A_542 {strides = array<i32>} : memref<96xi32, #tpu.memory_space<vmem>>, vector<16xi32>,
        %get3A_545 = arith.constant 0 : i32
        %get3A_546 = arith.constant 0 : i32
        %get3A_547 = tpu.memref_slice %arg14[%and3A_528, %get3A_545, %get3A_546] : memref<2x2x96xi32, #tpu.memory_space<vmem>> -> memref<1x1x96xi32, #tpu.memory_space<vmem>>
        %get3A_548 = tpu.memref_squeeze %get3A_547 : memref<1x1x96xi32, #tpu.memory_space<vmem>> -> memref<96xi32, #tpu.memory_space<vmem>>
        %get3A_549 = arith.constant 32 : index
        %get3A_550 = tpu.vector_load %get3A_548[%get3A_549] {strides = array<i32>} : memref<96xi32, #tpu.memory_space<vmem>>, vector<16xi32>,
        %swap3A_551 = arith.constant 32 : index
        %swap3A_552 = tpu.vector_load %arg17[%swap3A_551] {strides = array<i32>} : memref<96xi32, #tpu.memory_space<vmem>>, vector<16xi32>,
        tpu.vector_store %arg17[%swap3A_551], %get3A_550 {strides = array<i32>} : memref<96xi32, #tpu.memory_space<vmem>>, vector<16xi32>,
        %get3A_553 = arith.constant 0 : i32
        %get3A_554 = arith.constant 0 : i32
        %get3A_555 = tpu.memref_slice %arg14[%and3A_528, %get3A_553, %get3A_554] : memref<2x2x96xi32, #tpu.memory_space<vmem>> -> memref<1x1x96xi32, #tpu.memory_space<vmem>>
        %get3A_556 = tpu.memref_squeeze %get3A_555 : memref<1x1x96xi32, #tpu.memory_space<vmem>> -> memref<96xi32, #tpu.memory_space<vmem>>
        %get3A_557 = arith.constant 48 : index
        %get3A_558 = tpu.vector_load %get3A_556[%get3A_557] {strides = array<i32>} : memref<96xi32, #tpu.memory_space<vmem>>, vector<16xi32>,
        %swap3A_559 = arith.constant 48 : index
        %swap3A_560 = tpu.vector_load %arg17[%swap3A_559] {strides = array<i32>} : memref<96xi32, #tpu.memory_space<vmem>>, vector<16xi32>,
        tpu.vector_store %arg17[%swap3A_559], %get3A_558 {strides = array<i32>} : memref<96xi32, #tpu.memory_space<vmem>>, vector<16xi32>,
        %get3A_561 = arith.constant 0 : i32
        %get3A_562 = arith.constant 0 : i32
        %get3A_563 = tpu.memref_slice %arg14[%and3A_528, %get3A_561, %get3A_562] : memref<2x2x96xi32, #tpu.memory_space<vmem>> -> memref<1x1x96xi32, #tpu.memory_space<vmem>>
        %get3A_564 = tpu.memref_squeeze %get3A_563 : memref<1x1x96xi32, #tpu.memory_space<vmem>> -> memref<96xi32, #tpu.memory_space<vmem>>
        %get3A_565 = arith.constant 64 : index
        %get3A_566 = tpu.vector_load %get3A_564[%get3A_565] {strides = array<i32>} : memref<96xi32, #tpu.memory_space<vmem>>, vector<16xi32>,
        %swap3A_567 = arith.constant 64 : index
        %swap3A_568 = tpu.vector_load %arg17[%swap3A_567] {strides = array<i32>} : memref<96xi32, #tpu.memory_space<vmem>>, vector<16xi32>,
        tpu.vector_store %arg17[%swap3A_567], %get3A_566 {strides = array<i32>} : memref<96xi32, #tpu.memory_space<vmem>>, vector<16xi32>,
        %get3A_569 = arith.constant 0 : i32
        %get3A_570 = arith.constant 0 : i32
        %get3A_571 = tpu.memref_slice %arg14[%and3A_528, %get3A_569, %get3A_570] : memref<2x2x96xi32, #tpu.memory_space<vmem>> -> memref<1x1x96xi32, #tpu.memory_space<vmem>>
        %get3A_572 = tpu.memref_squeeze %get3A_571 : memref<1x1x96xi32, #tpu.memory_space<vmem>> -> memref<96xi32, #tpu.memory_space<vmem>>
        %get3A_573 = arith.constant 80 : index
        %get3A_574 = tpu.vector_load %get3A_572[%get3A_573] {strides = array<i32>} : memref<96xi32, #tpu.memory_space<vmem>>, vector<16xi32>,
        %swap3A_575 = arith.constant 80 : index
        %swap3A_576 = tpu.vector_load %arg17[%swap3A_575] {strides = array<i32>} : memref<96xi32, #tpu.memory_space<vmem>>, vector<16xi32>,
        tpu.vector_store %arg17[%swap3A_575], %get3A_574 {strides = array<i32>} : memref<96xi32, #tpu.memory_space<vmem>>, vector<16xi32>,
        %dma_start3A_577 = arith.constant 0 : i32
        %dma_start3A_578 = arith.constant 0 : i32
        %dma_start3A_579 = tpu.memref_slice %arg12[%and3A_528, %dma_start3A_577, %dma_start3A_578] : memref<2x96x128xf32, #tpu.memory_space<vmem>> -> memref<1x48x128xf32, #tpu.memory_space<vmem>>
        %dma_start3A_580 = tpu.memref_squeeze %dma_start3A_579 : memref<1x48x128xf32, #tpu.memory_space<vmem>> -> memref<48x128xf32, #tpu.memory_space<vmem>>
        %dma_start3A_581 = arith.constant 0 : i32
        %dma_start3A_582 = tpu.memref_slice %arg17[%dma_start3A_581] : memref<96xi32, #tpu.memory_space<vmem>> -> memref<48xi32, #tpu.memory_space<vmem>>
        %dma_start3A_583 = arith.constant 0 : i32
        %dma_start3A_584 = arith.constant 0 : i32
        %dma_start3A_585 = tpu.memref_slice %arg2[%dma_start3A_583, %dma_start3A_584] : memref<10240x128xf32, #tpu.memory_space<hbm>> -> memref<10240x128xf32, #tpu.memory_space<hbm>>
        tpu.enqueue_indirect_dma source(%dma_start3A_585 : memref<10240x128xf32, #tpu.memory_space<hbm>>) target(%dma_start3A_580 : memref<48x128xf32, #tpu.memory_space<vmem>>) offsets(%dma_start3A_582 : memref<48xi32, #tpu.memory_space<vmem>>) semaphore(%arg21 : memref<!tpu.dma_semaphore, #tpu.memory_space<semaphore_mem>>)
        %dma_start3A_586 = arith.constant 48 : i32
        %dma_start3A_587 = arith.constant 0 : i32
        %dma_start3A_588 = tpu.memref_slice %arg12[%and3A_528, %dma_start3A_586, %dma_start3A_587] : memref<2x96x128xf32, #tpu.memory_space<vmem>> -> memref<1x48x128xf32, #tpu.memory_space<vmem>>
        %dma_start3A_589 = tpu.memref_squeeze %dma_start3A_588 : memref<1x48x128xf32, #tpu.memory_space<vmem>> -> memref<48x128xf32, #tpu.memory_space<vmem>>
        %dma_start3A_590 = arith.constant 48 : i32
        %dma_start3A_591 = tpu.memref_slice %arg17[%dma_start3A_590] : memref<96xi32, #tpu.memory_space<vmem>> -> memref<48xi32, #tpu.memory_space<vmem>>
        %dma_start3A_592 = arith.constant 0 : i32
        %dma_start3A_593 = arith.constant 0 : i32
        %dma_start3A_594 = tpu.memref_slice %arg2[%dma_start3A_592, %dma_start3A_593] : memref<10240x128xf32, #tpu.memory_space<hbm>> -> memref<10240x128xf32, #tpu.memory_space<hbm>>
        tpu.enqueue_indirect_dma source(%dma_start3A_594 : memref<10240x128xf32, #tpu.memory_space<hbm>>) target(%dma_start3A_589 : memref<48x128xf32, #tpu.memory_space<vmem>>) offsets(%dma_start3A_591 : memref<48xi32, #tpu.memory_space<vmem>>) semaphore(%arg21 : memref<!tpu.dma_semaphore, #tpu.memory_space<semaphore_mem>>)
        %add3A_595 = arith.constant 2 : i32
        %add3A_596 = arith.addi %while3A_220, %add3A_595 : i32
        %lt3A_597 = arith.cmpi slt, %add3A_596, %select_n3A : i32
        %convert_element_type3A_598 = arith.extui %lt3A_597 : i1 to i32
        %cond3A_599 = arith.constant 0 : i32
        %cond3A_600 = arith.cmpi ne, %convert_element_type3A_598, %cond3A_599 : i32
        scf.if %cond3A_600 {
          %add3A_601 = arith.constant 2 : i32
          %add3A_602 = arith.addi %while3A_220, %add3A_601 : i32
          %add3A_603 = arith.addi %select_n3A_8, %add3A_602 : i32
          %and3A_604 = arith.constant 1 : i32
          %and3A_605 = arith.andi %add3A_602, %and3A_604 : i32
          %dma_start3A_606 = arith.constant 0 : i32
          %dma_start3A_607 = arith.constant 0 : i32
          %dma_start3A_608 = tpu.memref_slice %arg14[%and3A_605, %dma_start3A_606, %dma_start3A_607] : memref<2x2x96xi32, #tpu.memory_space<vmem>> -> memref<1x2x96xi32, #tpu.memory_space<vmem>>
          %dma_start3A_609 = tpu.memref_squeeze %dma_start3A_608 : memref<1x2x96xi32, #tpu.memory_space<vmem>> -> memref<2x96xi32, #tpu.memory_space<vmem>>
          %dma_start3A_610 = arith.constant 0 : i32
          %dma_start3A_611 = arith.constant 0 : i32
          %dma_start3A_612 = tpu.memref_slice %arg3[%add3A_603, %dma_start3A_610, %dma_start3A_611] : memref<3360x2x96xi32, #tpu.memory_space<hbm>> -> memref<1x2x96xi32, #tpu.memory_space<hbm>>
          %dma_start3A_613 = tpu.memref_squeeze %dma_start3A_612 : memref<1x2x96xi32, #tpu.memory_space<hbm>> -> memref<2x96xi32, #tpu.memory_space<hbm>>
          %dma_start3A_614 = arith.constant 0 : i32
          %dma_start3A_615 = arith.constant 0 : i32
          %dma_start3A_616 = tpu.memref_slice %arg14[%and3A_605, %dma_start3A_614, %dma_start3A_615] : memref<2x2x96xi32, #tpu.memory_space<vmem>> -> memref<1x2x96xi32, #tpu.memory_space<vmem>>
          %dma_start3A_617 = tpu.memref_squeeze %dma_start3A_616 : memref<1x2x96xi32, #tpu.memory_space<vmem>> -> memref<2x96xi32, #tpu.memory_space<vmem>>
          %dma_start3A_618 = arith.constant 0 : i32
          %dma_start3A_619 = arith.constant 0 : i32
          %dma_start3A_620 = tpu.memref_slice %arg3[%add3A_603, %dma_start3A_618, %dma_start3A_619] : memref<3360x2x96xi32, #tpu.memory_space<hbm>> -> memref<1x2x96xi32, #tpu.memory_space<hbm>>
          %dma_start3A_621 = tpu.memref_squeeze %dma_start3A_620 : memref<1x2x96xi32, #tpu.memory_space<hbm>> -> memref<2x96xi32, #tpu.memory_space<hbm>>
          tpu.enqueue_dma source(%dma_start3A_621 : memref<2x96xi32, #tpu.memory_space<hbm>>) target(%dma_start3A_617 : memref<2x96xi32, #tpu.memory_space<vmem>>) target_semaphore(%arg23 : memref<!tpu.dma_semaphore, #tpu.memory_space<semaphore_mem>>)
        } else {
        }
      } else {
      }
    }
    %dma_wait3A_167 = arith.constant 0 : i32
    %dma_wait3A_168 = arith.constant 0 : i32
    %dma_wait3A_169 = arith.constant 0 : i32
    %dma_wait3A_170 = arith.constant 0 : i32
    %dma_wait3A_171 = tpu.memref_slice %arg12[%dma_wait3A_167, %dma_wait3A_169, %dma_wait3A_170] : memref<2x96x128xf32, #tpu.memory_space<vmem>> -> memref<1x96x128xf32, #tpu.memory_space<vmem>>
    %dma_wait3A_172 = tpu.memref_squeeze %dma_wait3A_171 : memref<1x96x128xf32, #tpu.memory_space<vmem>> -> memref<96x128xf32, #tpu.memory_space<vmem>>
    %dma_wait3A_173 = arith.constant 0 : i32
    %dma_wait3A_174 = tpu.memref_slice %arg16[%dma_wait3A_168, %dma_wait3A_173] : memref<2x96xi32, #tpu.memory_space<vmem>> -> memref<1x96xi32, #tpu.memory_space<vmem>>
    %dma_wait3A_175 = tpu.memref_squeeze %dma_wait3A_174 : memref<1x96xi32, #tpu.memory_space<vmem>> -> memref<96xi32, #tpu.memory_space<vmem>>
    %dma_wait3A_176 = arith.constant 0 : i32
    %dma_wait3A_177 = arith.constant 0 : i32
    %dma_wait3A_178 = tpu.memref_slice %arg19[%dma_wait3A_176, %dma_wait3A_177] : memref<10240x128xf32, #tpu.memory_space<vmem_shared>> -> memref<10240x128xf32, #tpu.memory_space<vmem_shared>>
    tpu.wait_indirect_dma semaphore(%arg22 : memref<!tpu.dma_semaphore, #tpu.memory_space<semaphore_mem>>) src(%dma_wait3A_172 : memref<96x128xf32, #tpu.memory_space<vmem>>) dst(%dma_wait3A_178 : memref<10240x128xf32, #tpu.memory_space<vmem_shared>>)
    %dma_wait3A_179 = arith.constant 0 : i32
    %dma_wait3A_180 = arith.constant 0 : i32
    %dma_wait3A_181 = arith.constant 0 : i32
    %dma_wait3A_182 = tpu.memref_slice %arg13[%dma_wait3A_179, %dma_wait3A_181] : memref<2x96xf32, #tpu.memory_space<vmem>> -> memref<1x96xf32, #tpu.memory_space<vmem>>
    %dma_wait3A_183 = tpu.memref_squeeze %dma_wait3A_182 : memref<1x96xf32, #tpu.memory_space<vmem>> -> memref<96xf32, #tpu.memory_space<vmem>>
    %dma_wait3A_184 = arith.constant 0 : i32
    %dma_wait3A_185 = tpu.memref_slice %arg16[%dma_wait3A_180, %dma_wait3A_184] : memref<2x96xi32, #tpu.memory_space<vmem>> -> memref<1x96xi32, #tpu.memory_space<vmem>>
    %dma_wait3A_186 = tpu.memref_squeeze %dma_wait3A_185 : memref<1x96xi32, #tpu.memory_space<vmem>> -> memref<96xi32, #tpu.memory_space<vmem>>
    %dma_wait3A_187 = arith.constant 0 : i32
    %dma_wait3A_188 = tpu.memref_slice %arg20[%dma_wait3A_187] : memref<10240xf32, #tpu.memory_space<vmem_shared>> -> memref<10240xf32, #tpu.memory_space<vmem_shared>>
    tpu.wait_indirect_dma semaphore(%arg24 : memref<!tpu.dma_semaphore, #tpu.memory_space<semaphore_mem>>) src(%dma_wait3A_183 : memref<96xf32, #tpu.memory_space<vmem>>) dst(%dma_wait3A_188 : memref<10240xf32, #tpu.memory_space<vmem_shared>>)
    %dma_wait3A_189 = arith.constant 1 : i32
    %dma_wait3A_190 = arith.constant 1 : i32
    %dma_wait3A_191 = arith.constant 0 : i32
    %dma_wait3A_192 = arith.constant 0 : i32
    %dma_wait3A_193 = tpu.memref_slice %arg12[%dma_wait3A_189, %dma_wait3A_191, %dma_wait3A_192] : memref<2x96x128xf32, #tpu.memory_space<vmem>> -> memref<1x96x128xf32, #tpu.memory_space<vmem>>
    %dma_wait3A_194 = tpu.memref_squeeze %dma_wait3A_193 : memref<1x96x128xf32, #tpu.memory_space<vmem>> -> memref<96x128xf32, #tpu.memory_space<vmem>>
    %dma_wait3A_195 = arith.constant 0 : i32
    %dma_wait3A_196 = tpu.memref_slice %arg16[%dma_wait3A_190, %dma_wait3A_195] : memref<2x96xi32, #tpu.memory_space<vmem>> -> memref<1x96xi32, #tpu.memory_space<vmem>>
    %dma_wait3A_197 = tpu.memref_squeeze %dma_wait3A_196 : memref<1x96xi32, #tpu.memory_space<vmem>> -> memref<96xi32, #tpu.memory_space<vmem>>
    %dma_wait3A_198 = arith.constant 0 : i32
    %dma_wait3A_199 = arith.constant 0 : i32
    %dma_wait3A_200 = tpu.memref_slice %arg19[%dma_wait3A_198, %dma_wait3A_199] : memref<10240x128xf32, #tpu.memory_space<vmem_shared>> -> memref<10240x128xf32, #tpu.memory_space<vmem_shared>>
    tpu.wait_indirect_dma semaphore(%arg22 : memref<!tpu.dma_semaphore, #tpu.memory_space<semaphore_mem>>) src(%dma_wait3A_194 : memref<96x128xf32, #tpu.memory_space<vmem>>) dst(%dma_wait3A_200 : memref<10240x128xf32, #tpu.memory_space<vmem_shared>>)
    %dma_wait3A_201 = arith.constant 1 : i32
    %dma_wait3A_202 = arith.constant 1 : i32
    %dma_wait3A_203 = arith.constant 0 : i32
    %dma_wait3A_204 = tpu.memref_slice %arg13[%dma_wait3A_201, %dma_wait3A_203] : memref<2x96xf32, #tpu.memory_space<vmem>> -> memref<1x96xf32, #tpu.memory_space<vmem>>
    %dma_wait3A_205 = tpu.memref_squeeze %dma_wait3A_204 : memref<1x96xf32, #tpu.memory_space<vmem>> -> memref<96xf32, #tpu.memory_space<vmem>>
    %dma_wait3A_206 = arith.constant 0 : i32
    %dma_wait3A_207 = tpu.memref_slice %arg16[%dma_wait3A_202, %dma_wait3A_206] : memref<2x96xi32, #tpu.memory_space<vmem>> -> memref<1x96xi32, #tpu.memory_space<vmem>>
    %dma_wait3A_208 = tpu.memref_squeeze %dma_wait3A_207 : memref<1x96xi32, #tpu.memory_space<vmem>> -> memref<96xi32, #tpu.memory_space<vmem>>
    %dma_wait3A_209 = arith.constant 0 : i32
    %dma_wait3A_210 = tpu.memref_slice %arg20[%dma_wait3A_209] : memref<10240xf32, #tpu.memory_space<vmem_shared>> -> memref<10240xf32, #tpu.memory_space<vmem_shared>>
    tpu.wait_indirect_dma semaphore(%arg24 : memref<!tpu.dma_semaphore, #tpu.memory_space<semaphore_mem>>) src(%dma_wait3A_205 : memref<96xf32, #tpu.memory_space<vmem>>) dst(%dma_wait3A_210 : memref<10240xf32, #tpu.memory_space<vmem_shared>>)
    %barrier3A_211 = arith.constant 0 : index
    tpu.barrier barrier_id(%barrier3A_211)
    %mul3A_212 = arith.constant 640 : i32
    %mul3A_213 = arith.muli %arg1, %mul3A_212 : i32
    %mul3A_214 = arith.constant 640 : i32
    %mul3A_215 = arith.muli %arg1, %mul3A_214 : i32
    "tpu.region"() ({
      %run_scoped3A = tpu.sem_alloc : memref<!tpu.dma_semaphore, #tpu.memory_space<semaphore_mem>>
      %dma_start3A_220 = arith.constant 0 : i32
      %dma_start3A_221 = tpu.memref_slice %arg7[%arg0, %mul3A_215, %dma_start3A_220] : memref<2x10240x128xf32, #tpu.memory_space<hbm>> -> memref<1x640x128xf32, #tpu.memory_space<hbm>>
      %dma_start3A_222 = tpu.memref_squeeze %dma_start3A_221 : memref<1x640x128xf32, #tpu.memory_space<hbm>> -> memref<640x128xf32, #tpu.memory_space<hbm>>
      %dma_start3A_223 = arith.constant 0 : i32
      %dma_start3A_224 = tpu.memref_slice %arg19[%mul3A_213, %dma_start3A_223] : memref<10240x128xf32, #tpu.memory_space<vmem_shared>> -> memref<640x128xf32, #tpu.memory_space<vmem_shared>>
      tpu.enqueue_dma source(%dma_start3A_224 : memref<640x128xf32, #tpu.memory_space<vmem_shared>>) target(%dma_start3A_222 : memref<640x128xf32, #tpu.memory_space<hbm>>) target_semaphore(%run_scoped3A : memref<!tpu.dma_semaphore, #tpu.memory_space<semaphore_mem>>)
      %dma_wait3A_225 = arith.constant 0 : i32
      %dma_wait3A_226 = tpu.memref_slice %arg7[%arg0, %mul3A_215, %dma_wait3A_225] : memref<2x10240x128xf32, #tpu.memory_space<hbm>> -> memref<1x640x128xf32, #tpu.memory_space<hbm>>
      %dma_wait3A_227 = tpu.memref_squeeze %dma_wait3A_226 : memref<1x640x128xf32, #tpu.memory_space<hbm>> -> memref<640x128xf32, #tpu.memory_space<hbm>>
      %dma_wait3A_228 = arith.constant 0 : i32
      %dma_wait3A_229 = tpu.memref_slice %arg19[%mul3A_213, %dma_wait3A_228] : memref<10240x128xf32, #tpu.memory_space<vmem_shared>> -> memref<640x128xf32, #tpu.memory_space<vmem_shared>>
      tpu.wait_dma2 semaphore(%run_scoped3A : memref<!tpu.dma_semaphore, #tpu.memory_space<semaphore_mem>>) src(%dma_wait3A_229 : memref<640x128xf32, #tpu.memory_space<vmem_shared>>) dst(%dma_wait3A_227 : memref<640x128xf32, #tpu.memory_space<hbm>>)
      tpu.yield
    }) : () -> ()
    %mul3A_216 = arith.constant 640 : i32
    %mul3A_217 = arith.muli %arg1, %mul3A_216 : i32
    %mul3A_218 = arith.constant 640 : i32
    %mul3A_219 = arith.muli %arg1, %mul3A_218 : i32
    "tpu.region"() ({
      %run_scoped3A = tpu.sem_alloc : memref<!tpu.dma_semaphore, #tpu.memory_space<semaphore_mem>>
      %dma_start3A_220 = tpu.memref_slice %arg8[%arg0, %mul3A_219] : memref<2x10240xf32, #tpu.memory_space<hbm>> -> memref<1x640xf32, #tpu.memory_space<hbm>>
      %dma_start3A_221 = tpu.memref_squeeze %dma_start3A_220 : memref<1x640xf32, #tpu.memory_space<hbm>> -> memref<640xf32, #tpu.memory_space<hbm>>
      %dma_start3A_222 = tpu.memref_slice %arg20[%mul3A_217] : memref<10240xf32, #tpu.memory_space<vmem_shared>> -> memref<640xf32, #tpu.memory_space<vmem_shared>>
      tpu.enqueue_dma source(%dma_start3A_222 : memref<640xf32, #tpu.memory_space<vmem_shared>>) target(%dma_start3A_221 : memref<640xf32, #tpu.memory_space<hbm>>) target_semaphore(%run_scoped3A : memref<!tpu.dma_semaphore, #tpu.memory_space<semaphore_mem>>)
      %dma_wait3A_223 = tpu.memref_slice %arg8[%arg0, %mul3A_219] : memref<2x10240xf32, #tpu.memory_space<hbm>> -> memref<1x640xf32, #tpu.memory_space<hbm>>
      %dma_wait3A_224 = tpu.memref_squeeze %dma_wait3A_223 : memref<1x640xf32, #tpu.memory_space<hbm>> -> memref<640xf32, #tpu.memory_space<hbm>>
      %dma_wait3A_225 = tpu.memref_slice %arg20[%mul3A_217] : memref<10240xf32, #tpu.memory_space<vmem_shared>> -> memref<640xf32, #tpu.memory_space<vmem_shared>>
      tpu.wait_dma2 semaphore(%run_scoped3A : memref<!tpu.dma_semaphore, #tpu.memory_space<semaphore_mem>>) src(%dma_wait3A_225 : memref<640xf32, #tpu.memory_space<vmem_shared>>) dst(%dma_wait3A_224 : memref<640xf32, #tpu.memory_space<hbm>>)
      tpu.yield
    }) : () -> ()
    return
  }
}

module attributes {stable_mosaic.version = 14 : i64} {
  func.func @_tc_front(%arg0: memref<10240x128xf32, #tpu.memory_space<vmem>>, %arg1: memref<128x128xf32, #tpu.memory_space<vmem>>, %arg2: memref<1x256xf32, #tpu.memory_space<vmem>>, %arg3: memref<10240x128xf32, #tpu.memory_space<vmem>>, %arg4: memref<10240x1xf32, #tpu.memory_space<vmem>>, %arg5: memref<10240x1xf32, #tpu.memory_space<vmem>>, %arg6: memref<1x128xf32, #tpu.memory_space<vmem>>) attributes {dimension_semantics = [], scalar_prefetch = 0 : i64, scratch_operands = 0 : i64, tpu.core_type = #tpu.core_type<tc>} {
    %get3A = arith.constant 0 : index
    %get3A_0 = arith.constant 0 : index
    %get3A_1 = vector.load %arg0[%get3A, %get3A_0] : memref<10240x128xf32, #tpu.memory_space<vmem>>, vector<10240x128xf32>
    %get3A_2 = arith.constant 0 : index
    %get3A_3 = arith.constant 0 : index
    %get3A_4 = vector.load %arg1[%get3A_2, %get3A_3] : memref<128x128xf32, #tpu.memory_space<vmem>>, vector<128x128xf32>
    %dot_general3A = arith.constant dense<0.000000e+00> : vector<10240x128xf32>
    %dot_general3A_5 = tpu.matmul %get3A_1, %get3A_4, %dot_general3A {dimension_numbers = #tpu.dot_dimension_numbers<[1], [1], [0], [0], [0, 0, 1, 0], [], []>, transpose_lhs_hint = false} : vector<10240x128xf32>, vector<128x128xf32>, vector<10240x128xf32> -> vector<10240x128xf32>
    %swap3A = arith.constant 0 : index
    %swap3A_6 = arith.constant 0 : index
    %swap3A_7 = vector.load %arg3[%swap3A, %swap3A_6] : memref<10240x128xf32, #tpu.memory_space<vmem>>, vector<10240x128xf32>
    tpu.vector_store %arg3[%swap3A, %swap3A_6], %dot_general3A_5 {strides = array<i32>} : memref<10240x128xf32, #tpu.memory_space<vmem>>, vector<10240x128xf32>,
    %get3A_8 = arith.constant 0 : index
    %get3A_9 = arith.constant 0 : index
    %get3A_10 = vector.load %arg2[%get3A_8, %get3A_9] : memref<1x256xf32, #tpu.memory_space<vmem>>, vector<1x256xf32>
    %slice3A = vector.extract_strided_slice %get3A_10 {offsets = [0, 0], sizes = [1, 128], strides = [1, 1]} : vector<1x256xf32> to vector<1x128xf32>
    %slice3A_11 = vector.extract_strided_slice %get3A_10 {offsets = [0, 128], sizes = [1, 128], strides = [1, 1]} : vector<1x256xf32> to vector<1x128xf32>
    %dot_general3A_12 = arith.constant dense<0.000000e+00> : vector<10240x1xf32>
    %dot_general3A_13 = tpu.matmul %dot_general3A_5, %slice3A, %dot_general3A_12 {dimension_numbers = #tpu.dot_dimension_numbers<[1], [1], [0], [0], [0, 0, 1, 0], [], []>, transpose_lhs_hint = false} : vector<10240x128xf32>, vector<1x128xf32>, vector<10240x1xf32> -> vector<10240x1xf32>
    %dot_general3A_14 = arith.constant dense<0.000000e+00> : vector<10240x1xf32>
    %dot_general3A_15 = tpu.matmul %dot_general3A_5, %slice3A_11, %dot_general3A_14 {dimension_numbers = #tpu.dot_dimension_numbers<[1], [1], [0], [0], [0, 0, 1, 0], [], []>, transpose_lhs_hint = false} : vector<10240x128xf32>, vector<1x128xf32>, vector<10240x1xf32> -> vector<10240x1xf32>
    %swap3A_16 = arith.constant 0 : index
    %swap3A_17 = arith.constant 0 : index
    %swap3A_18 = vector.load %arg4[%swap3A_16, %swap3A_17] : memref<10240x1xf32, #tpu.memory_space<vmem>>, vector<10240x1xf32>
    tpu.vector_store %arg4[%swap3A_16, %swap3A_17], %dot_general3A_13 {strides = array<i32>} : memref<10240x1xf32, #tpu.memory_space<vmem>>, vector<10240x1xf32>,
    %swap3A_19 = arith.constant 0 : index
    %swap3A_20 = arith.constant 0 : index
    %swap3A_21 = vector.load %arg5[%swap3A_19, %swap3A_20] : memref<10240x1xf32, #tpu.memory_space<vmem>>, vector<10240x1xf32>
    tpu.vector_store %arg5[%swap3A_19, %swap3A_20], %dot_general3A_15 {strides = array<i32>} : memref<10240x1xf32, #tpu.memory_space<vmem>>, vector<10240x1xf32>,
    %reduce_max3A = vector.shape_cast %dot_general3A_13 : vector<10240x1xf32> to vector<1x10240x1xf32>
    %reduce_max3A_22 = arith.constant dense<0xFF800000> : vector<1xf32>
    %reduce_max3A_23 = vector.multi_reduction <maximumf>, %reduce_max3A, %reduce_max3A_22 [1, 2] : vector<1x10240x1xf32> to vector<1xf32>
    %reduce_max3A_24 = vector.shape_cast %reduce_max3A_23 : vector<1xf32> to vector<1x1x1xf32>
    %reduce_max3A_25 = vector.extract %reduce_max3A_24[0, 0, 0] : f32 from vector<1x1x1xf32>
    %reduce_max3A_26 = vector.shape_cast %dot_general3A_15 : vector<10240x1xf32> to vector<1x10240x1xf32>
    %reduce_max3A_27 = arith.constant dense<0xFF800000> : vector<1xf32>
    %reduce_max3A_28 = vector.multi_reduction <maximumf>, %reduce_max3A_26, %reduce_max3A_27 [1, 2] : vector<1x10240x1xf32> to vector<1xf32>
    %reduce_max3A_29 = vector.shape_cast %reduce_max3A_28 : vector<1xf32> to vector<1x1x1xf32>
    %reduce_max3A_30 = vector.extract %reduce_max3A_29[0, 0, 0] : f32 from vector<1x1x1xf32>
    %add3A = arith.addf %reduce_max3A_25, %reduce_max3A_30 : f32
    %broadcast_in_dim3A = vector.broadcast %add3A : f32 to vector<1x128xf32>
    %swap3A_31 = arith.constant 0 : index
    %swap3A_32 = arith.constant 0 : index
    %swap3A_33 = vector.load %arg6[%swap3A_31, %swap3A_32] : memref<1x128xf32, #tpu.memory_space<vmem>>, vector<1x128xf32>
    tpu.vector_store %arg6[%swap3A_31, %swap3A_32], %broadcast_in_dim3A {strides = array<i32>} : memref<1x128xf32, #tpu.memory_space<vmem>>, vector<1x128xf32>,
    return
  }
}

module attributes {stable_mosaic.version = 14 : i64} {
  func.func @_tc_combine(%arg0: memref<2x10240x128xf32, #tpu.memory_space<vmem>>, %arg1: memref<10240x2xf32, #tpu.memory_space<vmem>>, %arg2: memref<10240x128xf32, #tpu.memory_space<vmem>>) attributes {dimension_semantics = [], scalar_prefetch = 0 : i64, scratch_operands = 0 : i64, tpu.core_type = #tpu.core_type<tc>} {
    %get3A = arith.constant 0 : index
    %get3A_0 = arith.constant 0 : index
    %get3A_1 = arith.constant 0 : index
    %get3A_2 = vector.load %arg0[%get3A, %get3A_0, %get3A_1] : memref<2x10240x128xf32, #tpu.memory_space<vmem>>, vector<1x10240x128xf32>
    %get3A_3 = vector.shape_cast %get3A_2 : vector<1x10240x128xf32> to vector<10240x128xf32>
    %get3A_4 = arith.constant 1 : index
    %get3A_5 = arith.constant 0 : index
    %get3A_6 = arith.constant 0 : index
    %get3A_7 = vector.load %arg0[%get3A_4, %get3A_5, %get3A_6] : memref<2x10240x128xf32, #tpu.memory_space<vmem>>, vector<1x10240x128xf32>
    %get3A_8 = vector.shape_cast %get3A_7 : vector<1x10240x128xf32> to vector<10240x128xf32>
    %add3A = arith.addf %get3A_3, %get3A_8 : vector<10240x128xf32>
    %get3A_9 = arith.constant 0 : index
    %get3A_10 = arith.constant 0 : index
    %get3A_11 = vector.load %arg1[%get3A_9, %get3A_10] : memref<10240x2xf32, #tpu.memory_space<vmem>>, vector<10240x1xf32>
    %get3A_12 = arith.constant 0 : index
    %get3A_13 = arith.constant 1 : index
    %get3A_14 = vector.load %arg1[%get3A_12, %get3A_13] : memref<10240x2xf32, #tpu.memory_space<vmem>>, vector<10240x1xf32>
    %add3A_15 = arith.addf %get3A_11, %get3A_14 : vector<10240x1xf32>
    %gt3A = arith.constant 0.000000e+00 : f32
    %gt3A_16 = vector.broadcast %gt3A : f32 to vector<10240x1xf32>
    %gt3A_17 = arith.cmpf ogt, %add3A_15, %gt3A_16 : vector<10240x1xf32>
    %jit3A = arith.constant 1.000000e+00 : f32
    %broadcast_in_dim3A = vector.broadcast %jit3A : f32 to vector<10240x1xf32>
    %select_n3A = arith.select %gt3A_17, %add3A_15, %broadcast_in_dim3A : vector<10240x1xi1>, vector<10240x1xf32>
    %div3A = vector.broadcast %select_n3A : vector<10240x1xf32> to vector<10240x128xf32>
    %div3A_18 = arith.divf %add3A, %div3A : vector<10240x128xf32>
    %swap3A = arith.constant 0 : index
    %swap3A_19 = arith.constant 0 : index
    %swap3A_20 = vector.load %arg2[%swap3A, %swap3A_19] : memref<10240x128xf32, #tpu.memory_space<vmem>>, vector<10240x128xf32>
    tpu.vector_store %arg2[%swap3A, %swap3A_19], %div3A_18 {strides = array<i32>} : memref<10240x128xf32, #tpu.memory_space<vmem>>, vector<10240x128xf32>,
    return
  }
}

</mosaic_0001>

<sc_bundles>
// kernel: kernel.5.cloned.1.call-start
scs
__scs_entry_jumppad:
0x0: {  	(pc) =	sbr.rel $0x88, $3  }
0x1: {  	(tag) =	ssettag $0x0;
	lr =	simm.s32 $0x1  }
0x2: {  	[smem:$0x3F9D] =	sst lr;
	_ =	strace $0xD0000000  }
0x3: {  	_ = 	snop  }
0x4: {  	_ = 	snop  }
0x5: {  	_ = 	snop  }
0x6: {  	_ = 	snop  }
0x7: {  	_ = 	snop  }
__scs_overlays_trampoline_lowered:
0x8: {  	[smem:$0x3FAC] =	sst s0  }
0x9: {  	[smem:$0x3FAD] =	sst s1  }
0xa: {  	[smem:$0x3FAE] =	sst s2  }
0xb: {  	[smem:$0x3FAF] =	sst s3  }
0xc: {  	[smem:$0x3FB0] =	sst s4  }
0xd: {  	[smem:$0x3FB1] =	sst s5  }
0xe: {  	[smem:$0x3FB2] =	sst s6  }
0xf: {  	[smem:$0x3FB3] =	sst s7  }
0x10: {  	[smem:$0x3FB4] =	sst s8  }
0x11: {  	[smem:$0x3FB5] =	sst s9;
	s0 =	simm.s32 @!p0 $0x0  }
0x12: {  	s1 =	sld [smem:$0x3F9B];
	s0 =	simm.s32 @p0 $0x1  }
0x13: {  	[smem:$0x3FB6] =	sst s0;
	s0 =	simm.s32 @!p1 $0x0  }
0x14: {  	s2 =	sld [smem:$0x3F9A];
	s0 =	simm.s32 @p1 $0x1  }
0x15: {  	[smem:$0x3FB7] =	sst s0;
	s0 =	simm.s32 @!p2 $0x0  }
0x16: {  	s3 =	sld [smem:$0x3FDB];
	s0 =	simm.s32 @p2 $0x1  }
0x17: {  	s4 =	simm.s32 $0x1BF5;
	[smem:$0x3FB9] =	sst s0  }
0x18: {  	s0 =	sld [smem:$0x3F9C];
	_ =	swait.ge [sflag:s4], $0x0  }
0x19: {  	s7 =	sld [smem:$0x3F9D]  }
0x1a: {  	s8 =	sadd.s32 $0xFFFFE003, lr  }
0x1b: {  	s9 =	sadd.s32 $0xFFFFFEF7, lr;
	s5 =	simm.s32 $0xFFFFFFFF;
	p2 =	slt.u32 s8, $0xFFFFF086  }
0x1c: {  	p1 =	slt.u32 s9, $0xF7A;
	s5 =	simm.s32 @!p2 $0x0  }
0x1d: {  	s5 =	simm.s32 @p1 $0x1;
	p0 =	seq.s32 s7, s2  }
0x1e: {  	s7 =	smul.u32 @!p0 $0xF7A, s2;
	p2 =	seq.s32 @!p0 s5, $0x0  }
0x1f: {  	s9 =	smul.u32 $0xF7A, s1;
	s8 =	simm.s32 @!p0 $0x1BF5;
	p2 =	por !p2, p0  }
0x20: {  	[sflag:s8] =	ssyncset.s32 @!p0 $0xFFFFF086;
	s6 =	sadd.s32 @!p0 s3, s7;
	s7 =	simm.s32 @!p0 $0x108  }
0x21: {  	s3 =	sadd.s32 s3, s9;
	s6 =	sadd.s32 @!p0 $0x88, s6;
	s7 =	simm.s32 @p2 $0x1082  }
0x22: {  	[simem:s7], [sflag:s8] =	dma.local @!p0 [hbm:s6], $0xF7A  }
0x23: {  	s9 =	sor.u32 $0xD0000000, s2;
	s6 =	simm.s32 $0x108;
	_ =	swait.ge @!p0 [sflag:s8], $0x0  }
0x24: {  	s3 =	sadd.s32 $0x88, s3;
	s6 =	simm.s32 @!p1 $0x1082;
	[sflag:s4] =	ssyncset.s32 $0xFFFFF086  }
0x25: {  	[simem:s6], [sflag:s4] =	dma.local [hbm:s3], $0xF7A  }
0x26: {  	[smem:$0x3F9D] =	sst s1;
	(tag) =	ssettag s2;
	_ =	strace s9  }
0x27: {  	s1 =	sld [smem:$0x3FAD]  }
0x28: {  	s2 =	sld [smem:$0x3FAE]  }
0x29: {  	s4 =	sld [smem:$0x3FB0]  }
0x2a: {  	p0 =	seq.s32 s5, $0x0;
	s5 =	sld [smem:$0x3FB1]  }
0x2b: {  	s6 =	sld [smem:$0x3FB2]  }
0x2c: {  	s7 =	sld [smem:$0x3FB3]  }
0x2d: {  	s3 =	simm.s32 $0x108;
	s8 =	sld [smem:$0x3FB4]  }
0x2e: {  	s3 =	simm.s32 @!p0 $0x1082;
	s9 =	sld [smem:$0x3FB5]  }
0x2f: {  	lr =	sadd.s32 s0, s3;
	s0 =	sld [smem:$0x3FAC]  }
0x30: {  	s3 =	sld [smem:$0x3FAF]  }
0x31: {  	[smem:$0x3FB8] =	sst s10  }
0x32: {  	s10 =	sld [smem:$0x3FB6];
	_ =	sdelay $0x3  }
0x33: {  	p0 =	seq.s32 s10, $0x1;
	s10 =	sld [smem:$0x3FB8];
	_ =	sdelay $0x3  }
0x34: {  	[smem:$0x3FB8] =	sst s10  }
0x35: {  	s10 =	sld [smem:$0x3FB7];
	_ =	sdelay $0x3  }
0x36: {  	p1 =	seq.s32 s10, $0x1;
	s10 =	sld [smem:$0x3FB8];
	_ =	sdelay $0x3  }
0x37: {  	[smem:$0x3FB8] =	sst s10  }
0x38: {  	s10 =	sld [smem:$0x3FB9]  }
0x39: {  	_ = 	snop;
	(pc) =	sbr.ind lr, $3  }
0x3a: {  	_ = 	snop  }
0x3b: {  	_ = 	snop  }
0x3c: {  	p2 =	seq.s32 s10, $0x1;
	s10 =	sld [smem:$0x3FB8]  }
0x3d: {  	_ =	shalt  }
0x3e: {  	_ =	shalt  }
0x3f: {  	_ =	shalt  }
0x40: {  	_ =	shalt  }
0x41: {  	_ =	shalt  }
0x42: {  	_ =	shalt  }
0x43: {  	_ =	shalt  }
0x44: {  	_ =	shalt  }
0x45: {  	_ =	shalt  }
0x46: {  	_ =	shalt  }
0x47: {  	_ =	shalt  }
0x48: {  	_ =	shalt  }
0x49: {  	_ =	shalt  }
0x4a: {  	_ =	shalt  }
0x4b: {  	_ =	shalt  }
0x4c: {  	_ =	shalt  }
0x4d: {  	_ =	shalt  }
0x4e: {  	_ =	shalt  }
0x4f: {  	_ =	shalt  }
0x50: {  	_ =	shalt  }
0x51: {  	_ =	shalt  }
0x52: {  	_ =	shalt  }
0x53: {  	_ =	shalt  }
0x54: {  	_ =	shalt  }
0x55: {  	_ =	shalt  }
0x56: {  	_ =	shalt  }
0x57: {  	_ =	shalt  }
0x58: {  	_ =	shalt  }
0x59: {  	_ =	shalt  }
0x5a: {  	_ =	shalt  }
0x5b: {  	_ =	shalt  }
0x5c: {  	_ =	shalt  }
0x5d: {  	_ =	shalt  }
0x5e: {  	_ =	shalt  }
0x5f: {  	_ =	shalt  }
0x60: {  	_ =	shalt  }
0x61: {  	_ =	shalt  }
0x62: {  	_ =	shalt  }
0x63: {  	_ =	shalt  }
0x64: {  	_ =	shalt  }
0x65: {  	_ =	shalt  }
0x66: {  	_ =	shalt  }
0x67: {  	_ =	shalt  }
0x68: {  	_ =	shalt  }
0x69: {  	_ =	shalt  }
0x6a: {  	_ =	shalt  }
0x6b: {  	_ =	shalt  }
0x6c: {  	_ =	shalt  }
0x6d: {  	_ =	shalt  }
0x6e: {  	_ =	shalt  }
0x6f: {  	_ =	shalt  }
0x70: {  	_ =	shalt  }
0x71: {  	_ =	shalt  }
0x72: {  	_ =	shalt  }
0x73: {  	_ =	shalt  }
0x74: {  	_ =	shalt  }
0x75: {  	_ =	shalt  }
0x76: {  	_ =	shalt  }
0x77: {  	_ =	shalt  }
0x78: {  	_ =	shalt  }
0x79: {  	_ =	shalt  }
0x7a: {  	_ =	shalt  }
0x7b: {  	_ =	shalt  }
0x7c: {  	_ =	shalt  }
0x7d: {  	_ =	shalt  }
0x7e: {  	_ =	shalt  }
0x7f: {  	_ =	shalt  }
0x80: {  	_ =	shalt  }
0x81: {  	_ =	shalt  }
0x82: {  	_ =	shalt  }
0x83: {  	_ =	shalt  }
0x84: {  	_ =	shalt  }
0x85: {  	_ =	shalt  }
0x86: {  	_ =	shalt  }
0x87: {  	_ =	shalt  }
.Lfunc_end0:
.L_simem_size_0:
called_computation_lowered:
.L_overlay_start_0:
0x88: {  	s2 =	sld [smem:$0x3FD9]  }
0x89: {  	s3 =	sld [smem:$0x3FFE];
	_ =	sdelay $0x1  }
0x8a: {  	s1 =	srdreg.scid  }
0x8b: {  	s0 =	sand.u32 $0x1, s1  }
0x8c: {  	s17 =	sshll.u32 s0, $0xA;
	s2 =	sadd.s32 s3, s2  }
0x8d: {  	s2 =	sadd.s32 s2, s17  }
0x8e: {  	[smem:$0x3FC4] =	sst s2  }
0x8f: {  	_ = 	snop  }
0x90: {  	s2 =	sld [smem:$0x3FD0];
	(tm) =	ssettm $0x1  }
0x91: {  	s18 =	sld [smem:$0x3FFB];
	_ =	sdelay $0x3  }
0x92: {  	_ =	strace s18  }
0x93: {  	s3 =	sld [smem:$0x3FFC];
	_ =	sdelay $0x3  }
0x94: {  	_ =	strace s3  }
0x95: {  	s3 =	sld [smem:$0x3FFD];
	_ =	sdelay $0x3  }
0x96: {  	_ =	strace s3  }
0x97: {  	_ =	strace $0x8FFFFFFF  }
0x98: {  	s19 =	sld [smem:$0x3FDB];
	_ =	sdelay $0x1  }
0x99: {  	s4 =	simm.s32 $_scs_section_size  }
0x9a: {  	s5 =	simm.s32 $_size__tile_overlayer_lowered;
	s6 =	simm.s32 $_tile_overlayer_lowered  }
0x9b: {  	s22 =	simm.s32 $0x1BFF;
	s21 =	sshll.u32 s6, $0x1;
	s3 =	sadd.s32 s4, s19  }
0x9c: {  	s7 =	simm.s32 $0x0;
	s20 =	sshll.u32 s5, $0x1;
	s5 =	sadd.s32 s21, s3  }
0x9d: {  	[timem:s7], [sflag:s22] =	dma.local [hbm:s5], s20  }
0x9e: {  	_ =	swait.ge [sflag:s22], s20  }
0x9f: {  	s4 =	ssub.s32 $0x0, s20;
	[sflag:s22] =	ssyncset.done $0x0  }
0xa0: {  	[sflag:s22] =	ssyncadd.s32 s4;
	_ =	sdelay $0x1  }
0xa1: {  	s23 =	simm.s32 $0x1B8B  }
0xa2: {  	_ =	swait.ge [sflag:s23], $0x1  }
0xa3: {  	[sflag:s23] =	ssyncset.done $0x0  }
0xa4: {  	s25 =	simm.s32 $0x1B8E;
	s24 =	sld [smem:$0x3FFE];
	[sflag:s23] =	ssyncadd.s32 $0xFFFFFFFF  }
0xa5: {  	s26 =	simm.s32 $execute0_lowered;
	[smem:$0x3FD2] =	sst s25  }
0xa6: {  	s5 =	sshll.u32 s26, $0x1;
	_ =	strace $0x80000046;
	[dreg:$0x1] =	wrdreg $0xFFFFFFFF  }
0xa7: {  	s28 =	simm.s32 $_size_execute0_lowered;
	s3 =	sadd.s32 s3, s5;
	[dreg:$0x0] =	wrdreg $0x0  }
0xa8: {  	s5 =	sshll.u32 s28, $0x1;
	[dreg:$0x2] =	wrdreg s3  }
0xa9: {  	[dreg:$0x3] =	wrdreg s5  }
0xaa: {  	[dreg:$0x4] =	wrdreg $0xC0  }
0xab: {  	_ =	task [dreg:s7], $0x5FFFF  }
0xac: {  	[dreg:$0x1] =	wrdreg $0xFFFFFFFF  }
0xad: {  	[dreg:$0x0] =	wrdreg $0x60  }
0xae: {  	[dreg:$0x2] =	wrdreg s24  }
0xaf: {  	[dreg:$0x3] =	wrdreg s2  }
0xb0: {  	[dreg:$0x4] =	wrdreg $0xB8000  }
0xb1: {  	[dreg:$0x5] =	wrdreg $0x1F8000  }
0xb2: {  	[dreg:$0x6] =	wrdreg $0x9  }
0xb3: {  	_ =	task.clear_ibuf [dreg:s7], $0x7FFFF;
	_ =	strace $0x90000046  }
0xb4: {  	s29 =	simm.s32 $0x9;
	_ =	strace $0x80000048  }
0xb5: {  	_ =	swait.ge [sflag:s29], $0x1  }
0xb6: {  	[sflag:s29] =	ssyncadd.s32 $0xFFFFFFFF  }
0xb7: {  	_ =	strace $0x90000048  }
0xb8: {  	_ =	sfence  }
0xb9: {  	s30 =	sld [smem:$0x0];
	_ =	sdelay $0x2  }
0xba: {  	s31 =	sshll.u32 s1, $0xD;
	s1 =	sshrl.u32 s1, $0x2  }
0xbb: {  	s3 =	sand.u32 $0x4000, s31;
	s1 =	sadd.s32 s1, s30  }
0xbc: {  	s0 =	sor.u32 s3, s0;
	s1 =	sshll.u32 s1, $0x11  }
0xbd: {  	s0 =	sor.u32 s1, s0  }
0xbe: {  	s0 =	sadd.s32 $0x8F2B, s0  }
0xbf: {  	[sflag:s0] =	ssyncadd.remote.s32 $0x1  }
0xc0: {  	_ =	sfence.sel $0xFFFF  }
0xc1: {  	[dreg:$0x0] =	wrdreg $0xFFFFFFFF;
	(pc) =	sbr.abs _section_cstart, $3  }
0xc2: {  	[dreg:$0x1] =	wrdreg $0xFFFFFFFF  }
0xc3: {  	_ =	task.clear_ibuf [dreg:s7], $0x2FFFF;
	_ =	strace $0x9FFFFFFF  }
0xc4: {  	(tm) =	ssettm $0x7FFFFFFF  }
0xc5: {  	_ =	shalt  }
tec
execute0_lowered:
.L_overlay_start_1:
0x0: {  	(tag) =	ssettag $0x1  }
0x1: {  	s0 =	rddreg [dreg:$0x0]  }
0x2: {  	s1 =	rddreg [dreg:$0x1]  }
0x3: {  	s2 =	rddreg [dreg:$0x2]  }
0x4: {  	s3 =	rddreg [dreg:$0x3];
	s4 =	srdreg.scid  }
0x5: {  	s5 =	simm.s32 $0x0;
	s12 =	stileid.u32;
	s29 =	simm.s32 $0x5  }
0x6: {  	s30 =	simm.s32 $0x2800;
	s31 =	simm.s32 $0x3;
	s4 =	sand.u32 $0x1, s4  }
0x7: {  	[smem:$0x7FF] =	sst s5;
	s8 =	smul.u32 $0x14000, s12;
	s6 =	sadd.s32 $0x200, s0  }
0x8: {  	s9 =	sadd.s32 $0x28400, s0;
	s26 =	sadd.s32 $0x28A00, s0;
	s10 =	smul.u32 $0x500, s12  }
0x9: {  	s16 =	smul.u32 $0x50000, s12;
	_ =	strace $0x80000047;
	[dreg:$0x5] =	wrdreg s9  }
0xa: {  	s11 =	sadd.s32 $0x28200, s0;
	s17 =	smul.u32 $0xA00, s12;
	[dreg:$0x6] =	wrdreg s26  }
0xb: {  	s7 =	smul.u32 $0x140000, s4;
	[dreg:$0x7] =	wrdreg s11;
	s13 =	sshll.u32 s4, $0x7  }
0xc: {  	s14 =	ssub.s32 $0x2, s4;
	s11 =	smul.u32 $0x52, s12;
	p0 =	seq.s32 s4, $0x0  }
0xd: {  	s4 =	sshll.u32 s12, $0x7;
	s9 =	sshrl.u32 s16, $0x2;
	s16 =	simm.s32 $0x0  }
0xe: {  	s7 =	sadd.s32 s8, s7;
	s8 =	sor.u32 s13, s10;
	s10 =	sshrl.u32 s14, $0x1  }
0xf: {  	s12 =	sadd.s32 s9, s2;
	s9 =	simm.s32 $0x2;
	s7 =	sshrl.u32 s7, $0x3  }
0x10: {  	s8 =	sshrl.u32 s8, $0x3;
	s15 =	ssub.s32 s14, s10;
	s10 =	sor.u32 $0x800, s11  }
0x11: {  	s11 =	simm.s32 $0x80;
	s21 =	sadd.s32 $0x2000, s12;
	s22 =	sadd.s32 $0x4000, s12  }
0x12: {  	s23 =	sadd.s32 $0x6000, s12;
	s24 =	sadd.s32 $0x8000, s12;
	[dreg:$0xc] =	wrdreg s21  }
0x13: {  	s25 =	sadd.s32 $0xA000, s12;
	s26 =	sadd.s32 $0xC000, s12;
	[dreg:$0xd] =	wrdreg s22  }
0x14: {  	s28 =	sadd.s32 $0x12000, s12;
	s7 =	sadd.s32 s7, s0;
	[dreg:$0xe] =	wrdreg s23  }
0x15: {  	s0 =	sadd.s32 s8, s0;
	s10 =	smov.u32 @p0 s4;
	[dreg:$0xf] =	wrdreg s24  }
0x16: {  	s11 =	simm.s32 @!p0 $0x52;
	s4 =	sshrl.u32 s17, $0x2;
	[dreg:$0x10] =	wrdreg s25  }
0x17: {  	s20 =	smax.u32 s15, $0x1;
	[dreg:$0x11] =	wrdreg s26;
	s25 =	sadd.s32 $0xE000, s12  }
0x18: {  	s26 =	sadd.s32 $0x10000, s12;
	s8 =	simm.s32 $0x60;
	s15 =	simm.s32 $0x4  }
0x19: {  	s13 =	sshll.u32 s10, $0x5;
	s19 =	sadd.s32 $0x29A00, s7;
	[dreg:$0xb] =	wrdreg s20  }
0x1a: {  	s0 =	sadd.s32 $0x29000, s0;
	s13 =	sadd.s32 s1, s13;
	[dreg:$0x9] =	wrdreg s19  }
0x1b: {  	s14 =	sadd.s32 s4, s3;
	[dreg:$0xa] =	wrdreg s0;
	s18 =	sadd.s32 $0x20, s13  }
0x1c: {  	v0 =	vimm.f32 $0.0e+00;
	s7 =	simm.s32 $0x1;
	s0 =	simm.s32 $0x5080;
	[dreg:$0x8] =	wrdreg s18  }
.LBB2_1:
0x1d: {  	s4 =	rddreg [dreg:$0x5]  }
0x1e: {  	[tilespmem:s5], [sflag:$0x5] =	stream.linear.gather [hbm4b:s4+s5], $0x2800, $0x38;
	[tilespmem:$0x1FA80] =	vst v63  }
0x1f: {  	_ =	swait.ge [sflag:s29], $0x2800  }
0x20: {  	[sflag:s29] =	ssyncset.done $0x0  }
0x21: {  	s23 =	rddreg [dreg:$0x6];
	[sflag:s29] =	ssyncadd.s32 $0xFFFFD800  }
0x22: {  	[tilespmem:s30], [sflag:$0x5] =	stream.linear.gather [hbm4b:s23+s5], $0x2800, $0x38;
	[tilespmem:$0x1FA80] =	vst v63  }
0x23: {  	_ =	swait.ge [sflag:s29], $0x2800  }
0x24: {  	[sflag:s29] =	ssyncset.done $0x0  }
0x25: {  	s17 =	simm.s32 $0x5000;
	s24 =	rddreg [dreg:$0x7];
	[sflag:s29] =	ssyncadd.s32 $0xFFFFD800  }
0x26: {  	[tilespmem:s17], [sflag:$0x5] =	stream.linear.gather [hbm4b:s24+s5], $0x10, $0x38;
	[tilespmem:$0x1FA80] =	vst v63  }
0x27: {  	_ =	swait.ge [sflag:s29], $0x10  }
0x28: {  	[sflag:s29] =	ssyncset.done $0x0  }
0x29: {  	s18 =	simm.s32 $0x200;
	s17 =	simm.s32 $0x0;
	[sflag:s29] =	ssyncadd.s32 $0xFFFFFFF0  }
.LBB2_2:
0x2a: {  	p0 =	sne.s32 s18, $0x7E00;
	[tilespmem:s17+$0x50F0] =	vst v0  }
0x2b: {  	[tilespmem:s17+$0x5080] =	vst v0  }
0x2c: {  	[tilespmem:s17+$0x5090] =	vst v0  }
.Ltmp0:
0x2d: {  	[tilespmem:s17+$0x50A0] =	vst v0;
	(pc) =	sbr.rel @p0 .LBB2_2-.Ltmp0, $4  }
0x2e: {  	[tilespmem:s17+$0x50B0] =	vst v0  }
0x2f: {  	[tilespmem:s17+$0x50C0] =	vst v0  }
0x30: {  	[tilespmem:s17+$0x50D0] =	vst v0  }
0x31: {  	[tilespmem:s17+$0x50E0] =	vst v0;
	s17 =	sshra.s32 s18, $0x2;
	s18 =	sadd.s32 $0x200, s18  }
0x32: {  	[tilespmem:s17+$0x50F0] =	vst v0  }
0x33: {  	[tilespmem:s17+$0x5080] =	vst v0  }
0x34: {  	[tilespmem:s17+$0x5090] =	vst v0  }
0x35: {  	[tilespmem:s17+$0x50A0] =	vst v0  }
0x36: {  	[tilespmem:s17+$0x50B0] =	vst v0  }
0x37: {  	[tilespmem:s17+$0x50C0] =	vst v0  }
0x38: {  	[tilespmem:s17+$0x50D0] =	vst v0  }
0x39: {  	[tilespmem:s17+$0x50E0] =	vst v0  }
0x3a: {  	[tilespmem:$0xB580] =	vst v0  }
0x3b: {  	[tilespmem:$0xB590] =	vst v0  }
0x3c: {  	[tilespmem:$0xB5A0] =	vst v0  }
0x3d: {  	[tilespmem:$0xB5B0] =	vst v0  }
0x3e: {  	[tilespmem:$0xB5C0] =	vst v0  }
0x3f: {  	[tilespmem:$0xB5D0] =	vst v0  }
0x40: {  	[tilespmem:$0xB5E0] =	vst v0  }
0x41: {  	[tilespmem:$0xB5F0] =	vst v0  }
0x42: {  	[tilespmem:$0xB600] =	vst v0  }
0x43: {  	[tilespmem:$0xB610] =	vst v0  }
0x44: {  	[tilespmem:$0xB620] =	vst v0  }
0x45: {  	[tilespmem:$0xB630] =	vst v0  }
0x46: {  	[tilespmem:$0xB640] =	vst v0  }
0x47: {  	[tilespmem:$0xB650] =	vst v0  }
0x48: {  	[tilespmem:$0xB660] =	vst v0  }
0x49: {  	[tilespmem:$0xB670] =	vst v0  }
0x4a: {  	[tilespmem:$0xB680] =	vst v0  }
0x4b: {  	[tilespmem:$0xB690] =	vst v0  }
0x4c: {  	[tilespmem:$0xB6A0] =	vst v0  }
0x4d: {  	[tilespmem:$0xB6B0] =	vst v0  }
0x4e: {  	[tilespmem:$0xB6C0] =	vst v0  }
0x4f: {  	[tilespmem:$0xB6D0] =	vst v0  }
0x50: {  	[tilespmem:$0xB6E0] =	vst v0  }
0x51: {  	[tilespmem:$0xB6F0] =	vst v0  }
0x52: {  	[tilespmem:$0xB700] =	vst v0  }
0x53: {  	[tilespmem:$0xB710] =	vst v0  }
0x54: {  	[tilespmem:$0xB720] =	vst v0  }
0x55: {  	[tilespmem:$0xB730] =	vst v0  }
0x56: {  	[tilespmem:$0xB740] =	vst v0  }
0x57: {  	[tilespmem:$0xB750] =	vst v0  }
0x58: {  	[tilespmem:$0xB760] =	vst v0  }
0x59: {  	[tilespmem:$0xB770] =	vst v0  }
0x5a: {  	[tilespmem:$0xB780] =	vst v0  }
0x5b: {  	[tilespmem:$0xB790] =	vst v0  }
0x5c: {  	[tilespmem:$0xB7A0] =	vst v0  }
0x5d: {  	[tilespmem:$0xB7B0] =	vst v0  }
0x5e: {  	[tilespmem:$0xB7C0] =	vst v0  }
0x5f: {  	[tilespmem:$0xB7D0] =	vst v0  }
0x60: {  	[tilespmem:$0xB7E0] =	vst v0  }
0x61: {  	[tilespmem:$0xB7F0] =	vst v0  }
0x62: {  	[spmem:s12] =	stream.linear.scatter [tilespmem:s0], [sflag:$0x5], $0x2000, $0x38;
	[tilespmem:$0x1FA80] =	vst v63  }
0x63: {  	_ =	swait.ge [sflag:s29], $0x2000  }
0x64: {  	[sflag:s29] =	ssyncset.done $0x0  }
0x65: {  	s4 =	rddreg [dreg:$0xc];
	[sflag:s29] =	ssyncadd.s32 $0xFFFFE000  }
0x66: {  	[spmem:s4] =	stream.linear.scatter [tilespmem:s0], [sflag:$0x5], $0x2000, $0x38;
	[tilespmem:$0x1FA80] =	vst v63  }
0x67: {  	_ =	swait.ge [sflag:s29], $0x2000  }
0x68: {  	[sflag:s29] =	ssyncset.done $0x0  }
0x69: {  	s22 =	rddreg [dreg:$0xd];
	[sflag:s29] =	ssyncadd.s32 $0xFFFFE000  }
0x6a: {  	[spmem:s22] =	stream.linear.scatter [tilespmem:s0], [sflag:$0x5], $0x2000, $0x38;
	[tilespmem:$0x1FA80] =	vst v63  }
0x6b: {  	_ =	swait.ge [sflag:s29], $0x2000  }
0x6c: {  	[sflag:s29] =	ssyncset.done $0x0  }
0x6d: {  	s23 =	rddreg [dreg:$0xe];
	[sflag:s29] =	ssyncadd.s32 $0xFFFFE000  }
0x6e: {  	[spmem:s23] =	stream.linear.scatter [tilespmem:s0], [sflag:$0x5], $0x2000, $0x38;
	[tilespmem:$0x1FA80] =	vst v63  }
0x6f: {  	_ =	swait.ge [sflag:s29], $0x2000  }
0x70: {  	[sflag:s29] =	ssyncset.done $0x0  }
0x71: {  	s24 =	rddreg [dreg:$0xf];
	[sflag:s29] =	ssyncadd.s32 $0xFFFFE000  }
0x72: {  	[spmem:s24] =	stream.linear.scatter [tilespmem:s0], [sflag:$0x5], $0x2000, $0x38;
	[tilespmem:$0x1FA80] =	vst v63  }
0x73: {  	_ =	swait.ge [sflag:s29], $0x2000  }
0x74: {  	[sflag:s29] =	ssyncset.done $0x0  }
0x75: {  	s17 =	rddreg [dreg:$0x10];
	[sflag:s29] =	ssyncadd.s32 $0xFFFFE000  }
0x76: {  	[spmem:s17] =	stream.linear.scatter [tilespmem:s0], [sflag:$0x5], $0x2000, $0x38;
	[tilespmem:$0x1FA80] =	vst v63  }
0x77: {  	_ =	swait.ge [sflag:s29], $0x2000  }
0x78: {  	[sflag:s29] =	ssyncset.done $0x0  }
0x79: {  	s18 =	rddreg [dreg:$0x11];
	[sflag:s29] =	ssyncadd.s32 $0xFFFFE000  }
0x7a: {  	[spmem:s18] =	stream.linear.scatter [tilespmem:s0], [sflag:$0x5], $0x2000, $0x38;
	[tilespmem:$0x1FA80] =	vst v63  }
0x7b: {  	_ =	swait.ge [sflag:s29], $0x2000  }
0x7c: {  	[sflag:s29] =	ssyncset.done $0x0  }
0x7d: {  	[sflag:s29] =	ssyncadd.s32 $0xFFFFE000  }
0x7e: {  	[spmem:s25] =	stream.linear.scatter [tilespmem:s0], [sflag:$0x5], $0x2000, $0x38;
	[tilespmem:$0x1FA80] =	vst v63  }
0x7f: {  	_ =	swait.ge [sflag:s29], $0x2000  }
0x80: {  	[sflag:s29] =	ssyncset.done $0x0  }
0x81: {  	[sflag:s29] =	ssyncadd.s32 $0xFFFFE000  }
0x82: {  	[spmem:s26] =	stream.linear.scatter [tilespmem:s0], [sflag:$0x5], $0x2000, $0x38;
	[tilespmem:$0x1FA80] =	vst v63  }
0x83: {  	_ =	swait.ge [sflag:s29], $0x2000  }
0x84: {  	[sflag:s29] =	ssyncset.done $0x0  }
0x85: {  	[sflag:s29] =	ssyncadd.s32 $0xFFFFE000  }
0x86: {  	[spmem:s28] =	stream.linear.scatter [tilespmem:s0], [sflag:$0x5], $0x2000, $0x38;
	[tilespmem:$0x1FA80] =	vst v63  }
0x87: {  	_ =	swait.ge [sflag:s29], $0x2000  }
0x88: {  	[sflag:s29] =	ssyncset.done $0x0  }
0x89: {  	s19 =	simm.s32 $0xB580;
	[sflag:s29] =	ssyncadd.s32 $0xFFFFE000  }
0x8a: {  	[spmem:s14] =	stream.linear.scatter [tilespmem:s19], [sflag:$0x5], $0x280, $0x38;
	[tilespmem:$0x1FA80] =	vst v63  }
0x8b: {  	_ =	swait.ge [sflag:s29], $0x280  }
0x8c: {  	[sflag:s29] =	ssyncset.done $0x0  }
0x8d: {  	[sflag:s29] =	ssyncadd.s32 $0xFFFFFD80  }
0x8e: {  	s20 =	simm.s32 $0xB180;
	s17 =	simm.s32 $0x0;
	[bflag:$0x0] =	sbarrier.arrive $0xFFFF  }
0x8f: {  	v1 =	vld [tilespmem:$0x5000];
	[tilespmem:s20], [sflag:$0x3] =	stream.linear.gather [hbm4b:s13+s17], $0x100, $0x38  }
0x90: {  	_ =	swait.ge [sflag:s31], $0x100  }
0x91: {  	[sflag:s31] =	ssyncset.done $0x0  }
0x92: {  	[sflag:s31] =	ssyncadd.s32 $0xFFFFFF00  }
0x93: {  	v2 =	vld [tilespmem:$0xB180]  }
0x94: {  	v3 =	vld [tilespmem:$0xB190]  }
0x95: {  	v4 =	vld [tilespmem:$0xB1A0]  }
0x96: {  	v5 =	vld [tilespmem:$0xB1B0]  }
0x97: {  	v6 =	vld [tilespmem:$0xB1C0]  }
0x98: {  	[tilespmem:$0xB500] =	vst v2;
	v2 =	vld [tilespmem:$0xB1D0]  }
0x99: {  	[tilespmem:$0xB510] =	vst v3  }
0x9a: {  	[tilespmem:$0xB520] =	vst v4  }
0x9b: {  	[tilespmem:$0xB530] =	vst v5  }
0x9c: {  	[tilespmem:$0xB540] =	vst v6  }
0x9d: {  	s21 =	simm.s32 $0x30;
	s18 =	simm.s32 $0xB500;
	[tilespmem:$0xB550] =	vst v2  }
0x9e: {  	[tilespmem:s0], [sflag:$0x1] =	stream.indirect.gather [hbm4b:s6+s21], $0x80, s18, s21, $0xb8;
	[tilespmem:$0x1FA80] =	vst v63  }
0x9f: {  	s22 =	simm.s32 $0xB530;
	s19 =	simm.s32 $0x6880  }
0xa0: {  	[tilespmem:s19], [sflag:$0x1] =	stream.indirect.gather [hbm4b:s6+s21], $0x80, s22, s21, $0xb8;
	[tilespmem:$0x1FA80] =	vst v63  }
0xa1: {  	p0 =	por $0x0, $0x0;
	s24 =	simm.s32 $0xB280;
	s23 =	rddreg [dreg:$0x8]  }
0xa2: {  	[tilespmem:s24], [sflag:$0x3] =	stream.linear.gather [hbm4b:s23+s17], $0x100, $0x38;
	[tilespmem:$0x1FA80] =	vst v63  }
.LBB2_4:
0xa3: {  	_ =	swait.ge [sflag:s7], $0x1800  }
0xa4: {  	[sflag:s7] =	ssyncset.done $0x0  }
0xa5: {  	[sflag:s7] =	ssyncadd.s32 $0xFFFFE800  }
0xa6: {  	_ =	swait.ge [sflag:s7], $0x1800  }
0xa7: {  	s18 =	sand.u32 $0x1, s17;
	[sflag:s7] =	ssyncset.done $0x0  }
0xa8: {  	s19 =	sshll.u32 s18, $0x8;
	[sflag:s7] =	ssyncadd.s32 $0xFFFFE800  }
0xa9: {  	v2 =	vld [tilespmem:s19+$0xB180];
	_ =	sdelay $0x4  }
0xaa: {  	[tilespmem:$0xB380] =	vst v2  }
0xab: {  	v2 =	vld [tilespmem:s19+$0xB190];
	_ =	sdelay $0x4  }
0xac: {  	[tilespmem:$0xB390] =	vst v2  }
0xad: {  	v2 =	vld [tilespmem:s19+$0xB1A0];
	_ =	sdelay $0x4  }
0xae: {  	[tilespmem:$0xB3A0] =	vst v2  }
0xaf: {  	v2 =	vld [tilespmem:s19+$0xB1B0];
	_ =	sdelay $0x4  }
0xb0: {  	[tilespmem:$0xB3B0] =	vst v2  }
0xb1: {  	v2 =	vld [tilespmem:s19+$0xB1C0];
	_ =	sdelay $0x4  }
0xb2: {  	[tilespmem:$0xB3C0] =	vst v2  }
0xb3: {  	v2 =	vld [tilespmem:s19+$0xB1D0];
	_ =	sdelay $0x4  }
0xb4: {  	[tilespmem:$0xB3D0] =	vst v2  }
0xb5: {  	v2 =	vld [tilespmem:s19+$0xB200];
	_ =	sdelay $0x3  }
0xb6: {  	s20 =	sshll.u32 s18, $0x7  }
0xb7: {  	[tilespmem:s20+$0xB400] =	vst v2  }
0xb8: {  	v3 =	vld [tilespmem:s19+$0xB210];
	_ =	sdelay $0x4  }
0xb9: {  	[tilespmem:s20+$0xB410] =	vst v3  }
0xba: {  	v3 =	vld [tilespmem:s19+$0xB220];
	_ =	sdelay $0x4  }
0xbb: {  	[tilespmem:s20+$0xB420] =	vst v3  }
0xbc: {  	v3 =	vld [tilespmem:s19+$0xB230];
	_ =	sdelay $0x4  }
0xbd: {  	[tilespmem:s20+$0xB430] =	vst v3  }
0xbe: {  	v3 =	vld [tilespmem:s19+$0xB240];
	_ =	sdelay $0x4  }
0xbf: {  	[tilespmem:s20+$0xB440] =	vst v3  }
0xc0: {  	v3 =	vld [tilespmem:s19+$0xB250];
	_ =	sdelay $0x4  }
0xc1: {  	[tilespmem:s20+$0xB450] =	vst v3  }
0xc2: {  	v3 =	vld [tilespmem:$0xB380];
	_ =	sdelay $0x6  }
0xc3: {  	v2 =	vld.idx.msk [tilespmem:v2+s30+$0x0], $0xffff  }
0xc4: {  	v3 =	vld.idx.msk [tilespmem:v3+s5+$0x0], $0xffff;
	_ =	sdelay $0x4  }
0xc5: {  	v2 =	vadd.f32 v2, v3;
	_ =	sdelay $0x1  }
0xc6: {  	v3 =	vmul.f32 $9.999999770e-03, v2  }
0xc7: {  	vm0 =	vgt.f32 v2, $0.0e+00  }
0xc8: {  	v2 =	vsel vm0, v2, v3  }
0xc9: {  	v2 =	vsub.f32 v2, v1;
	_ =	sdelay $0x1  }
0xca: {  	v2 =	vmul.f32 $1.442695020e+00, v2;
	_ =	sdelay $0x1  }
0xcb: {  	(erf) = vpow2.f32 v2;
	_ =	sdelay $0x8  }
0xcc: {  	v2 =	vpop (erf)  }
0xcd: {  	v3 =	vld [tilespmem:s20+$0xB410];
	[tilespmem:s20+$0xB080] =	vst v2  }
0xce: {  	v2 =	vld [tilespmem:$0xB390];
	_ =	sdelay $0x6  }
0xcf: {  	v3 =	vld.idx.msk [tilespmem:v3+s30+$0x0], $0xffff  }
0xd0: {  	v2 =	vld.idx.msk [tilespmem:v2+s5+$0x0], $0xffff;
	_ =	sdelay $0x4  }
0xd1: {  	v2 =	vadd.f32 v3, v2;
	_ =	sdelay $0x1  }
0xd2: {  	v3 =	vmul.f32 $9.999999770e-03, v2  }
0xd3: {  	vm11 =	vgt.f32 v2, $0.0e+00  }
0xd4: {  	v2 =	vsel vm11, v2, v3  }
0xd5: {  	v2 =	vsub.f32 v2, v1;
	_ =	sdelay $0x1  }
0xd6: {  	v2 =	vmul.f32 $1.442695020e+00, v2;
	_ =	sdelay $0x1  }
0xd7: {  	(erf) = vpow2.f32 v2;
	_ =	sdelay $0x8  }
0xd8: {  	v2 =	vpop (erf)  }
0xd9: {  	v3 =	vld [tilespmem:s20+$0xB420];
	[tilespmem:s20+$0xB090] =	vst v2  }
0xda: {  	v2 =	vld [tilespmem:$0xB3A0];
	_ =	sdelay $0x6  }
0xdb: {  	v3 =	vld.idx.msk [tilespmem:v3+s30+$0x0], $0xffff  }
0xdc: {  	v2 =	vld.idx.msk [tilespmem:v2+s5+$0x0], $0xffff;
	_ =	sdelay $0x4  }
0xdd: {  	v2 =	vadd.f32 v3, v2;
	_ =	sdelay $0x1  }
0xde: {  	v3 =	vmul.f32 $9.999999770e-03, v2  }
0xdf: {  	vm12 =	vgt.f32 v2, $0.0e+00  }
0xe0: {  	v2 =	vsel vm12, v2, v3  }
0xe1: {  	v2 =	vsub.f32 v2, v1;
	_ =	sdelay $0x1  }
0xe2: {  	v2 =	vmul.f32 $1.442695020e+00, v2;
	_ =	sdelay $0x1  }
0xe3: {  	(erf) = vpow2.f32 v2;
	_ =	sdelay $0x8  }
0xe4: {  	v2 =	vpop (erf)  }
0xe5: {  	v3 =	vld [tilespmem:s20+$0xB430];
	[tilespmem:s20+$0xB0A0] =	vst v2  }
0xe6: {  	v2 =	vld [tilespmem:$0xB3B0];
	_ =	sdelay $0x6  }
0xe7: {  	v3 =	vld.idx.msk [tilespmem:v3+s30+$0x0], $0xffff  }
0xe8: {  	v2 =	vld.idx.msk [tilespmem:v2+s5+$0x0], $0xffff;
	_ =	sdelay $0x4  }
0xe9: {  	v2 =	vadd.f32 v3, v2;
	_ =	sdelay $0x1  }
0xea: {  	v3 =	vmul.f32 $9.999999770e-03, v2  }
0xeb: {  	vm13 =	vgt.f32 v2, $0.0e+00  }
0xec: {  	v2 =	vsel vm13, v2, v3  }
0xed: {  	v2 =	vsub.f32 v2, v1;
	_ =	sdelay $0x1  }
0xee: {  	v2 =	vmul.f32 $1.442695020e+00, v2;
	_ =	sdelay $0x1  }
0xef: {  	(erf) = vpow2.f32 v2;
	_ =	sdelay $0x8  }
0xf0: {  	v2 =	vpop (erf)  }
0xf1: {  	v3 =	vld [tilespmem:s20+$0xB440];
	[tilespmem:s20+$0xB0B0] =	vst v2  }
0xf2: {  	v2 =	vld [tilespmem:$0xB3C0];
	_ =	sdelay $0x6  }
0xf3: {  	v3 =	vld.idx.msk [tilespmem:v3+s30+$0x0], $0xffff  }
0xf4: {  	v2 =	vld.idx.msk [tilespmem:v2+s5+$0x0], $0xffff;
	_ =	sdelay $0x4  }
0xf5: {  	v2 =	vadd.f32 v3, v2;
	_ =	sdelay $0x1  }
0xf6: {  	v3 =	vmul.f32 $9.999999770e-03, v2  }
0xf7: {  	vm14 =	vgt.f32 v2, $0.0e+00  }
0xf8: {  	v2 =	vsel vm14, v2, v3  }
0xf9: {  	v2 =	vsub.f32 v2, v1;
	_ =	sdelay $0x1  }
0xfa: {  	v2 =	vmul.f32 $1.442695020e+00, v2;
	_ =	sdelay $0x1  }
0xfb: {  	(erf) = vpow2.f32 v2;
	_ =	sdelay $0x8  }
0xfc: {  	v2 =	vpop (erf)  }
0xfd: {  	v3 =	vld [tilespmem:s20+$0xB450];
	[tilespmem:s20+$0xB0C0] =	vst v2  }
0xfe: {  	v2 =	vld [tilespmem:$0xB3D0];
	_ =	sdelay $0x6  }
0xff: {  	v3 =	vld.idx.msk [tilespmem:v3+s30+$0x0], $0xffff  }
0x100: {  	v2 =	vld.idx.msk [tilespmem:v2+s5+$0x0], $0xffff;
	_ =	sdelay $0x4  }
0x101: {  	v2 =	vadd.f32 v3, v2;
	_ =	sdelay $0x1  }
0x102: {  	v3 =	vmul.f32 $9.999999770e-03, v2  }
0x103: {  	vm15 =	vgt.f32 v2, $0.0e+00  }
0x104: {  	v2 =	vsel vm15, v2, v3  }
0x105: {  	v2 =	vsub.f32 v2, v1;
	_ =	sdelay $0x1  }
0x106: {  	v2 =	vmul.f32 $1.442695020e+00, v2;
	_ =	sdelay $0x1  }
0x107: {  	(erf) = vpow2.f32 v2;
	_ =	sdelay $0x2  }
0x108: {  	s4 =	simm.s32 $0x0  }
0x109: {  	v2 =	vmov s4  }
0x10a: {  	s21 =	simm.s32 $0x1;
	v2 =	vand.u32 $0xFFFFFFFC, v2  }
0x10b: {  	s21 =	simm.s32 @!p0 $0x0;
	v2 =	vbroadcast v2, $0x0  }
0x10c: {  	s21 =	smul.u32 $0xC000, s21;
	_ =	sdelay $0x1  }
0x10d: {  	s19 =	sshrl.u32 s21, $0x2;
	v3 =	vpop (erf)  }
0x10e: {  	s24 =	sadd.s32 $0x5180, s19;
	[tilespmem:s20+$0xB0D0] =	vst v3  }
0x10f: {  	s19 =	sadd.s32 $0xB080, s20;
	v4 =	vld [tilespmem:s24+$0xFFFFFF70]  }
0x110: {  	v2 =	vld.idx.msk [tilespmem:v2+s19+$0x0], $0xffff  }
0x111: {  	v5 =	vld [tilespmem:s24+$0xFFFFFF00]  }
0x112: {  	v6 =	vld [tilespmem:s24+$0xFFFFFF20]  }
0x113: {  	v7 =	vld [tilespmem:s24+$0xFFFFFF30]  }
0x114: {  	v3 =	vld [tilespmem:s24+$0xFFFFFF50]  }
0x115: {  	v9 =	vld [tilespmem:s24+$0xFFFFFF10];
	v4 =	vmul.f32 v4, v2  }
0x116: {  	s22 =	simm.s32 $0x1;
	v8 =	vld [tilespmem:s24+$0xFFFFFF60];
	v5 =	vmul.f32 v5, v2  }
0x117: {  	v10 =	vld [tilespmem:s24+$0xFFFFFF40];
	v6 =	vmul.f32 v6, v2;
	[tilespmem:s24+$0xFFFFFF70] =	vst v4;
	v4 =	vmov s22  }
0x118: {  	v7 =	vmul.f32 v7, v2;
	[tilespmem:s24+$0xFFFFFF00] =	vst v5;
	v4 =	vand.u32 $0xFFFFFFFD, v4  }
0x119: {  	v3 =	vmul.f32 v3, v2;
	[tilespmem:s24+$0xFFFFFF20] =	vst v6;
	v4 =	vbroadcast v4, $0x0  }
0x11a: {  	v5 =	vmul.f32 v9, v2;
	[tilespmem:s24+$0xFFFFFF30] =	vst v7  }
0x11b: {  	v6 =	vmul.f32 v8, v2;
	[tilespmem:s24+$0xFFFFFF50] =	vst v3  }
0x11c: {  	v2 =	vmul.f32 v10, v2;
	[tilespmem:s24+$0xFFFFFF10] =	vst v5  }
0x11d: {  	[tilespmem:s24+$0xFFFFFF60] =	vst v6  }
0x11e: {  	[tilespmem:s24+$0xFFFFFF40] =	vst v2;
	v2 =	vld [tilespmem:s24+$0xFFFFFF80]  }
0x11f: {  	v4 =	vld.idx.msk [tilespmem:v4+s19+$0x0], $0xffff  }
0x120: {  	v3 =	vld [tilespmem:s24+$0xFFFFFFA0]  }
0x121: {  	v5 =	vld [tilespmem:s24+$0xFFFFFF90]  }
0x122: {  	v6 =	vld [tilespmem:s24+$0xFFFFFFD0]  }
0x123: {  	v7 =	vld [tilespmem:s24+$0xFFFFFFE0]  }
0x124: {  	v8 =	vld [tilespmem:s24+$0xFFFFFFF0];
	v2 =	vmul.f32 v2, v4  }
0x125: {  	s23 =	simm.s32 $0x2;
	v9 =	vld [tilespmem:s24+$0xFFFFFFB0];
	v3 =	vmul.f32 v3, v4  }
0x126: {  	v10 =	vld [tilespmem:s24+$0xFFFFFFC0];
	v5 =	vmul.f32 v5, v4;
	[tilespmem:s24+$0xFFFFFF80] =	vst v2;
	v2 =	vmov s23  }
0x127: {  	v6 =	vmul.f32 v6, v4;
	[tilespmem:s24+$0xFFFFFFA0] =	vst v3;
	v2 =	vand.u32 $0xFFFFFFFE, v2  }
0x128: {  	v3 =	vmul.f32 v7, v4;
	[tilespmem:s24+$0xFFFFFF90] =	vst v5;
	v7 =	vld [tilespmem:s24+$0x0];
	v11 =	vbroadcast v2, $0x0  }
0x129: {  	v5 =	vmul.f32 v8, v4;
	[tilespmem:s24+$0xFFFFFFD0] =	vst v6;
	v8 =	vld [tilespmem:s24+$0x30]  }
0x12a: {  	s18 =	smul.u32 $0xC000, s18;
	v6 =	vmul.f32 v9, v4;
	v2 =	vld [tilespmem:s24+$0x40];
	[tilespmem:s24+$0xFFFFFFE0] =	vst v3  }
0x12b: {  	v4 =	vmul.f32 v10, v4;
	v3 =	vld [tilespmem:s24+$0x70];
	[tilespmem:s24+$0xFFFFFFF0] =	vst v5  }
0x12c: {  	s18 =	sshrl.u32 s18, $0x2;
	[tilespmem:s24+$0xFFFFFFB0] =	vst v6;
	v5 =	vld [tilespmem:s24+$0x20]  }
0x12d: {  	s21 =	sadd.s32 $0x5080, s18;
	s18 =	smov.u32 s24;
	[tilespmem:s24+$0xFFFFFFC0] =	vst v4;
	v6 =	vld [tilespmem:s24+$0x10]  }
0x12e: {  	s20 =	sor.u32 $0xB400, s20;
	s22 =	simm.s32 $0x3;
	s23 =	simm.s32 $0x7;
	v4 =	vld.idx.msk [tilespmem:v11+s19+$0x0], $0xffff  }
.LBB2_5:
0x12f: {  	p1 =	sne.s32 s23, $0x5F  }
0x130: {  	v9 =	vld [tilespmem:s24+$0x50];
	s18 =	sadd.s32 $0x200, s18;
	s4 =	smov.u32 s23;
	s23 =	sadd.s32 $0x4, s23  }
0x131: {  	v10 =	vld [tilespmem:s24+$0x60];
	_ =	sdelay $0x1  }
0x132: {  	v7 =	vmul.f32 v7, v4;
	v6 =	vmul.f32 v6, v4  }
0x133: {  	v5 =	vmul.f32 v5, v4;
	v8 =	vmul.f32 v8, v4  }
0x134: {  	v2 =	vmul.f32 v2, v4;
	v3 =	vmul.f32 v3, v4;
	[tilespmem:s24+$0x0] =	vst v7  }
0x135: {  	[tilespmem:s24+$0x20] =	vst v5;
	v5 =	vmul.f32 v9, v4;
	v4 =	vmul.f32 v10, v4  }
0x136: {  	[tilespmem:s24+$0x30] =	vst v8;
	v7 =	vld [tilespmem:s24+$0x80]  }
0x137: {  	[tilespmem:s24+$0x60] =	vst v4;
	v4 =	vmov s22;
	v8 =	vld [tilespmem:s24+$0xD0];
	s22 =	smov.u32 s4  }
0x138: {  	[tilespmem:s24+$0x50] =	vst v5;
	v5 =	vld [tilespmem:s24+$0xE0]  }
0x139: {  	[tilespmem:s24+$0x40] =	vst v2;
	v9 =	vld [tilespmem:s24+$0xB0]  }
0x13a: {  	v2 =	vld [tilespmem:s18+$0x40];
	[tilespmem:s24+$0x70] =	vst v3  }
0x13b: {  	v3 =	vld [tilespmem:s18+$0x70];
	[tilespmem:s24+$0x10] =	vst v6  }
0x13c: {  	v4 =	vld.idx.msk [tilespmem:v4+s19+$0x0], $0xffff  }
0x13d: {  	v6 =	vld [tilespmem:s24+$0x90]  }
0x13e: {  	v10 =	vld [tilespmem:s24+$0xA0]  }
0x13f: {  	v11 =	vld [tilespmem:s24+$0xC0]  }
0x140: {  	v12 =	vld [tilespmem:s24+$0xF0];
	_ =	sdelay $0x1  }
0x141: {  	v7 =	vmul.f32 v7, v4;
	v6 =	vmul.f32 v6, v4  }
0x142: {  	s4 =	sadd.s32 $0xFFFFFFFD, s22;
	v9 =	vmul.f32 v9, v4;
	v10 =	vmul.f32 v10, v4  }
0x143: {  	v13 =	vmov s4;
	v8 =	vmul.f32 v8, v4;
	[tilespmem:s24+$0x80] =	vst v7;
	v7 =	vmul.f32 v11, v4  }
0x144: {  	v5 =	vmul.f32 v5, v4;
	v11 =	vand.u32 $0xFFFFFFFC, v13;
	[tilespmem:s24+$0x90] =	vst v6;
	v4 =	vmul.f32 v12, v4  }
0x145: {  	v6 =	vbroadcast v11, $0x0;
	[tilespmem:s24+$0xA0] =	vst v10  }
0x146: {  	[tilespmem:s24+$0xD0] =	vst v8  }
0x147: {  	v8 =	vld [tilespmem:s18+$0xFFFFFF50];
	[tilespmem:s24+$0xB0] =	vst v9  }
0x148: {  	v9 =	vld [tilespmem:s18+$0xFFFFFF30];
	[tilespmem:s24+$0xC0] =	vst v7  }
0x149: {  	v7 =	vld [tilespmem:s18+$0xFFFFFF60];
	[tilespmem:s24+$0xE0] =	vst v5  }
0x14a: {  	v5 =	vld [tilespmem:s18+$0xFFFFFF70];
	[tilespmem:s24+$0xF0] =	vst v4;
	s24 =	smov.u32 s18  }
0x14b: {  	v4 =	vld.idx.msk [tilespmem:v6+s19+$0x0], $0xffff  }
0x14c: {  	v6 =	vld [tilespmem:s18+$0xFFFFFF00]  }
0x14d: {  	v10 =	vld [tilespmem:s18+$0xFFFFFF20]  }
0x14e: {  	v11 =	vld [tilespmem:s18+$0xFFFFFF10]  }
0x14f: {  	v12 =	vld [tilespmem:s18+$0xFFFFFF40];
	_ =	sdelay $0x1  }
0x150: {  	v5 =	vmul.f32 v5, v4;
	v6 =	vmul.f32 v6, v4  }
0x151: {  	s4 =	sadd.s32 $0xFFFFFFFE, s22;
	v7 =	vmul.f32 v7, v4;
	v10 =	vmul.f32 v10, v4  }
0x152: {  	v9 =	vmul.f32 v9, v4;
	v11 =	vmul.f32 v11, v4;
	[tilespmem:s18+$0xFFFFFF70] =	vst v5;
	v5 =	vmov s4  }
0x153: {  	[tilespmem:s18+$0xFFFFFF00] =	vst v6;
	v6 =	vmul.f32 v12, v4;
	v4 =	vmul.f32 v8, v4;
	v5 =	vand.u32 $0xFFFFFFFD, v5  }
0x154: {  	[tilespmem:s18+$0xFFFFFF20] =	vst v10;
	v5 =	vbroadcast v5, $0x0  }
0x155: {  	[tilespmem:s18+$0xFFFFFF30] =	vst v9  }
0x156: {  	[tilespmem:s18+$0xFFFFFF50] =	vst v4;
	v4 =	vld [tilespmem:s18+$0xFFFFFFF0]  }
0x157: {  	[tilespmem:s18+$0xFFFFFF10] =	vst v11;
	v8 =	vld [tilespmem:s18+$0xFFFFFFD0]  }
0x158: {  	[tilespmem:s18+$0xFFFFFF60] =	vst v7;
	v7 =	vld [tilespmem:s18+$0xFFFFFFB0]  }
0x159: {  	[tilespmem:s18+$0xFFFFFF40] =	vst v6;
	v6 =	vld [tilespmem:s18+$0xFFFFFF90]  }
0x15a: {  	v5 =	vld.idx.msk [tilespmem:v5+s19+$0x0], $0xffff  }
0x15b: {  	v9 =	vld [tilespmem:s18+$0xFFFFFF80]  }
0x15c: {  	v10 =	vld [tilespmem:s18+$0xFFFFFFA0]  }
0x15d: {  	v11 =	vld [tilespmem:s18+$0xFFFFFFC0]  }
0x15e: {  	v12 =	vld [tilespmem:s18+$0xFFFFFFE0];
	_ =	sdelay $0x1  }
0x15f: {  	v6 =	vmul.f32 v6, v5;
	v9 =	vmul.f32 v9, v5  }
0x160: {  	s4 =	sadd.s32 $0xFFFFFFFF, s22;
	v7 =	vmul.f32 v7, v5;
	v10 =	vmul.f32 v10, v5  }
0x161: {  	v8 =	vmul.f32 v8, v5;
	[tilespmem:s18+$0xFFFFFF80] =	vst v9;
	v9 =	vmul.f32 v11, v5;
	v11 =	vmov s4  }
0x162: {  	v4 =	vmul.f32 v4, v5;
	[tilespmem:s18+$0xFFFFFFA0] =	vst v10;
	v10 =	vmul.f32 v12, v5;
	v5 =	vand.u32 $0xFFFFFFFE, v11  }
0x163: {  	[tilespmem:s18+$0xFFFFFF90] =	vst v6;
	v6 =	vbroadcast v5, $0x0  }
0x164: {  	[tilespmem:s18+$0xFFFFFFD0] =	vst v8  }
0x165: {  	[tilespmem:s18+$0xFFFFFFE0] =	vst v10  }
0x166: {  	[tilespmem:s18+$0xFFFFFFB0] =	vst v7  }
.Ltmp1:
0x167: {  	[tilespmem:s18+$0xFFFFFFF0] =	vst v4;
	v5 =	vld [tilespmem:s18+$0x20];
	(pc) =	sbr.rel @p1 .LBB2_5-.Ltmp1, $4  }
0x168: {  	[tilespmem:s18+$0xFFFFFFC0] =	vst v9;
	v7 =	vld [tilespmem:s18+$0x0]  }
0x169: {  	v4 =	vld.idx.msk [tilespmem:v6+s19+$0x0], $0xffff  }
0x16a: {  	v6 =	vld [tilespmem:s18+$0x10]  }
0x16b: {  	v8 =	vld [tilespmem:s18+$0x30]  }
0x16c: {  	_ =	sdelay $0x1  }
0x16d: {  	v7 =	vmul.f32 v7, v4  }
0x16e: {  	v9 =	vld [tilespmem:s24+$0x60];
	v5 =	vmul.f32 v5, v4  }
0x16f: {  	v10 =	vld [tilespmem:s24+$0x50];
	v2 =	vmul.f32 v2, v4;
	[tilespmem:s24+$0x0] =	vst v7  }
0x170: {  	v3 =	vmul.f32 v3, v4;
	[tilespmem:s24+$0x20] =	vst v5  }
0x171: {  	v55 =	vmul.f32 v6, v4;
	[tilespmem:s24+$0x40] =	vst v2  }
0x172: {  	v54 =	vmov s22;
	v8 =	vmul.f32 v8, v4;
	[tilespmem:s24+$0x70] =	vst v3  }
0x173: {  	v51 =	vmul.f32 v9, v4;
	[tilespmem:s24+$0x10] =	vst v55  }
0x174: {  	v52 =	vmul.f32 v10, v4;
	[tilespmem:s24+$0x30] =	vst v8  }
0x175: {  	[tilespmem:s24+$0x60] =	vst v51  }
0x176: {  	v53 =	vld [tilespmem:s24+$0x80];
	[tilespmem:s24+$0x50] =	vst v52  }
0x177: {  	v2 =	vld.idx.msk [tilespmem:v54+s19+$0x0], $0xffff  }
0x178: {  	v3 =	vld [tilespmem:s24+$0x90]  }
0x179: {  	v56 =	vld [tilespmem:s24+$0xA0]  }
0x17a: {  	v57 =	vld [tilespmem:s24+$0xD0]  }
0x17b: {  	v59 =	vld [tilespmem:s24+$0xC0]  }
0x17c: {  	v60 =	vld [tilespmem:s24+$0xE0];
	v8 =	vmul.f32 v53, v2  }
0x17d: {  	v58 =	vld [tilespmem:s24+$0xB0];
	v3 =	vmul.f32 v3, v2  }
0x17e: {  	v61 =	vld [tilespmem:s24+$0xF0];
	v4 =	vmul.f32 v56, v2;
	[tilespmem:s24+$0x80] =	vst v8  }
0x17f: {  	v5 =	vmul.f32 v57, v2;
	[tilespmem:s24+$0x90] =	vst v3  }
0x180: {  	v62 =	vmul.f32 v59, v2;
	[tilespmem:s24+$0xA0] =	vst v4  }
0x181: {  	v63 =	vmul.f32 v60, v2;
	[tilespmem:s24+$0xD0] =	vst v5  }
0x182: {  	v3 =	vmul.f32 v58, v2;
	[tilespmem:s24+$0xC0] =	vst v62  }
0x183: {  	v2 =	vmul.f32 v61, v2;
	[tilespmem:s24+$0xE0] =	vst v63  }
0x184: {  	s4 =	sadd.s32 $0x1, s17;
	[tilespmem:s24+$0xB0] =	vst v3  }
0x185: {  	p1 =	sge.u32 s4, s11;
	[tilespmem:s24+$0xF0] =	vst v2  }
0x186: {  	[spmem:s3] =	stream.indirect.scatter.add.f32 [tilespmem:s19], [sflag:$0x4], $0x1, s20, s8, $0xb8;
	[tilespmem:$0x1FA80] =	vst v63  }
0x187: {  	s18 =	simm.s32 @!p1 $0x3  }
0x188: {  	[spmem:s2] =	stream.indirect.scatter.add.f32 [tilespmem:s21], [sflag:$0x2], $0x80, s20, s8, $0xb8;
	[tilespmem:$0x1FA80] =	vst v63  }
0x189: {  	p2 =	seq.s32 @!p1 s17, $0x0;
	_ =	swait.ge @!p1 [sflag:s18], $0x100  }
0x18a: {  	p2 =	por p2, p1;
	[sflag:s18] =	ssyncset.done @!p1 $0x0  }
0x18b: {  	[sflag:s18] =	ssyncadd.s32 @!p1 $0xFFFFFF00;
	s18 =	simm.s32 @!p2 $0x2  }
0x18c: {  	_ =	swait.ge @!p2 [sflag:s18], $0x3000  }
0x18d: {  	[sflag:s18] =	ssyncset.done @!p2 $0x0  }
0x18e: {  	[sflag:s18] =	ssyncadd.s32 @!p2 $0xFFFFD000;
	s18 =	simm.s32 @!p2 $0x4  }
0x18f: {  	_ =	swait.ge @!p2 [sflag:s18], $0x60  }
0x190: {  	s19 =	sand.u32 @!p1 $0x1, s4;
	[sflag:s18] =	ssyncset.done @!p2 $0x0  }
0x191: {  	[sflag:s18] =	ssyncadd.s32 @!p2 $0xFFFFFFA0;
	s18 =	sshll.u32 @!p1 s19, $0x8  }
0x192: {  	v2 =	vld @!p1 [tilespmem:s18+$0xB180];
	_ =	sdelay $0x4  }
0x193: {  	[tilespmem:$0xB500] =	vst @!p1 v2  }
0x194: {  	v2 =	vld @!p1 [tilespmem:s18+$0xB190];
	_ =	sdelay $0x4  }
0x195: {  	[tilespmem:$0xB510] =	vst @!p1 v2  }
0x196: {  	v2 =	vld @!p1 [tilespmem:s18+$0xB1A0];
	_ =	sdelay $0x4  }
0x197: {  	[tilespmem:$0xB520] =	vst @!p1 v2  }
0x198: {  	v2 =	vld @!p1 [tilespmem:s18+$0xB1B0];
	_ =	sdelay $0x4  }
0x199: {  	[tilespmem:$0xB530] =	vst @!p1 v2  }
0x19a: {  	v2 =	vld @!p1 [tilespmem:s18+$0xB1C0];
	_ =	sdelay $0x4  }
0x19b: {  	[tilespmem:$0xB540] =	vst @!p1 v2  }
0x19c: {  	v2 =	vld @!p1 [tilespmem:s18+$0xB1D0];
	_ =	sdelay $0x1  }
0x19d: {  	s18 =	smul.u32 @!p1 $0xC000, s19;
	_ =	sdelay $0x1  }
0x19e: {  	s18 =	sshrl.u32 @!p1 s18, $0x2  }
0x19f: {  	s20 =	simm.s32 @!p1 $0x30;
	s21 =	simm.s32 @!p1 $0xB500;
	s19 =	sadd.s32 @!p1 $0x5080, s18;
	[tilespmem:$0xB550] =	vst @!p1 v2  }
0x1a0: {  	[tilespmem:s19], [sflag:$0x1] =	stream.indirect.gather @!p1 [hbm4b:s6+s20], $0x80, s21, s20, $0xb8;
	[tilespmem:$0x1FA80] =	vst v63  }
0x1a1: {  	s18 =	sadd.s32 @!p1 $0x6880, s18;
	s19 =	simm.s32 @!p1 $0xB530  }
0x1a2: {  	[tilespmem:s18], [sflag:$0x1] =	stream.indirect.gather @!p1 [hbm4b:s6+s20], $0x80, s19, s20, $0xb8;
	[tilespmem:$0x1FA80] =	vst v63  }
0x1a3: {  	s18 =	sadd.s32 @!p1 $0x2, s17  }
0x1a4: {  	p2 =	sge.u32 @!p1 s18, s11  }
0x1a5: {  	p1 =	por p2, p1  }
0x1a6: {  	s17 =	sshll.u32 @!p1 s17, $0x8;
	s18 =	sadd.s32 @!p1 s10, s18  }
0x1a7: {  	s17 =	sand.u32 @!p1 $0x100, s17;
	s18 =	sshll.u32 @!p1 s18, $0x5  }
0x1a8: {  	s19 =	simm.s32 @!p1 $0x0;
	s17 =	sadd.s32 @!p1 $0xB180, s17;
	s18 =	sadd.s32 @!p1 s1, s18  }
0x1a9: {  	[tilespmem:s17], [sflag:$0x3] =	stream.linear.gather @!p1 [hbm4b:s18+s19], $0x100, $0x38;
	[tilespmem:$0x1FA80] =	vst v63  }
0x1aa: {  	p1 =	sne.s32 s4, s11  }
.Ltmp2:
0x1ab: {  	_ = 	snop;
	(pc) =	sbr.rel @p1 .LBB2_4-.Ltmp2, $2  }
0x1ac: {  	_ =	sdelay $0x2  }
0x1ad: {  	p0 =	por !p0, !p0;
	s17 =	smov.u32 s4  }
0x1ae: {  	_ =	swait.ge [sflag:s9], $0x3000  }
0x1af: {  	[sflag:s9] =	ssyncset.done $0x0  }
0x1b0: {  	[sflag:s9] =	ssyncadd.s32 $0xFFFFD000  }
0x1b1: {  	_ =	swait.ge [sflag:s15], $0x60  }
0x1b2: {  	[sflag:s15] =	ssyncset.done $0x0  }
0x1b3: {  	[sflag:s15] =	ssyncadd.s32 $0xFFFFFFA0  }
0x1b4: {  	_ =	swait.ge [sflag:s9], $0x3000  }
0x1b5: {  	[sflag:s9] =	ssyncset.done $0x0  }
0x1b6: {  	[sflag:s9] =	ssyncadd.s32 $0xFFFFD000  }
0x1b7: {  	_ =	swait.ge [sflag:s15], $0x60  }
0x1b8: {  	[sflag:s15] =	ssyncset.done $0x0  }
0x1b9: {  	s4 =	stileid.u32;
	[sflag:s15] =	ssyncadd.s32 $0xFFFFFFA0  }
0x1ba: {  	s4 =	sshll.u32 s4, $0x6;
	[bflag:$0x0] =	sbarrier.arrive $0xFFFF  }
0x1bb: {  	s17 =	sshrl.u32 s12, $0x3;
	s4 =	sor.u32 $0x1C05, s4;
	s18 =	rddreg [dreg:$0x9]  }
0x1bc: {  	[hbm:s18], [sflag:s4] =	dma.local [spmem:s17], $0x2800  }
0x1bd: {  	_ =	swait.ge [sflag:s29], $0x2800  }
0x1be: {  	s22 =	sshrl.u32 s14, $0x3;
	s19 =	simm.s32 $0x20;
	[sflag:s29] =	ssyncset.done $0x0  }
0x1bf: {  	s20 =	simm.s32 $0x10;
	s23 =	rddreg [dreg:$0xa];
	[sflag:s29] =	ssyncadd.s32 $0xFFFFD800  }
0x1c0: {  	[hbm:s23@s19], [sflag:s4] =	dma.strided [spmem:s22@s20], $0x50, s7, $0x10   }
0x1c1: {  	_ =	swait.ge [sflag:s29], $0x50  }
0x1c2: {  	s16 =	sadd.s32 $0x1, s16;
	s24 =	rddreg [dreg:$0xb]  }
0x1c3: {  	p0 =	sne.s32 s16, s24  }
.Ltmp3:
0x1c4: {  	_ = 	snop;
	(pc) =	sbr.rel @p0 .LBB2_1-.Ltmp3, $3  }
0x1c5: {  	_ =	sdelay $0x1  }
0x1c6: {  	[sflag:s29] =	ssyncset.done $0x0  }
0x1c7: {  	[sflag:s29] =	ssyncadd.s32 $0xFFFFFFB0  }
0x1c8: {  	_ =	sfence.sel $0x180000  }
0x1c9: {  	[bflag:$0x0] =	sbarrier.arrive $0xFFFF  }
0x1ca: {  	_ =	strace $0x90000047  }
0x1cb: {  	s0 =	stileid.u32;
	[bflag:$0x2] =	sbarrier.arrive $0xFFFF  }
0x1cc: {  	p0 =	sne.s32 s0, $0x0;
	s0 =	rddreg [dreg:$0x4]  }
0x1cd: {  	s0 =	sadd.s32 @!p0 $0x100000, s0  }
0x1ce: {  	[sflag:s0] =	ssyncadd.tile.s32 @!p0 $0x1;
	_ =	shalt  }
.Lfunc_end2:
_tile_overlayer_lowered:
.L_overlay_start_2:
0x1cf: {  	(tag) =	ssettag $0x2  }
0x1d0: {  	s0 =	rddreg [dreg:$0x0];
	s2 =	stileid.u32  }
0x1d1: {  	s1 =	rddreg [dreg:$0x1];
	p0 =	sne.s32 s2, $0x0  }
0x1d2: {  	s3 =	rddreg [dreg:$0x2];
	[bflag:$0x3] =	sbarrier.arrive $0xFFFF;
	s2 =	simm.s32 @!p0 $0x1C05  }
0x1d3: {  	[timem:s3], [sflag:s2] =	dma.local @!p0 [hbm:s0], s1  }
0x1d4: {  	s0 =	simm.s32 @!p0 $0x5  }
0x1d5: {  	_ =	swait.ge @!p0 [sflag:s0], s1  }
0x1d6: {  	s1 =	ssub.s32 @!p0 $0x0, s1;
	[sflag:s0] =	ssyncset.done @!p0 $0x0  }
0x1d7: {  	[sflag:s0] =	ssyncadd.s32 @!p0 s1  }
0x1d8: {  	[bflag:$0x3] =	sbarrier.arrive $0xFFFF  }
0x1d9: {  	_ =	shalt  }

</sc_bundles>
